<compile_context>
chip_gen: v7x
topology: tpu7x:2x2x1
jax: 0.10.2.dev20260603
libtpu: 0.0.44.dev20260713+nightly
codegen_flags: <defaults>
</compile_context>

<pallas_src>
import jax
import jax.numpy as jnp
from jax import lax
from jax.experimental import pallas as pl
from jax.experimental.pallas import tpu as pltpu
from jax.experimental.pallas import tpu_sc as plsc

RB = 16


def _argmin_kernel(xb_ref, et_ref, idx_ref, flat_ref):
    cols = []
    fcols = []
    for c in range(4):
        xc = xb_ref[0, :, c, :]

        def dk(k):
            d = xc[:, k:k + 1] - et_ref[c, k]
            return d * d

        d2 = None
        for j in range(8):
            b = 8 * j
            p0 = dk(b + 0) + dk(b + 4)
            p2 = dk(b + 2) + dk(b + 6)
            p1 = dk(b + 1) + dk(b + 5)
            p3 = dk(b + 3) + dk(b + 7)
            v = (p0 + p2) + (p1 + p3)
            d2 = v if d2 is None else d2 + v
        s = jnp.sqrt(d2)
        mn = jnp.min(s, axis=1, keepdims=True)
        iota = jax.lax.broadcasted_iota(jnp.int32, s.shape, 1)
        idx = jnp.min(jnp.where(s == mn, iota, 1024), axis=1)
        cols.append(idx[:, None])
        fcols.append(idx[:, None] + (c * 1024))
    idx_ref[...] = jnp.concatenate(cols, axis=1)
    flat_ref[...] = jnp.concatenate(fcols, axis=1)


def _sc_gather(table, flat_idx):
    info = plsc.get_sparse_core_info()
    nw = info.num_cores * info.num_subcores
    n = flat_idx.shape[0]
    b_per_w = n // nw
    mesh = plsc.VectorSubcoreMesh(core_axis_name="c", subcore_axis_name="s")

    def k(table_hbm, idx_hbm, out_hbm, idx_v, rows_v, sem):
        wid = lax.axis_index("s") * info.num_cores + lax.axis_index("c")
        base = wid * b_per_w
        pltpu.sync_copy(idx_hbm.at[pl.ds(base, b_per_w)], idx_v)
        pltpu.async_copy(table_hbm.at[idx_v], rows_v, sem).wait()
        pltpu.sync_copy(rows_v, out_hbm.at[pl.ds(base, b_per_w)])

    return pl.kernel(
        k,
        mesh=mesh,
        out_type=jax.ShapeDtypeStruct((n, table.shape[1]), table.dtype),
        scratch_types=[
            pltpu.VMEM((b_per_w,), jnp.int32),
            pltpu.VMEM((b_per_w, table.shape[1]), table.dtype),
            pltpu.SemaphoreType.DMA,
        ],
    )(table, flat_idx)


def _assemble_kernel(idxf_ref, g_ref, x_ref, out0_ref, out1_ref, ent_ref):
    iota = jax.lax.broadcasted_iota(jnp.int32, (8192, 1024), 1)
    onehot = (iota == idxf_ref[...]).astype(jnp.float32)
    hist = jnp.sum(onehot, axis=0, keepdims=True)
    g = g_ref[...]
    x = x_ref[...]
    out0_ref[...] = (g - x) + x
    t = x - g
    out1_ref[...] = jnp.sum(t * t, axis=1, keepdims=True)
    p = hist * jnp.float32(1.0 / 2048.0)
    pos = hist > 0
    safe = jnp.where(pos, p, jnp.float32(1.0))
    ent = -jnp.sum(jnp.where(pos, p * jnp.log(safe), jnp.float32(0.0)))
    ent_ref[...] = ent.reshape(1, 1)


def kernel(x0, embedding0):
    xb = x0.reshape(2048 // RB, RB, 4, 64)
    et = embedding0.transpose(0, 2, 1)
    etb = jnp.broadcast_to(et[:, :, None, :], (4, 64, RB, 1024))

    idx, flat = pl.pallas_call(
        _argmin_kernel,
        grid=(2048 // RB,),
        in_specs=[
            pl.BlockSpec((1, RB, 4, 64), lambda i: (i, 0, 0, 0)),
            pl.BlockSpec((4, 64, RB, 1024), lambda i: (0, 0, 0, 0)),
        ],
        out_specs=[
            pl.BlockSpec((RB, 4), lambda i: (i, 0)),
            pl.BlockSpec((RB, 4), lambda i: (i, 0)),
        ],
        out_shape=[
            jax.ShapeDtypeStruct((2048, 4), jnp.int32),
            jax.ShapeDtypeStruct((2048, 4), jnp.int32),
        ],
    )(xb, etb)

    table = jnp.pad(embedding0.reshape(4096, 64), ((0, 0), (0, 64)))
    g = _sc_gather(table, flat.reshape(8192))[:, :64]

    xf = x0.reshape(8192, 64)
    out0f, out1f, ent = pl.pallas_call(
        _assemble_kernel,
        grid=(1,),
        in_specs=[
            pl.BlockSpec((8192, 1), lambda i: (0, 0)),
            pl.BlockSpec((8192, 64), lambda i: (0, 0)),
            pl.BlockSpec((8192, 64), lambda i: (0, 0)),
        ],
        out_specs=[
            pl.BlockSpec((8192, 64), lambda i: (0, 0)),
            pl.BlockSpec((8192, 1), lambda i: (0, 0)),
            pl.BlockSpec((1, 1), lambda i: (0, 0)),
        ],
        out_shape=[
            jax.ShapeDtypeStruct((8192, 64), jnp.float32),
            jax.ShapeDtypeStruct((8192, 1), jnp.float32),
            jax.ShapeDtypeStruct((1, 1), jnp.float32),
        ],
    )(idx.reshape(8192, 1), g, xf)

    out0 = out0f.reshape(4, 512, 4, 64)
    out1 = out1f.reshape(4, 512, 4)
    entropy = ent.reshape(())
    return (out0, out1, out1, entropy)

# --- scband reference (transcript-rebuilt; emitter-appended) ---
"""Pipeline reference for scband-vector-quant-4406636446030 (READ-ONLY COPY).

The authoritative reference and input builder live on the scoring server;
editing this copy changes nothing except your own understanding.
"""

import jax, jax.numpy as jnp
import numpy as np


def setup_inputs(seed: int = 0) -> dict:
    key = jax.random.key(seed)
    k1, k2 = jax.random.split(key)
    x0 = jax.random.normal(k1, (4, 512, 4, 64), dtype=jnp.float32)
    # embedding0 parameter: randn * embedding_scale (0.001, since normalize=False)
    embedding0 = jax.random.normal(k2, (4, 1024, 64), dtype=jnp.float32) * 0.001
    return {"x0": x0, "embedding0": embedding0}


def reference(x0, embedding0):
    n_channels, n_classes, vec_len = embedding0.shape
    # normalize=False branch: x = x0, embedding = embedding0
    x = x0
    embedding = embedding0
    B = x.shape[0] * x.shape[1]
    x1 = x.reshape(B, x.shape[2], 1, x.shape[3])
    # argmin path carries no gradient in torch (argmin kills it), so stop_gradient is faithful
    xs = jax.lax.stop_gradient(x1)
    es = jax.lax.stop_gradient(embedding)
    idx_chunks = []
    for i in range(0, B, 512):
        xc = xs[i:i + 512]
        dist = jnp.sqrt(jnp.sum((xc - es[None]) ** 2, axis=3))
        idx_chunks.append(jnp.argmin(dist, axis=2))
    index = jnp.concatenate(idx_chunks, axis=0)  # (B, n_channels) int
    # histc(bins=n_classes, min=-0.5, max=n_classes-0.5) == per-class bincount
    hist = jnp.bincount(index.reshape(-1), length=n_classes).astype(jnp.float32)
    prob = hist / index.shape[0]  # len(index) == index.size(0) == B in torch
    safe = jnp.where(hist > 0, prob, 1.0)
    entropy = -jnp.sum(jnp.where(hist > 0, prob * jnp.log(safe), 0.0))
    offset = jnp.arange(n_channels, dtype=index.dtype) * n_classes
    index1 = (index + offset[None, :]).reshape(-1)
    output_flat = jnp.take(embedding.reshape(-1, vec_len), index1, axis=0)
    output = output_flat.reshape(x.shape)
    out0 = jax.lax.stop_gradient(output - x) + x
    out1 = jnp.sum((jax.lax.stop_gradient(x) - output) ** 2, axis=3)
    out2 = jnp.sum((x - jax.lax.stop_gradient(output)) ** 2, axis=3) + jnp.sum((x - x0) ** 2, axis=3)
    return (out0, out1, out2, entropy)

if __name__ == "__main__":
    import jax
    _d = setup_inputs()
    print(jax.jit(kernel)(*tuple(_d.values())))

</pallas_src>

<mosaic_0001>
#map = affine_map<(d0, d1) -> (0, 0)>
#map1 = affine_map<(d0, d1) -> (0)>
module attributes {stable_mosaic.version = 14 : i64} {
  func.func @k(%arg0: i32, %arg1: i32, %arg2: memref<4096x128xf32, #tpu.memory_space<hbm>>, %arg3: memref<8192xi32, #tpu.memory_space<hbm>>, %arg4: memref<8192x128xf32, #tpu.memory_space<hbm>>, %arg5: memref<256xi32, #tpu.memory_space<vmem>>, %arg6: memref<256x128xf32, #tpu.memory_space<vmem>>, %arg7: memref<!tpu.dma_semaphore, #tpu.memory_space<semaphore_mem>>) attributes {dimension_semantics = [#tpu.dimension_semantics<core_parallel>, #tpu.dimension_semantics<subcore_parallel>], iteration_bounds = array<i64: 2, 16>, scalar_prefetch = 0 : i64, scratch_operands = 3 : i64, tpu.core_type = #tpu.core_type<sc_vector_subcore>, window_params = [{transform_indices = #map}, {transform_indices = #map1}, {transform_indices = #map}]} {
    %mul3A = arith.constant 2 : i32
    %mul3A_0 = arith.muli %arg1, %mul3A : i32
    %add3A = arith.addi %mul3A_0, %arg0 : i32
    %mul3A_1 = arith.constant 256 : i32
    %mul3A_2 = arith.muli %add3A, %mul3A_1 : i32
    "tpu.region"() ({
      %run_scoped3A = tpu.sem_alloc : memref<!tpu.dma_semaphore, #tpu.memory_space<semaphore_mem>>
      %dma_start3A_7 = tpu.memref_slice %arg3[%mul3A_2] : memref<8192xi32, #tpu.memory_space<hbm>> -> memref<256xi32, #tpu.memory_space<hbm>>
      %dma_start3A_8 = tpu.memref_slice %arg3[%mul3A_2] : memref<8192xi32, #tpu.memory_space<hbm>> -> memref<256xi32, #tpu.memory_space<hbm>>
      tpu.enqueue_dma source(%dma_start3A_8 : memref<256xi32, #tpu.memory_space<hbm>>) target(%arg5 : memref<256xi32, #tpu.memory_space<vmem>>) target_semaphore(%run_scoped3A : memref<!tpu.dma_semaphore, #tpu.memory_space<semaphore_mem>>)
      %dma_wait3A_9 = tpu.memref_slice %arg3[%mul3A_2] : memref<8192xi32, #tpu.memory_space<hbm>> -> memref<256xi32, #tpu.memory_space<hbm>>
      %dma_wait3A_10 = tpu.memref_slice %arg3[%mul3A_2] : memref<8192xi32, #tpu.memory_space<hbm>> -> memref<256xi32, #tpu.memory_space<hbm>>
      tpu.wait_dma2 semaphore(%run_scoped3A : memref<!tpu.dma_semaphore, #tpu.memory_space<semaphore_mem>>) src(%dma_wait3A_10 : memref<256xi32, #tpu.memory_space<hbm>>) dst(%arg5 : memref<256xi32, #tpu.memory_space<vmem>>)
      tpu.yield
    }) : () -> ()
    %dma_start3A = arith.constant 0 : i32
    %dma_start3A_3 = arith.constant 0 : i32
    %dma_start3A_4 = tpu.memref_slice %arg2[%dma_start3A, %dma_start3A_3] : memref<4096x128xf32, #tpu.memory_space<hbm>> -> memref<4096x128xf32, #tpu.memory_space<hbm>>
    tpu.enqueue_indirect_dma source(%dma_start3A_4 : memref<4096x128xf32, #tpu.memory_space<hbm>>) target(%arg6 : memref<256x128xf32, #tpu.memory_space<vmem>>) offsets(%arg5 : memref<256xi32, #tpu.memory_space<vmem>>) semaphore(%arg7 : memref<!tpu.dma_semaphore, #tpu.memory_space<semaphore_mem>>)
    %dma_wait3A = arith.constant 0 : i32
    %dma_wait3A_5 = arith.constant 0 : i32
    %dma_wait3A_6 = tpu.memref_slice %arg2[%dma_wait3A, %dma_wait3A_5] : memref<4096x128xf32, #tpu.memory_space<hbm>> -> memref<4096x128xf32, #tpu.memory_space<hbm>>
    tpu.wait_indirect_dma semaphore(%arg7 : memref<!tpu.dma_semaphore, #tpu.memory_space<semaphore_mem>>) src(%dma_wait3A_6 : memref<4096x128xf32, #tpu.memory_space<hbm>>) dst(%arg6 : memref<256x128xf32, #tpu.memory_space<vmem>>)
    "tpu.region"() ({
      %run_scoped3A = tpu.sem_alloc : memref<!tpu.dma_semaphore, #tpu.memory_space<semaphore_mem>>
      %dma_start3A_7 = arith.constant 0 : i32
      %dma_start3A_8 = tpu.memref_slice %arg4[%mul3A_2, %dma_start3A_7] : memref<8192x128xf32, #tpu.memory_space<hbm>> -> memref<256x128xf32, #tpu.memory_space<hbm>>
      %dma_start3A_9 = arith.constant 0 : i32
      %dma_start3A_10 = tpu.memref_slice %arg4[%mul3A_2, %dma_start3A_9] : memref<8192x128xf32, #tpu.memory_space<hbm>> -> memref<256x128xf32, #tpu.memory_space<hbm>>
      tpu.enqueue_dma source(%arg6 : memref<256x128xf32, #tpu.memory_space<vmem>>) target(%dma_start3A_10 : memref<256x128xf32, #tpu.memory_space<hbm>>) target_semaphore(%run_scoped3A : memref<!tpu.dma_semaphore, #tpu.memory_space<semaphore_mem>>)
      %dma_wait3A_11 = arith.constant 0 : i32
      %dma_wait3A_12 = tpu.memref_slice %arg4[%mul3A_2, %dma_wait3A_11] : memref<8192x128xf32, #tpu.memory_space<hbm>> -> memref<256x128xf32, #tpu.memory_space<hbm>>
      %dma_wait3A_13 = arith.constant 0 : i32
      %dma_wait3A_14 = tpu.memref_slice %arg4[%mul3A_2, %dma_wait3A_13] : memref<8192x128xf32, #tpu.memory_space<hbm>> -> memref<256x128xf32, #tpu.memory_space<hbm>>
      tpu.wait_dma2 semaphore(%run_scoped3A : memref<!tpu.dma_semaphore, #tpu.memory_space<semaphore_mem>>) src(%arg6 : memref<256x128xf32, #tpu.memory_space<vmem>>) dst(%dma_wait3A_14 : memref<256x128xf32, #tpu.memory_space<hbm>>)
      tpu.yield
    }) : () -> ()
    return
  }
}

module attributes {stable_mosaic.version = 14 : i64} {
  func.func @_argmin_kernel(%arg0: i32, %arg1: memref<1x16x4x64xf32, #tpu.memory_space<vmem>>, %arg2: memref<4x64x16x1024xf32, #tpu.memory_space<vmem>>, %arg3: memref<16x4xi32, #tpu.memory_space<vmem>>, %arg4: memref<16x4xi32, #tpu.memory_space<vmem>>) attributes {dimension_semantics = [#tpu.dimension_semantics<arbitrary>], iteration_bounds = array<i64: 128>, scalar_prefetch = 0 : i64, scratch_operands = 0 : i64, tpu.core_type = #tpu.core_type<tc>, window_params = [{transform_indices = @transform_0, window_bounds = array<i64: 1, 16, 4, 64>}, {pipeline_mode = #tpu.pipeline_mode<synchronous>, transform_indices = @transform_1, window_bounds = array<i64: 4, 64, 16, 1024>}, {transform_indices = @transform_2, window_bounds = array<i64: 16, 4>}, {transform_indices = @transform_3, window_bounds = array<i64: 16, 4>}]} {
    %get3A = arith.constant 0 : index
    %get3A_0 = arith.constant 0 : index
    %get3A_1 = arith.constant 0 : index
    %get3A_2 = arith.constant 0 : index
    %get3A_3 = vector.load %arg1[%get3A, %get3A_0, %get3A_1, %get3A_2] : memref<1x16x4x64xf32, #tpu.memory_space<vmem>>, vector<1x16x1x64xf32>
    %get3A_4 = vector.shape_cast %get3A_3 : vector<1x16x1x64xf32> to vector<16x64xf32>
    %slice3A = vector.extract_strided_slice %get3A_4 {offsets = [0, 0], sizes = [16, 1], strides = [1, 1]} : vector<16x64xf32> to vector<16x1xf32>
    %get3A_5 = arith.constant 0 : index
    %get3A_6 = arith.constant 0 : index
    %get3A_7 = arith.constant 0 : index
    %get3A_8 = arith.constant 0 : index
    %get3A_9 = vector.load %arg2[%get3A_5, %get3A_6, %get3A_7, %get3A_8] : memref<4x64x16x1024xf32, #tpu.memory_space<vmem>>, vector<1x1x16x1024xf32>
    %get3A_10 = vector.shape_cast %get3A_9 : vector<1x1x16x1024xf32> to vector<16x1024xf32>
    %sub3A = vector.broadcast %slice3A : vector<16x1xf32> to vector<16x1024xf32>
    %sub3A_11 = arith.subf %sub3A, %get3A_10 : vector<16x1024xf32>
    %mul3A = arith.mulf %sub3A_11, %sub3A_11 : vector<16x1024xf32>
    %slice3A_12 = vector.extract_strided_slice %get3A_4 {offsets = [0, 4], sizes = [16, 1], strides = [1, 1]} : vector<16x64xf32> to vector<16x1xf32>
    %get3A_13 = arith.constant 0 : index
    %get3A_14 = arith.constant 4 : index
    %get3A_15 = arith.constant 0 : index
    %get3A_16 = arith.constant 0 : index
    %get3A_17 = vector.load %arg2[%get3A_13, %get3A_14, %get3A_15, %get3A_16] : memref<4x64x16x1024xf32, #tpu.memory_space<vmem>>, vector<1x1x16x1024xf32>
    %get3A_18 = vector.shape_cast %get3A_17 : vector<1x1x16x1024xf32> to vector<16x1024xf32>
    %sub3A_19 = vector.broadcast %slice3A_12 : vector<16x1xf32> to vector<16x1024xf32>
    %sub3A_20 = arith.subf %sub3A_19, %get3A_18 : vector<16x1024xf32>
    %mul3A_21 = arith.mulf %sub3A_20, %sub3A_20 : vector<16x1024xf32>
    %add3A = arith.addf %mul3A, %mul3A_21 : vector<16x1024xf32>
    %slice3A_22 = vector.extract_strided_slice %get3A_4 {offsets = [0, 2], sizes = [16, 1], strides = [1, 1]} : vector<16x64xf32> to vector<16x1xf32>
    %get3A_23 = arith.constant 0 : index
    %get3A_24 = arith.constant 2 : index
    %get3A_25 = arith.constant 0 : index
    %get3A_26 = arith.constant 0 : index
    %get3A_27 = vector.load %arg2[%get3A_23, %get3A_24, %get3A_25, %get3A_26] : memref<4x64x16x1024xf32, #tpu.memory_space<vmem>>, vector<1x1x16x1024xf32>
    %get3A_28 = vector.shape_cast %get3A_27 : vector<1x1x16x1024xf32> to vector<16x1024xf32>
    %sub3A_29 = vector.broadcast %slice3A_22 : vector<16x1xf32> to vector<16x1024xf32>
    %sub3A_30 = arith.subf %sub3A_29, %get3A_28 : vector<16x1024xf32>
    %mul3A_31 = arith.mulf %sub3A_30, %sub3A_30 : vector<16x1024xf32>
    %slice3A_32 = vector.extract_strided_slice %get3A_4 {offsets = [0, 6], sizes = [16, 1], strides = [1, 1]} : vector<16x64xf32> to vector<16x1xf32>
    %get3A_33 = arith.constant 0 : index
    %get3A_34 = arith.constant 6 : index
    %get3A_35 = arith.constant 0 : index
    %get3A_36 = arith.constant 0 : index
    %get3A_37 = vector.load %arg2[%get3A_33, %get3A_34, %get3A_35, %get3A_36] : memref<4x64x16x1024xf32, #tpu.memory_space<vmem>>, vector<1x1x16x1024xf32>
    %get3A_38 = vector.shape_cast %get3A_37 : vector<1x1x16x1024xf32> to vector<16x1024xf32>
    %sub3A_39 = vector.broadcast %slice3A_32 : vector<16x1xf32> to vector<16x1024xf32>
    %sub3A_40 = arith.subf %sub3A_39, %get3A_38 : vector<16x1024xf32>
    %mul3A_41 = arith.mulf %sub3A_40, %sub3A_40 : vector<16x1024xf32>
    %add3A_42 = arith.addf %mul3A_31, %mul3A_41 : vector<16x1024xf32>
    %slice3A_43 = vector.extract_strided_slice %get3A_4 {offsets = [0, 1], sizes = [16, 1], strides = [1, 1]} : vector<16x64xf32> to vector<16x1xf32>
    %get3A_44 = arith.constant 0 : index
    %get3A_45 = arith.constant 1 : index
    %get3A_46 = arith.constant 0 : index
    %get3A_47 = arith.constant 0 : index
    %get3A_48 = vector.load %arg2[%get3A_44, %get3A_45, %get3A_46, %get3A_47] : memref<4x64x16x1024xf32, #tpu.memory_space<vmem>>, vector<1x1x16x1024xf32>
    %get3A_49 = vector.shape_cast %get3A_48 : vector<1x1x16x1024xf32> to vector<16x1024xf32>
    %sub3A_50 = vector.broadcast %slice3A_43 : vector<16x1xf32> to vector<16x1024xf32>
    %sub3A_51 = arith.subf %sub3A_50, %get3A_49 : vector<16x1024xf32>
    %mul3A_52 = arith.mulf %sub3A_51, %sub3A_51 : vector<16x1024xf32>
    %slice3A_53 = vector.extract_strided_slice %get3A_4 {offsets = [0, 5], sizes = [16, 1], strides = [1, 1]} : vector<16x64xf32> to vector<16x1xf32>
    %get3A_54 = arith.constant 0 : index
    %get3A_55 = arith.constant 5 : index
    %get3A_56 = arith.constant 0 : index
    %get3A_57 = arith.constant 0 : index
    %get3A_58 = vector.load %arg2[%get3A_54, %get3A_55, %get3A_56, %get3A_57] : memref<4x64x16x1024xf32, #tpu.memory_space<vmem>>, vector<1x1x16x1024xf32>
    %get3A_59 = vector.shape_cast %get3A_58 : vector<1x1x16x1024xf32> to vector<16x1024xf32>
    %sub3A_60 = vector.broadcast %slice3A_53 : vector<16x1xf32> to vector<16x1024xf32>
    %sub3A_61 = arith.subf %sub3A_60, %get3A_59 : vector<16x1024xf32>
    %mul3A_62 = arith.mulf %sub3A_61, %sub3A_61 : vector<16x1024xf32>
    %add3A_63 = arith.addf %mul3A_52, %mul3A_62 : vector<16x1024xf32>
    %slice3A_64 = vector.extract_strided_slice %get3A_4 {offsets = [0, 3], sizes = [16, 1], strides = [1, 1]} : vector<16x64xf32> to vector<16x1xf32>
    %get3A_65 = arith.constant 0 : index
    %get3A_66 = arith.constant 3 : index
    %get3A_67 = arith.constant 0 : index
    %get3A_68 = arith.constant 0 : index
    %get3A_69 = vector.load %arg2[%get3A_65, %get3A_66, %get3A_67, %get3A_68] : memref<4x64x16x1024xf32, #tpu.memory_space<vmem>>, vector<1x1x16x1024xf32>
    %get3A_70 = vector.shape_cast %get3A_69 : vector<1x1x16x1024xf32> to vector<16x1024xf32>
    %sub3A_71 = vector.broadcast %slice3A_64 : vector<16x1xf32> to vector<16x1024xf32>
    %sub3A_72 = arith.subf %sub3A_71, %get3A_70 : vector<16x1024xf32>
    %mul3A_73 = arith.mulf %sub3A_72, %sub3A_72 : vector<16x1024xf32>
    %slice3A_74 = vector.extract_strided_slice %get3A_4 {offsets = [0, 7], sizes = [16, 1], strides = [1, 1]} : vector<16x64xf32> to vector<16x1xf32>
    %get3A_75 = arith.constant 0 : index
    %get3A_76 = arith.constant 7 : index
    %get3A_77 = arith.constant 0 : index
    %get3A_78 = arith.constant 0 : index
    %get3A_79 = vector.load %arg2[%get3A_75, %get3A_76, %get3A_77, %get3A_78] : memref<4x64x16x1024xf32, #tpu.memory_space<vmem>>, vector<1x1x16x1024xf32>
    %get3A_80 = vector.shape_cast %get3A_79 : vector<1x1x16x1024xf32> to vector<16x1024xf32>
    %sub3A_81 = vector.broadcast %slice3A_74 : vector<16x1xf32> to vector<16x1024xf32>
    %sub3A_82 = arith.subf %sub3A_81, %get3A_80 : vector<16x1024xf32>
    %mul3A_83 = arith.mulf %sub3A_82, %sub3A_82 : vector<16x1024xf32>
    %add3A_84 = arith.addf %mul3A_73, %mul3A_83 : vector<16x1024xf32>
    %add3A_85 = arith.addf %add3A, %add3A_42 : vector<16x1024xf32>
    %add3A_86 = arith.addf %add3A_63, %add3A_84 : vector<16x1024xf32>
    %add3A_87 = arith.addf %add3A_85, %add3A_86 : vector<16x1024xf32>
    %slice3A_88 = vector.extract_strided_slice %get3A_4 {offsets = [0, 8], sizes = [16, 1], strides = [1, 1]} : vector<16x64xf32> to vector<16x1xf32>
    %get3A_89 = arith.constant 0 : index
    %get3A_90 = arith.constant 8 : index
    %get3A_91 = arith.constant 0 : index
    %get3A_92 = arith.constant 0 : index
    %get3A_93 = vector.load %arg2[%get3A_89, %get3A_90, %get3A_91, %get3A_92] : memref<4x64x16x1024xf32, #tpu.memory_space<vmem>>, vector<1x1x16x1024xf32>
    %get3A_94 = vector.shape_cast %get3A_93 : vector<1x1x16x1024xf32> to vector<16x1024xf32>
    %sub3A_95 = vector.broadcast %slice3A_88 : vector<16x1xf32> to vector<16x1024xf32>
    %sub3A_96 = arith.subf %sub3A_95, %get3A_94 : vector<16x1024xf32>
    %mul3A_97 = arith.mulf %sub3A_96, %sub3A_96 : vector<16x1024xf32>
    %slice3A_98 = vector.extract_strided_slice %get3A_4 {offsets = [0, 12], sizes = [16, 1], strides = [1, 1]} : vector<16x64xf32> to vector<16x1xf32>
    %get3A_99 = arith.constant 0 : index
    %get3A_100 = arith.constant 12 : index
    %get3A_101 = arith.constant 0 : index
    %get3A_102 = arith.constant 0 : index
    %get3A_103 = vector.load %arg2[%get3A_99, %get3A_100, %get3A_101, %get3A_102] : memref<4x64x16x1024xf32, #tpu.memory_space<vmem>>, vector<1x1x16x1024xf32>
    %get3A_104 = vector.shape_cast %get3A_103 : vector<1x1x16x1024xf32> to vector<16x1024xf32>
    %sub3A_105 = vector.broadcast %slice3A_98 : vector<16x1xf32> to vector<16x1024xf32>
    %sub3A_106 = arith.subf %sub3A_105, %get3A_104 : vector<16x1024xf32>
    %mul3A_107 = arith.mulf %sub3A_106, %sub3A_106 : vector<16x1024xf32>
    %add3A_108 = arith.addf %mul3A_97, %mul3A_107 : vector<16x1024xf32>
    %slice3A_109 = vector.extract_strided_slice %get3A_4 {offsets = [0, 10], sizes = [16, 1], strides = [1, 1]} : vector<16x64xf32> to vector<16x1xf32>
    %get3A_110 = arith.constant 0 : index
    %get3A_111 = arith.constant 10 : index
    %get3A_112 = arith.constant 0 : index
    %get3A_113 = arith.constant 0 : index
    %get3A_114 = vector.load %arg2[%get3A_110, %get3A_111, %get3A_112, %get3A_113] : memref<4x64x16x1024xf32, #tpu.memory_space<vmem>>, vector<1x1x16x1024xf32>
    %get3A_115 = vector.shape_cast %get3A_114 : vector<1x1x16x1024xf32> to vector<16x1024xf32>
    %sub3A_116 = vector.broadcast %slice3A_109 : vector<16x1xf32> to vector<16x1024xf32>
    %sub3A_117 = arith.subf %sub3A_116, %get3A_115 : vector<16x1024xf32>
    %mul3A_118 = arith.mulf %sub3A_117, %sub3A_117 : vector<16x1024xf32>
    %slice3A_119 = vector.extract_strided_slice %get3A_4 {offsets = [0, 14], sizes = [16, 1], strides = [1, 1]} : vector<16x64xf32> to vector<16x1xf32>
    %get3A_120 = arith.constant 0 : index
    %get3A_121 = arith.constant 14 : index
    %get3A_122 = arith.constant 0 : index
    %get3A_123 = arith.constant 0 : index
    %get3A_124 = vector.load %arg2[%get3A_120, %get3A_121, %get3A_122, %get3A_123] : memref<4x64x16x1024xf32, #tpu.memory_space<vmem>>, vector<1x1x16x1024xf32>
    %get3A_125 = vector.shape_cast %get3A_124 : vector<1x1x16x1024xf32> to vector<16x1024xf32>
    %sub3A_126 = vector.broadcast %slice3A_119 : vector<16x1xf32> to vector<16x1024xf32>
    %sub3A_127 = arith.subf %sub3A_126, %get3A_125 : vector<16x1024xf32>
    %mul3A_128 = arith.mulf %sub3A_127, %sub3A_127 : vector<16x1024xf32>
    %add3A_129 = arith.addf %mul3A_118, %mul3A_128 : vector<16x1024xf32>
    %slice3A_130 = vector.extract_strided_slice %get3A_4 {offsets = [0, 9], sizes = [16, 1], strides = [1, 1]} : vector<16x64xf32> to vector<16x1xf32>
    %get3A_131 = arith.constant 0 : index
    %get3A_132 = arith.constant 9 : index
    %get3A_133 = arith.constant 0 : index
    %get3A_134 = arith.constant 0 : index
    %get3A_135 = vector.load %arg2[%get3A_131, %get3A_132, %get3A_133, %get3A_134] : memref<4x64x16x1024xf32, #tpu.memory_space<vmem>>, vector<1x1x16x1024xf32>
    %get3A_136 = vector.shape_cast %get3A_135 : vector<1x1x16x1024xf32> to vector<16x1024xf32>
    %sub3A_137 = vector.broadcast %slice3A_130 : vector<16x1xf32> to vector<16x1024xf32>
    %sub3A_138 = arith.subf %sub3A_137, %get3A_136 : vector<16x1024xf32>
    %mul3A_139 = arith.mulf %sub3A_138, %sub3A_138 : vector<16x1024xf32>
    %slice3A_140 = vector.extract_strided_slice %get3A_4 {offsets = [0, 13], sizes = [16, 1], strides = [1, 1]} : vector<16x64xf32> to vector<16x1xf32>
    %get3A_141 = arith.constant 0 : index
    %get3A_142 = arith.constant 13 : index
    %get3A_143 = arith.constant 0 : index
    %get3A_144 = arith.constant 0 : index
    %get3A_145 = vector.load %arg2[%get3A_141, %get3A_142, %get3A_143, %get3A_144] : memref<4x64x16x1024xf32, #tpu.memory_space<vmem>>, vector<1x1x16x1024xf32>
    %get3A_146 = vector.shape_cast %get3A_145 : vector<1x1x16x1024xf32> to vector<16x1024xf32>
    %sub3A_147 = vector.broadcast %slice3A_140 : vector<16x1xf32> to vector<16x1024xf32>
    %sub3A_148 = arith.subf %sub3A_147, %get3A_146 : vector<16x1024xf32>
    %mul3A_149 = arith.mulf %sub3A_148, %sub3A_148 : vector<16x1024xf32>
    %add3A_150 = arith.addf %mul3A_139, %mul3A_149 : vector<16x1024xf32>
    %slice3A_151 = vector.extract_strided_slice %get3A_4 {offsets = [0, 11], sizes = [16, 1], strides = [1, 1]} : vector<16x64xf32> to vector<16x1xf32>
    %get3A_152 = arith.constant 0 : index
    %get3A_153 = arith.constant 11 : index
    %get3A_154 = arith.constant 0 : index
    %get3A_155 = arith.constant 0 : index
    %get3A_156 = vector.load %arg2[%get3A_152, %get3A_153, %get3A_154, %get3A_155] : memref<4x64x16x1024xf32, #tpu.memory_space<vmem>>, vector<1x1x16x1024xf32>
    %get3A_157 = vector.shape_cast %get3A_156 : vector<1x1x16x1024xf32> to vector<16x1024xf32>
    %sub3A_158 = vector.broadcast %slice3A_151 : vector<16x1xf32> to vector<16x1024xf32>
    %sub3A_159 = arith.subf %sub3A_158, %get3A_157 : vector<16x1024xf32>
    %mul3A_160 = arith.mulf %sub3A_159, %sub3A_159 : vector<16x1024xf32>
    %slice3A_161 = vector.extract_strided_slice %get3A_4 {offsets = [0, 15], sizes = [16, 1], strides = [1, 1]} : vector<16x64xf32> to vector<16x1xf32>
    %get3A_162 = arith.constant 0 : index
    %get3A_163 = arith.constant 15 : index
    %get3A_164 = arith.constant 0 : index
    %get3A_165 = arith.constant 0 : index
    %get3A_166 = vector.load %arg2[%get3A_162, %get3A_163, %get3A_164, %get3A_165] : memref<4x64x16x1024xf32, #tpu.memory_space<vmem>>, vector<1x1x16x1024xf32>
    %get3A_167 = vector.shape_cast %get3A_166 : vector<1x1x16x1024xf32> to vector<16x1024xf32>
    %sub3A_168 = vector.broadcast %slice3A_161 : vector<16x1xf32> to vector<16x1024xf32>
    %sub3A_169 = arith.subf %sub3A_168, %get3A_167 : vector<16x1024xf32>
    %mul3A_170 = arith.mulf %sub3A_169, %sub3A_169 : vector<16x1024xf32>
    %add3A_171 = arith.addf %mul3A_160, %mul3A_170 : vector<16x1024xf32>
    %add3A_172 = arith.addf %add3A_108, %add3A_129 : vector<16x1024xf32>
    %add3A_173 = arith.addf %add3A_150, %add3A_171 : vector<16x1024xf32>
    %add3A_174 = arith.addf %add3A_172, %add3A_173 : vector<16x1024xf32>
    %add3A_175 = arith.addf %add3A_87, %add3A_174 : vector<16x1024xf32>
    %slice3A_176 = vector.extract_strided_slice %get3A_4 {offsets = [0, 16], sizes = [16, 1], strides = [1, 1]} : vector<16x64xf32> to vector<16x1xf32>
    %get3A_177 = arith.constant 0 : index
    %get3A_178 = arith.constant 16 : index
    %get3A_179 = arith.constant 0 : index
    %get3A_180 = arith.constant 0 : index
    %get3A_181 = vector.load %arg2[%get3A_177, %get3A_178, %get3A_179, %get3A_180] : memref<4x64x16x1024xf32, #tpu.memory_space<vmem>>, vector<1x1x16x1024xf32>
    %get3A_182 = vector.shape_cast %get3A_181 : vector<1x1x16x1024xf32> to vector<16x1024xf32>
    %sub3A_183 = vector.broadcast %slice3A_176 : vector<16x1xf32> to vector<16x1024xf32>
    %sub3A_184 = arith.subf %sub3A_183, %get3A_182 : vector<16x1024xf32>
    %mul3A_185 = arith.mulf %sub3A_184, %sub3A_184 : vector<16x1024xf32>
    %slice3A_186 = vector.extract_strided_slice %get3A_4 {offsets = [0, 20], sizes = [16, 1], strides = [1, 1]} : vector<16x64xf32> to vector<16x1xf32>
    %get3A_187 = arith.constant 0 : index
    %get3A_188 = arith.constant 20 : index
    %get3A_189 = arith.constant 0 : index
    %get3A_190 = arith.constant 0 : index
    %get3A_191 = vector.load %arg2[%get3A_187, %get3A_188, %get3A_189, %get3A_190] : memref<4x64x16x1024xf32, #tpu.memory_space<vmem>>, vector<1x1x16x1024xf32>
    %get3A_192 = vector.shape_cast %get3A_191 : vector<1x1x16x1024xf32> to vector<16x1024xf32>
    %sub3A_193 = vector.broadcast %slice3A_186 : vector<16x1xf32> to vector<16x1024xf32>
    %sub3A_194 = arith.subf %sub3A_193, %get3A_192 : vector<16x1024xf32>
    %mul3A_195 = arith.mulf %sub3A_194, %sub3A_194 : vector<16x1024xf32>
    %add3A_196 = arith.addf %mul3A_185, %mul3A_195 : vector<16x1024xf32>
    %slice3A_197 = vector.extract_strided_slice %get3A_4 {offsets = [0, 18], sizes = [16, 1], strides = [1, 1]} : vector<16x64xf32> to vector<16x1xf32>
    %get3A_198 = arith.constant 0 : index
    %get3A_199 = arith.constant 18 : index
    %get3A_200 = arith.constant 0 : index
    %get3A_201 = arith.constant 0 : index
    %get3A_202 = vector.load %arg2[%get3A_198, %get3A_199, %get3A_200, %get3A_201] : memref<4x64x16x1024xf32, #tpu.memory_space<vmem>>, vector<1x1x16x1024xf32>
    %get3A_203 = vector.shape_cast %get3A_202 : vector<1x1x16x1024xf32> to vector<16x1024xf32>
    %sub3A_204 = vector.broadcast %slice3A_197 : vector<16x1xf32> to vector<16x1024xf32>
    %sub3A_205 = arith.subf %sub3A_204, %get3A_203 : vector<16x1024xf32>
    %mul3A_206 = arith.mulf %sub3A_205, %sub3A_205 : vector<16x1024xf32>
    %slice3A_207 = vector.extract_strided_slice %get3A_4 {offsets = [0, 22], sizes = [16, 1], strides = [1, 1]} : vector<16x64xf32> to vector<16x1xf32>
    %get3A_208 = arith.constant 0 : index
    %get3A_209 = arith.constant 22 : index
    %get3A_210 = arith.constant 0 : index
    %get3A_211 = arith.constant 0 : index
    %get3A_212 = vector.load %arg2[%get3A_208, %get3A_209, %get3A_210, %get3A_211] : memref<4x64x16x1024xf32, #tpu.memory_space<vmem>>, vector<1x1x16x1024xf32>
    %get3A_213 = vector.shape_cast %get3A_212 : vector<1x1x16x1024xf32> to vector<16x1024xf32>
    %sub3A_214 = vector.broadcast %slice3A_207 : vector<16x1xf32> to vector<16x1024xf32>
    %sub3A_215 = arith.subf %sub3A_214, %get3A_213 : vector<16x1024xf32>
    %mul3A_216 = arith.mulf %sub3A_215, %sub3A_215 : vector<16x1024xf32>
    %add3A_217 = arith.addf %mul3A_206, %mul3A_216 : vector<16x1024xf32>
    %slice3A_218 = vector.extract_strided_slice %get3A_4 {offsets = [0, 17], sizes = [16, 1], strides = [1, 1]} : vector<16x64xf32> to vector<16x1xf32>
    %get3A_219 = arith.constant 0 : index
    %get3A_220 = arith.constant 17 : index
    %get3A_221 = arith.constant 0 : index
    %get3A_222 = arith.constant 0 : index
    %get3A_223 = vector.load %arg2[%get3A_219, %get3A_220, %get3A_221, %get3A_222] : memref<4x64x16x1024xf32, #tpu.memory_space<vmem>>, vector<1x1x16x1024xf32>
    %get3A_224 = vector.shape_cast %get3A_223 : vector<1x1x16x1024xf32> to vector<16x1024xf32>
    %sub3A_225 = vector.broadcast %slice3A_218 : vector<16x1xf32> to vector<16x1024xf32>
    %sub3A_226 = arith.subf %sub3A_225, %get3A_224 : vector<16x1024xf32>
    %mul3A_227 = arith.mulf %sub3A_226, %sub3A_226 : vector<16x1024xf32>
    %slice3A_228 = vector.extract_strided_slice %get3A_4 {offsets = [0, 21], sizes = [16, 1], strides = [1, 1]} : vector<16x64xf32> to vector<16x1xf32>
    %get3A_229 = arith.constant 0 : index
    %get3A_230 = arith.constant 21 : index
    %get3A_231 = arith.constant 0 : index
    %get3A_232 = arith.constant 0 : index
    %get3A_233 = vector.load %arg2[%get3A_229, %get3A_230, %get3A_231, %get3A_232] : memref<4x64x16x1024xf32, #tpu.memory_space<vmem>>, vector<1x1x16x1024xf32>
    %get3A_234 = vector.shape_cast %get3A_233 : vector<1x1x16x1024xf32> to vector<16x1024xf32>
    %sub3A_235 = vector.broadcast %slice3A_228 : vector<16x1xf32> to vector<16x1024xf32>
    %sub3A_236 = arith.subf %sub3A_235, %get3A_234 : vector<16x1024xf32>
    %mul3A_237 = arith.mulf %sub3A_236, %sub3A_236 : vector<16x1024xf32>
    %add3A_238 = arith.addf %mul3A_227, %mul3A_237 : vector<16x1024xf32>
    %slice3A_239 = vector.extract_strided_slice %get3A_4 {offsets = [0, 19], sizes = [16, 1], strides = [1, 1]} : vector<16x64xf32> to vector<16x1xf32>
    %get3A_240 = arith.constant 0 : index
    %get3A_241 = arith.constant 19 : index
    %get3A_242 = arith.constant 0 : index
    %get3A_243 = arith.constant 0 : index
    %get3A_244 = vector.load %arg2[%get3A_240, %get3A_241, %get3A_242, %get3A_243] : memref<4x64x16x1024xf32, #tpu.memory_space<vmem>>, vector<1x1x16x1024xf32>
    %get3A_245 = vector.shape_cast %get3A_244 : vector<1x1x16x1024xf32> to vector<16x1024xf32>
    %sub3A_246 = vector.broadcast %slice3A_239 : vector<16x1xf32> to vector<16x1024xf32>
    %sub3A_247 = arith.subf %sub3A_246, %get3A_245 : vector<16x1024xf32>
    %mul3A_248 = arith.mulf %sub3A_247, %sub3A_247 : vector<16x1024xf32>
    %slice3A_249 = vector.extract_strided_slice %get3A_4 {offsets = [0, 23], sizes = [16, 1], strides = [1, 1]} : vector<16x64xf32> to vector<16x1xf32>
    %get3A_250 = arith.constant 0 : index
    %get3A_251 = arith.constant 23 : index
    %get3A_252 = arith.constant 0 : index
    %get3A_253 = arith.constant 0 : index
    %get3A_254 = vector.load %arg2[%get3A_250, %get3A_251, %get3A_252, %get3A_253] : memref<4x64x16x1024xf32, #tpu.memory_space<vmem>>, vector<1x1x16x1024xf32>
    %get3A_255 = vector.shape_cast %get3A_254 : vector<1x1x16x1024xf32> to vector<16x1024xf32>
    %sub3A_256 = vector.broadcast %slice3A_249 : vector<16x1xf32> to vector<16x1024xf32>
    %sub3A_257 = arith.subf %sub3A_256, %get3A_255 : vector<16x1024xf32>
    %mul3A_258 = arith.mulf %sub3A_257, %sub3A_257 : vector<16x1024xf32>
    %add3A_259 = arith.addf %mul3A_248, %mul3A_258 : vector<16x1024xf32>
    %add3A_260 = arith.addf %add3A_196, %add3A_217 : vector<16x1024xf32>
    %add3A_261 = arith.addf %add3A_238, %add3A_259 : vector<16x1024xf32>
    %add3A_262 = arith.addf %add3A_260, %add3A_261 : vector<16x1024xf32>
    %add3A_263 = arith.addf %add3A_175, %add3A_262 : vector<16x1024xf32>
    %slice3A_264 = vector.extract_strided_slice %get3A_4 {offsets = [0, 24], sizes = [16, 1], strides = [1, 1]} : vector<16x64xf32> to vector<16x1xf32>
    %get3A_265 = arith.constant 0 : index
    %get3A_266 = arith.constant 24 : index
    %get3A_267 = arith.constant 0 : index
    %get3A_268 = arith.constant 0 : index
    %get3A_269 = vector.load %arg2[%get3A_265, %get3A_266, %get3A_267, %get3A_268] : memref<4x64x16x1024xf32, #tpu.memory_space<vmem>>, vector<1x1x16x1024xf32>
    %get3A_270 = vector.shape_cast %get3A_269 : vector<1x1x16x1024xf32> to vector<16x1024xf32>
    %sub3A_271 = vector.broadcast %slice3A_264 : vector<16x1xf32> to vector<16x1024xf32>
    %sub3A_272 = arith.subf %sub3A_271, %get3A_270 : vector<16x1024xf32>
    %mul3A_273 = arith.mulf %sub3A_272, %sub3A_272 : vector<16x1024xf32>
    %slice3A_274 = vector.extract_strided_slice %get3A_4 {offsets = [0, 28], sizes = [16, 1], strides = [1, 1]} : vector<16x64xf32> to vector<16x1xf32>
    %get3A_275 = arith.constant 0 : index
    %get3A_276 = arith.constant 28 : index
    %get3A_277 = arith.constant 0 : index
    %get3A_278 = arith.constant 0 : index
    %get3A_279 = vector.load %arg2[%get3A_275, %get3A_276, %get3A_277, %get3A_278] : memref<4x64x16x1024xf32, #tpu.memory_space<vmem>>, vector<1x1x16x1024xf32>
    %get3A_280 = vector.shape_cast %get3A_279 : vector<1x1x16x1024xf32> to vector<16x1024xf32>
    %sub3A_281 = vector.broadcast %slice3A_274 : vector<16x1xf32> to vector<16x1024xf32>
    %sub3A_282 = arith.subf %sub3A_281, %get3A_280 : vector<16x1024xf32>
    %mul3A_283 = arith.mulf %sub3A_282, %sub3A_282 : vector<16x1024xf32>
    %add3A_284 = arith.addf %mul3A_273, %mul3A_283 : vector<16x1024xf32>
    %slice3A_285 = vector.extract_strided_slice %get3A_4 {offsets = [0, 26], sizes = [16, 1], strides = [1, 1]} : vector<16x64xf32> to vector<16x1xf32>
    %get3A_286 = arith.constant 0 : index
    %get3A_287 = arith.constant 26 : index
    %get3A_288 = arith.constant 0 : index
    %get3A_289 = arith.constant 0 : index
    %get3A_290 = vector.load %arg2[%get3A_286, %get3A_287, %get3A_288, %get3A_289] : memref<4x64x16x1024xf32, #tpu.memory_space<vmem>>, vector<1x1x16x1024xf32>
    %get3A_291 = vector.shape_cast %get3A_290 : vector<1x1x16x1024xf32> to vector<16x1024xf32>
    %sub3A_292 = vector.broadcast %slice3A_285 : vector<16x1xf32> to vector<16x1024xf32>
    %sub3A_293 = arith.subf %sub3A_292, %get3A_291 : vector<16x1024xf32>
    %mul3A_294 = arith.mulf %sub3A_293, %sub3A_293 : vector<16x1024xf32>
    %slice3A_295 = vector.extract_strided_slice %get3A_4 {offsets = [0, 30], sizes = [16, 1], strides = [1, 1]} : vector<16x64xf32> to vector<16x1xf32>
    %get3A_296 = arith.constant 0 : index
    %get3A_297 = arith.constant 30 : index
    %get3A_298 = arith.constant 0 : index
    %get3A_299 = arith.constant 0 : index
    %get3A_300 = vector.load %arg2[%get3A_296, %get3A_297, %get3A_298, %get3A_299] : memref<4x64x16x1024xf32, #tpu.memory_space<vmem>>, vector<1x1x16x1024xf32>
    %get3A_301 = vector.shape_cast %get3A_300 : vector<1x1x16x1024xf32> to vector<16x1024xf32>
    %sub3A_302 = vector.broadcast %slice3A_295 : vector<16x1xf32> to vector<16x1024xf32>
    %sub3A_303 = arith.subf %sub3A_302, %get3A_301 : vector<16x1024xf32>
    %mul3A_304 = arith.mulf %sub3A_303, %sub3A_303 : vector<16x1024xf32>
    %add3A_305 = arith.addf %mul3A_294, %mul3A_304 : vector<16x1024xf32>
    %slice3A_306 = vector.extract_strided_slice %get3A_4 {offsets = [0, 25], sizes = [16, 1], strides = [1, 1]} : vector<16x64xf32> to vector<16x1xf32>
    %get3A_307 = arith.constant 0 : index
    %get3A_308 = arith.constant 25 : index
    %get3A_309 = arith.constant 0 : index
    %get3A_310 = arith.constant 0 : index
    %get3A_311 = vector.load %arg2[%get3A_307, %get3A_308, %get3A_309, %get3A_310] : memref<4x64x16x1024xf32, #tpu.memory_space<vmem>>, vector<1x1x16x1024xf32>
    %get3A_312 = vector.shape_cast %get3A_311 : vector<1x1x16x1024xf32> to vector<16x1024xf32>
    %sub3A_313 = vector.broadcast %slice3A_306 : vector<16x1xf32> to vector<16x1024xf32>
    %sub3A_314 = arith.subf %sub3A_313, %get3A_312 : vector<16x1024xf32>
    %mul3A_315 = arith.mulf %sub3A_314, %sub3A_314 : vector<16x1024xf32>
    %slice3A_316 = vector.extract_strided_slice %get3A_4 {offsets = [0, 29], sizes = [16, 1], strides = [1, 1]} : vector<16x64xf32> to vector<16x1xf32>
    %get3A_317 = arith.constant 0 : index
    %get3A_318 = arith.constant 29 : index
    %get3A_319 = arith.constant 0 : index
    %get3A_320 = arith.constant 0 : index
    %get3A_321 = vector.load %arg2[%get3A_317, %get3A_318, %get3A_319, %get3A_320] : memref<4x64x16x1024xf32, #tpu.memory_space<vmem>>, vector<1x1x16x1024xf32>
    %get3A_322 = vector.shape_cast %get3A_321 : vector<1x1x16x1024xf32> to vector<16x1024xf32>
    %sub3A_323 = vector.broadcast %slice3A_316 : vector<16x1xf32> to vector<16x1024xf32>
    %sub3A_324 = arith.subf %sub3A_323, %get3A_322 : vector<16x1024xf32>
    %mul3A_325 = arith.mulf %sub3A_324, %sub3A_324 : vector<16x1024xf32>
    %add3A_326 = arith.addf %mul3A_315, %mul3A_325 : vector<16x1024xf32>
    %slice3A_327 = vector.extract_strided_slice %get3A_4 {offsets = [0, 27], sizes = [16, 1], strides = [1, 1]} : vector<16x64xf32> to vector<16x1xf32>
    %get3A_328 = arith.constant 0 : index
    %get3A_329 = arith.constant 27 : index
    %get3A_330 = arith.constant 0 : index
    %get3A_331 = arith.constant 0 : index
    %get3A_332 = vector.load %arg2[%get3A_328, %get3A_329, %get3A_330, %get3A_331] : memref<4x64x16x1024xf32, #tpu.memory_space<vmem>>, vector<1x1x16x1024xf32>
    %get3A_333 = vector.shape_cast %get3A_332 : vector<1x1x16x1024xf32> to vector<16x1024xf32>
    %sub3A_334 = vector.broadcast %slice3A_327 : vector<16x1xf32> to vector<16x1024xf32>
    %sub3A_335 = arith.subf %sub3A_334, %get3A_333 : vector<16x1024xf32>
    %mul3A_336 = arith.mulf %sub3A_335, %sub3A_335 : vector<16x1024xf32>
    %slice3A_337 = vector.extract_strided_slice %get3A_4 {offsets = [0, 31], sizes = [16, 1], strides = [1, 1]} : vector<16x64xf32> to vector<16x1xf32>
    %get3A_338 = arith.constant 0 : index
    %get3A_339 = arith.constant 31 : index
    %get3A_340 = arith.constant 0 : index
    %get3A_341 = arith.constant 0 : index
    %get3A_342 = vector.load %arg2[%get3A_338, %get3A_339, %get3A_340, %get3A_341] : memref<4x64x16x1024xf32, #tpu.memory_space<vmem>>, vector<1x1x16x1024xf32>
    %get3A_343 = vector.shape_cast %get3A_342 : vector<1x1x16x1024xf32> to vector<16x1024xf32>
    %sub3A_344 = vector.broadcast %slice3A_337 : vector<16x1xf32> to vector<16x1024xf32>
    %sub3A_345 = arith.subf %sub3A_344, %get3A_343 : vector<16x1024xf32>
    %mul3A_346 = arith.mulf %sub3A_345, %sub3A_345 : vector<16x1024xf32>
    %add3A_347 = arith.addf %mul3A_336, %mul3A_346 : vector<16x1024xf32>
    %add3A_348 = arith.addf %add3A_284, %add3A_305 : vector<16x1024xf32>
    %add3A_349 = arith.addf %add3A_326, %add3A_347 : vector<16x1024xf32>
    %add3A_350 = arith.addf %add3A_348, %add3A_349 : vector<16x1024xf32>
    %add3A_351 = arith.addf %add3A_263, %add3A_350 : vector<16x1024xf32>
    %slice3A_352 = vector.extract_strided_slice %get3A_4 {offsets = [0, 32], sizes = [16, 1], strides = [1, 1]} : vector<16x64xf32> to vector<16x1xf32>
    %get3A_353 = arith.constant 0 : index
    %get3A_354 = arith.constant 32 : index
    %get3A_355 = arith.constant 0 : index
    %get3A_356 = arith.constant 0 : index
    %get3A_357 = vector.load %arg2[%get3A_353, %get3A_354, %get3A_355, %get3A_356] : memref<4x64x16x1024xf32, #tpu.memory_space<vmem>>, vector<1x1x16x1024xf32>
    %get3A_358 = vector.shape_cast %get3A_357 : vector<1x1x16x1024xf32> to vector<16x1024xf32>
    %sub3A_359 = vector.broadcast %slice3A_352 : vector<16x1xf32> to vector<16x1024xf32>
    %sub3A_360 = arith.subf %sub3A_359, %get3A_358 : vector<16x1024xf32>
    %mul3A_361 = arith.mulf %sub3A_360, %sub3A_360 : vector<16x1024xf32>
    %slice3A_362 = vector.extract_strided_slice %get3A_4 {offsets = [0, 36], sizes = [16, 1], strides = [1, 1]} : vector<16x64xf32> to vector<16x1xf32>
    %get3A_363 = arith.constant 0 : index
    %get3A_364 = arith.constant 36 : index
    %get3A_365 = arith.constant 0 : index
    %get3A_366 = arith.constant 0 : index
    %get3A_367 = vector.load %arg2[%get3A_363, %get3A_364, %get3A_365, %get3A_366] : memref<4x64x16x1024xf32, #tpu.memory_space<vmem>>, vector<1x1x16x1024xf32>
    %get3A_368 = vector.shape_cast %get3A_367 : vector<1x1x16x1024xf32> to vector<16x1024xf32>
    %sub3A_369 = vector.broadcast %slice3A_362 : vector<16x1xf32> to vector<16x1024xf32>
    %sub3A_370 = arith.subf %sub3A_369, %get3A_368 : vector<16x1024xf32>
    %mul3A_371 = arith.mulf %sub3A_370, %sub3A_370 : vector<16x1024xf32>
    %add3A_372 = arith.addf %mul3A_361, %mul3A_371 : vector<16x1024xf32>
    %slice3A_373 = vector.extract_strided_slice %get3A_4 {offsets = [0, 34], sizes = [16, 1], strides = [1, 1]} : vector<16x64xf32> to vector<16x1xf32>
    %get3A_374 = arith.constant 0 : index
    %get3A_375 = arith.constant 34 : index
    %get3A_376 = arith.constant 0 : index
    %get3A_377 = arith.constant 0 : index
    %get3A_378 = vector.load %arg2[%get3A_374, %get3A_375, %get3A_376, %get3A_377] : memref<4x64x16x1024xf32, #tpu.memory_space<vmem>>, vector<1x1x16x1024xf32>
    %get3A_379 = vector.shape_cast %get3A_378 : vector<1x1x16x1024xf32> to vector<16x1024xf32>
    %sub3A_380 = vector.broadcast %slice3A_373 : vector<16x1xf32> to vector<16x1024xf32>
    %sub3A_381 = arith.subf %sub3A_380, %get3A_379 : vector<16x1024xf32>
    %mul3A_382 = arith.mulf %sub3A_381, %sub3A_381 : vector<16x1024xf32>
    %slice3A_383 = vector.extract_strided_slice %get3A_4 {offsets = [0, 38], sizes = [16, 1], strides = [1, 1]} : vector<16x64xf32> to vector<16x1xf32>
    %get3A_384 = arith.constant 0 : index
    %get3A_385 = arith.constant 38 : index
    %get3A_386 = arith.constant 0 : index
    %get3A_387 = arith.constant 0 : index
    %get3A_388 = vector.load %arg2[%get3A_384, %get3A_385, %get3A_386, %get3A_387] : memref<4x64x16x1024xf32, #tpu.memory_space<vmem>>, vector<1x1x16x1024xf32>
    %get3A_389 = vector.shape_cast %get3A_388 : vector<1x1x16x1024xf32> to vector<16x1024xf32>
    %sub3A_390 = vector.broadcast %slice3A_383 : vector<16x1xf32> to vector<16x1024xf32>
    %sub3A_391 = arith.subf %sub3A_390, %get3A_389 : vector<16x1024xf32>
    %mul3A_392 = arith.mulf %sub3A_391, %sub3A_391 : vector<16x1024xf32>
    %add3A_393 = arith.addf %mul3A_382, %mul3A_392 : vector<16x1024xf32>
    %slice3A_394 = vector.extract_strided_slice %get3A_4 {offsets = [0, 33], sizes = [16, 1], strides = [1, 1]} : vector<16x64xf32> to vector<16x1xf32>
    %get3A_395 = arith.constant 0 : index
    %get3A_396 = arith.constant 33 : index
    %get3A_397 = arith.constant 0 : index
    %get3A_398 = arith.constant 0 : index
    %get3A_399 = vector.load %arg2[%get3A_395, %get3A_396, %get3A_397, %get3A_398] : memref<4x64x16x1024xf32, #tpu.memory_space<vmem>>, vector<1x1x16x1024xf32>
    %get3A_400 = vector.shape_cast %get3A_399 : vector<1x1x16x1024xf32> to vector<16x1024xf32>
    %sub3A_401 = vector.broadcast %slice3A_394 : vector<16x1xf32> to vector<16x1024xf32>
    %sub3A_402 = arith.subf %sub3A_401, %get3A_400 : vector<16x1024xf32>
    %mul3A_403 = arith.mulf %sub3A_402, %sub3A_402 : vector<16x1024xf32>
    %slice3A_404 = vector.extract_strided_slice %get3A_4 {offsets = [0, 37], sizes = [16, 1], strides = [1, 1]} : vector<16x64xf32> to vector<16x1xf32>
    %get3A_405 = arith.constant 0 : index
    %get3A_406 = arith.constant 37 : index
    %get3A_407 = arith.constant 0 : index
    %get3A_408 = arith.constant 0 : index
    %get3A_409 = vector.load %arg2[%get3A_405, %get3A_406, %get3A_407, %get3A_408] : memref<4x64x16x1024xf32, #tpu.memory_space<vmem>>, vector<1x1x16x1024xf32>
    %get3A_410 = vector.shape_cast %get3A_409 : vector<1x1x16x1024xf32> to vector<16x1024xf32>
    %sub3A_411 = vector.broadcast %slice3A_404 : vector<16x1xf32> to vector<16x1024xf32>
    %sub3A_412 = arith.subf %sub3A_411, %get3A_410 : vector<16x1024xf32>
    %mul3A_413 = arith.mulf %sub3A_412, %sub3A_412 : vector<16x1024xf32>
    %add3A_414 = arith.addf %mul3A_403, %mul3A_413 : vector<16x1024xf32>
    %slice3A_415 = vector.extract_strided_slice %get3A_4 {offsets = [0, 35], sizes = [16, 1], strides = [1, 1]} : vector<16x64xf32> to vector<16x1xf32>
    %get3A_416 = arith.constant 0 : index
    %get3A_417 = arith.constant 35 : index
    %get3A_418 = arith.constant 0 : index
    %get3A_419 = arith.constant 0 : index
    %get3A_420 = vector.load %arg2[%get3A_416, %get3A_417, %get3A_418, %get3A_419] : memref<4x64x16x1024xf32, #tpu.memory_space<vmem>>, vector<1x1x16x1024xf32>
    %get3A_421 = vector.shape_cast %get3A_420 : vector<1x1x16x1024xf32> to vector<16x1024xf32>
    %sub3A_422 = vector.broadcast %slice3A_415 : vector<16x1xf32> to vector<16x1024xf32>
    %sub3A_423 = arith.subf %sub3A_422, %get3A_421 : vector<16x1024xf32>
    %mul3A_424 = arith.mulf %sub3A_423, %sub3A_423 : vector<16x1024xf32>
    %slice3A_425 = vector.extract_strided_slice %get3A_4 {offsets = [0, 39], sizes = [16, 1], strides = [1, 1]} : vector<16x64xf32> to vector<16x1xf32>
    %get3A_426 = arith.constant 0 : index
    %get3A_427 = arith.constant 39 : index
    %get3A_428 = arith.constant 0 : index
    %get3A_429 = arith.constant 0 : index
    %get3A_430 = vector.load %arg2[%get3A_426, %get3A_427, %get3A_428, %get3A_429] : memref<4x64x16x1024xf32, #tpu.memory_space<vmem>>, vector<1x1x16x1024xf32>
    %get3A_431 = vector.shape_cast %get3A_430 : vector<1x1x16x1024xf32> to vector<16x1024xf32>
    %sub3A_432 = vector.broadcast %slice3A_425 : vector<16x1xf32> to vector<16x1024xf32>
    %sub3A_433 = arith.subf %sub3A_432, %get3A_431 : vector<16x1024xf32>
    %mul3A_434 = arith.mulf %sub3A_433, %sub3A_433 : vector<16x1024xf32>
    %add3A_435 = arith.addf %mul3A_424, %mul3A_434 : vector<16x1024xf32>
    %add3A_436 = arith.addf %add3A_372, %add3A_393 : vector<16x1024xf32>
    %add3A_437 = arith.addf %add3A_414, %add3A_435 : vector<16x1024xf32>
    %add3A_438 = arith.addf %add3A_436, %add3A_437 : vector<16x1024xf32>
    %add3A_439 = arith.addf %add3A_351, %add3A_438 : vector<16x1024xf32>
    %slice3A_440 = vector.extract_strided_slice %get3A_4 {offsets = [0, 40], sizes = [16, 1], strides = [1, 1]} : vector<16x64xf32> to vector<16x1xf32>
    %get3A_441 = arith.constant 0 : index
    %get3A_442 = arith.constant 40 : index
    %get3A_443 = arith.constant 0 : index
    %get3A_444 = arith.constant 0 : index
    %get3A_445 = vector.load %arg2[%get3A_441, %get3A_442, %get3A_443, %get3A_444] : memref<4x64x16x1024xf32, #tpu.memory_space<vmem>>, vector<1x1x16x1024xf32>
    %get3A_446 = vector.shape_cast %get3A_445 : vector<1x1x16x1024xf32> to vector<16x1024xf32>
    %sub3A_447 = vector.broadcast %slice3A_440 : vector<16x1xf32> to vector<16x1024xf32>
    %sub3A_448 = arith.subf %sub3A_447, %get3A_446 : vector<16x1024xf32>
    %mul3A_449 = arith.mulf %sub3A_448, %sub3A_448 : vector<16x1024xf32>
    %slice3A_450 = vector.extract_strided_slice %get3A_4 {offsets = [0, 44], sizes = [16, 1], strides = [1, 1]} : vector<16x64xf32> to vector<16x1xf32>
    %get3A_451 = arith.constant 0 : index
    %get3A_452 = arith.constant 44 : index
    %get3A_453 = arith.constant 0 : index
    %get3A_454 = arith.constant 0 : index
    %get3A_455 = vector.load %arg2[%get3A_451, %get3A_452, %get3A_453, %get3A_454] : memref<4x64x16x1024xf32, #tpu.memory_space<vmem>>, vector<1x1x16x1024xf32>
    %get3A_456 = vector.shape_cast %get3A_455 : vector<1x1x16x1024xf32> to vector<16x1024xf32>
    %sub3A_457 = vector.broadcast %slice3A_450 : vector<16x1xf32> to vector<16x1024xf32>
    %sub3A_458 = arith.subf %sub3A_457, %get3A_456 : vector<16x1024xf32>
    %mul3A_459 = arith.mulf %sub3A_458, %sub3A_458 : vector<16x1024xf32>
    %add3A_460 = arith.addf %mul3A_449, %mul3A_459 : vector<16x1024xf32>
    %slice3A_461 = vector.extract_strided_slice %get3A_4 {offsets = [0, 42], sizes = [16, 1], strides = [1, 1]} : vector<16x64xf32> to vector<16x1xf32>
    %get3A_462 = arith.constant 0 : index
    %get3A_463 = arith.constant 42 : index
    %get3A_464 = arith.constant 0 : index
    %get3A_465 = arith.constant 0 : index
    %get3A_466 = vector.load %arg2[%get3A_462, %get3A_463, %get3A_464, %get3A_465] : memref<4x64x16x1024xf32, #tpu.memory_space<vmem>>, vector<1x1x16x1024xf32>
    %get3A_467 = vector.shape_cast %get3A_466 : vector<1x1x16x1024xf32> to vector<16x1024xf32>
    %sub3A_468 = vector.broadcast %slice3A_461 : vector<16x1xf32> to vector<16x1024xf32>
    %sub3A_469 = arith.subf %sub3A_468, %get3A_467 : vector<16x1024xf32>
    %mul3A_470 = arith.mulf %sub3A_469, %sub3A_469 : vector<16x1024xf32>
    %slice3A_471 = vector.extract_strided_slice %get3A_4 {offsets = [0, 46], sizes = [16, 1], strides = [1, 1]} : vector<16x64xf32> to vector<16x1xf32>
    %get3A_472 = arith.constant 0 : index
    %get3A_473 = arith.constant 46 : index
    %get3A_474 = arith.constant 0 : index
    %get3A_475 = arith.constant 0 : index
    %get3A_476 = vector.load %arg2[%get3A_472, %get3A_473, %get3A_474, %get3A_475] : memref<4x64x16x1024xf32, #tpu.memory_space<vmem>>, vector<1x1x16x1024xf32>
    %get3A_477 = vector.shape_cast %get3A_476 : vector<1x1x16x1024xf32> to vector<16x1024xf32>
    %sub3A_478 = vector.broadcast %slice3A_471 : vector<16x1xf32> to vector<16x1024xf32>
    %sub3A_479 = arith.subf %sub3A_478, %get3A_477 : vector<16x1024xf32>
    %mul3A_480 = arith.mulf %sub3A_479, %sub3A_479 : vector<16x1024xf32>
    %add3A_481 = arith.addf %mul3A_470, %mul3A_480 : vector<16x1024xf32>
    %slice3A_482 = vector.extract_strided_slice %get3A_4 {offsets = [0, 41], sizes = [16, 1], strides = [1, 1]} : vector<16x64xf32> to vector<16x1xf32>
    %get3A_483 = arith.constant 0 : index
    %get3A_484 = arith.constant 41 : index
    %get3A_485 = arith.constant 0 : index
    %get3A_486 = arith.constant 0 : index
    %get3A_487 = vector.load %arg2[%get3A_483, %get3A_484, %get3A_485, %get3A_486] : memref<4x64x16x1024xf32, #tpu.memory_space<vmem>>, vector<1x1x16x1024xf32>
    %get3A_488 = vector.shape_cast %get3A_487 : vector<1x1x16x1024xf32> to vector<16x1024xf32>
    %sub3A_489 = vector.broadcast %slice3A_482 : vector<16x1xf32> to vector<16x1024xf32>
    %sub3A_490 = arith.subf %sub3A_489, %get3A_488 : vector<16x1024xf32>
    %mul3A_491 = arith.mulf %sub3A_490, %sub3A_490 : vector<16x1024xf32>
    %slice3A_492 = vector.extract_strided_slice %get3A_4 {offsets = [0, 45], sizes = [16, 1], strides = [1, 1]} : vector<16x64xf32> to vector<16x1xf32>
    %get3A_493 = arith.constant 0 : index
    %get3A_494 = arith.constant 45 : index
    %get3A_495 = arith.constant 0 : index
    %get3A_496 = arith.constant 0 : index
    %get3A_497 = vector.load %arg2[%get3A_493, %get3A_494, %get3A_495, %get3A_496] : memref<4x64x16x1024xf32, #tpu.memory_space<vmem>>, vector<1x1x16x1024xf32>
    %get3A_498 = vector.shape_cast %get3A_497 : vector<1x1x16x1024xf32> to vector<16x1024xf32>
    %sub3A_499 = vector.broadcast %slice3A_492 : vector<16x1xf32> to vector<16x1024xf32>
    %sub3A_500 = arith.subf %sub3A_499, %get3A_498 : vector<16x1024xf32>
    %mul3A_501 = arith.mulf %sub3A_500, %sub3A_500 : vector<16x1024xf32>
    %add3A_502 = arith.addf %mul3A_491, %mul3A_501 : vector<16x1024xf32>
    %slice3A_503 = vector.extract_strided_slice %get3A_4 {offsets = [0, 43], sizes = [16, 1], strides = [1, 1]} : vector<16x64xf32> to vector<16x1xf32>
    %get3A_504 = arith.constant 0 : index
    %get3A_505 = arith.constant 43 : index
    %get3A_506 = arith.constant 0 : index
    %get3A_507 = arith.constant 0 : index
    %get3A_508 = vector.load %arg2[%get3A_504, %get3A_505, %get3A_506, %get3A_507] : memref<4x64x16x1024xf32, #tpu.memory_space<vmem>>, vector<1x1x16x1024xf32>
    %get3A_509 = vector.shape_cast %get3A_508 : vector<1x1x16x1024xf32> to vector<16x1024xf32>
    %sub3A_510 = vector.broadcast %slice3A_503 : vector<16x1xf32> to vector<16x1024xf32>
    %sub3A_511 = arith.subf %sub3A_510, %get3A_509 : vector<16x1024xf32>
    %mul3A_512 = arith.mulf %sub3A_511, %sub3A_511 : vector<16x1024xf32>
    %slice3A_513 = vector.extract_strided_slice %get3A_4 {offsets = [0, 47], sizes = [16, 1], strides = [1, 1]} : vector<16x64xf32> to vector<16x1xf32>
    %get3A_514 = arith.constant 0 : index
    %get3A_515 = arith.constant 47 : index
    %get3A_516 = arith.constant 0 : index
    %get3A_517 = arith.constant 0 : index
    %get3A_518 = vector.load %arg2[%get3A_514, %get3A_515, %get3A_516, %get3A_517] : memref<4x64x16x1024xf32, #tpu.memory_space<vmem>>, vector<1x1x16x1024xf32>
    %get3A_519 = vector.shape_cast %get3A_518 : vector<1x1x16x1024xf32> to vector<16x1024xf32>
    %sub3A_520 = vector.broadcast %slice3A_513 : vector<16x1xf32> to vector<16x1024xf32>
    %sub3A_521 = arith.subf %sub3A_520, %get3A_519 : vector<16x1024xf32>
    %mul3A_522 = arith.mulf %sub3A_521, %sub3A_521 : vector<16x1024xf32>
    %add3A_523 = arith.addf %mul3A_512, %mul3A_522 : vector<16x1024xf32>
    %add3A_524 = arith.addf %add3A_460, %add3A_481 : vector<16x1024xf32>
    %add3A_525 = arith.addf %add3A_502, %add3A_523 : vector<16x1024xf32>
    %add3A_526 = arith.addf %add3A_524, %add3A_525 : vector<16x1024xf32>
    %add3A_527 = arith.addf %add3A_439, %add3A_526 : vector<16x1024xf32>
    %slice3A_528 = vector.extract_strided_slice %get3A_4 {offsets = [0, 48], sizes = [16, 1], strides = [1, 1]} : vector<16x64xf32> to vector<16x1xf32>
    %get3A_529 = arith.constant 0 : index
    %get3A_530 = arith.constant 48 : index
    %get3A_531 = arith.constant 0 : index
    %get3A_532 = arith.constant 0 : index
    %get3A_533 = vector.load %arg2[%get3A_529, %get3A_530, %get3A_531, %get3A_532] : memref<4x64x16x1024xf32, #tpu.memory_space<vmem>>, vector<1x1x16x1024xf32>
    %get3A_534 = vector.shape_cast %get3A_533 : vector<1x1x16x1024xf32> to vector<16x1024xf32>
    %sub3A_535 = vector.broadcast %slice3A_528 : vector<16x1xf32> to vector<16x1024xf32>
    %sub3A_536 = arith.subf %sub3A_535, %get3A_534 : vector<16x1024xf32>
    %mul3A_537 = arith.mulf %sub3A_536, %sub3A_536 : vector<16x1024xf32>
    %slice3A_538 = vector.extract_strided_slice %get3A_4 {offsets = [0, 52], sizes = [16, 1], strides = [1, 1]} : vector<16x64xf32> to vector<16x1xf32>
    %get3A_539 = arith.constant 0 : index
    %get3A_540 = arith.constant 52 : index
    %get3A_541 = arith.constant 0 : index
    %get3A_542 = arith.constant 0 : index
    %get3A_543 = vector.load %arg2[%get3A_539, %get3A_540, %get3A_541, %get3A_542] : memref<4x64x16x1024xf32, #tpu.memory_space<vmem>>, vector<1x1x16x1024xf32>
    %get3A_544 = vector.shape_cast %get3A_543 : vector<1x1x16x1024xf32> to vector<16x1024xf32>
    %sub3A_545 = vector.broadcast %slice3A_538 : vector<16x1xf32> to vector<16x1024xf32>
    %sub3A_546 = arith.subf %sub3A_545, %get3A_544 : vector<16x1024xf32>
    %mul3A_547 = arith.mulf %sub3A_546, %sub3A_546 : vector<16x1024xf32>
    %add3A_548 = arith.addf %mul3A_537, %mul3A_547 : vector<16x1024xf32>
    %slice3A_549 = vector.extract_strided_slice %get3A_4 {offsets = [0, 50], sizes = [16, 1], strides = [1, 1]} : vector<16x64xf32> to vector<16x1xf32>
    %get3A_550 = arith.constant 0 : index
    %get3A_551 = arith.constant 50 : index
    %get3A_552 = arith.constant 0 : index
    %get3A_553 = arith.constant 0 : index
    %get3A_554 = vector.load %arg2[%get3A_550, %get3A_551, %get3A_552, %get3A_553] : memref<4x64x16x1024xf32, #tpu.memory_space<vmem>>, vector<1x1x16x1024xf32>
    %get3A_555 = vector.shape_cast %get3A_554 : vector<1x1x16x1024xf32> to vector<16x1024xf32>
    %sub3A_556 = vector.broadcast %slice3A_549 : vector<16x1xf32> to vector<16x1024xf32>
    %sub3A_557 = arith.subf %sub3A_556, %get3A_555 : vector<16x1024xf32>
    %mul3A_558 = arith.mulf %sub3A_557, %sub3A_557 : vector<16x1024xf32>
    %slice3A_559 = vector.extract_strided_slice %get3A_4 {offsets = [0, 54], sizes = [16, 1], strides = [1, 1]} : vector<16x64xf32> to vector<16x1xf32>
    %get3A_560 = arith.constant 0 : index
    %get3A_561 = arith.constant 54 : index
    %get3A_562 = arith.constant 0 : index
    %get3A_563 = arith.constant 0 : index
    %get3A_564 = vector.load %arg2[%get3A_560, %get3A_561, %get3A_562, %get3A_563] : memref<4x64x16x1024xf32, #tpu.memory_space<vmem>>, vector<1x1x16x1024xf32>
    %get3A_565 = vector.shape_cast %get3A_564 : vector<1x1x16x1024xf32> to vector<16x1024xf32>
    %sub3A_566 = vector.broadcast %slice3A_559 : vector<16x1xf32> to vector<16x1024xf32>
    %sub3A_567 = arith.subf %sub3A_566, %get3A_565 : vector<16x1024xf32>
    %mul3A_568 = arith.mulf %sub3A_567, %sub3A_567 : vector<16x1024xf32>
    %add3A_569 = arith.addf %mul3A_558, %mul3A_568 : vector<16x1024xf32>
    %slice3A_570 = vector.extract_strided_slice %get3A_4 {offsets = [0, 49], sizes = [16, 1], strides = [1, 1]} : vector<16x64xf32> to vector<16x1xf32>
    %get3A_571 = arith.constant 0 : index
    %get3A_572 = arith.constant 49 : index
    %get3A_573 = arith.constant 0 : index
    %get3A_574 = arith.constant 0 : index
    %get3A_575 = vector.load %arg2[%get3A_571, %get3A_572, %get3A_573, %get3A_574] : memref<4x64x16x1024xf32, #tpu.memory_space<vmem>>, vector<1x1x16x1024xf32>
    %get3A_576 = vector.shape_cast %get3A_575 : vector<1x1x16x1024xf32> to vector<16x1024xf32>
    %sub3A_577 = vector.broadcast %slice3A_570 : vector<16x1xf32> to vector<16x1024xf32>
    %sub3A_578 = arith.subf %sub3A_577, %get3A_576 : vector<16x1024xf32>
    %mul3A_579 = arith.mulf %sub3A_578, %sub3A_578 : vector<16x1024xf32>
    %slice3A_580 = vector.extract_strided_slice %get3A_4 {offsets = [0, 53], sizes = [16, 1], strides = [1, 1]} : vector<16x64xf32> to vector<16x1xf32>
    %get3A_581 = arith.constant 0 : index
    %get3A_582 = arith.constant 53 : index
    %get3A_583 = arith.constant 0 : index
    %get3A_584 = arith.constant 0 : index
    %get3A_585 = vector.load %arg2[%get3A_581, %get3A_582, %get3A_583, %get3A_584] : memref<4x64x16x1024xf32, #tpu.memory_space<vmem>>, vector<1x1x16x1024xf32>
    %get3A_586 = vector.shape_cast %get3A_585 : vector<1x1x16x1024xf32> to vector<16x1024xf32>
    %sub3A_587 = vector.broadcast %slice3A_580 : vector<16x1xf32> to vector<16x1024xf32>
    %sub3A_588 = arith.subf %sub3A_587, %get3A_586 : vector<16x1024xf32>
    %mul3A_589 = arith.mulf %sub3A_588, %sub3A_588 : vector<16x1024xf32>
    %add3A_590 = arith.addf %mul3A_579, %mul3A_589 : vector<16x1024xf32>
    %slice3A_591 = vector.extract_strided_slice %get3A_4 {offsets = [0, 51], sizes = [16, 1], strides = [1, 1]} : vector<16x64xf32> to vector<16x1xf32>
    %get3A_592 = arith.constant 0 : index
    %get3A_593 = arith.constant 51 : index
    %get3A_594 = arith.constant 0 : index
    %get3A_595 = arith.constant 0 : index
    %get3A_596 = vector.load %arg2[%get3A_592, %get3A_593, %get3A_594, %get3A_595] : memref<4x64x16x1024xf32, #tpu.memory_space<vmem>>, vector<1x1x16x1024xf32>
    %get3A_597 = vector.shape_cast %get3A_596 : vector<1x1x16x1024xf32> to vector<16x1024xf32>
    %sub3A_598 = vector.broadcast %slice3A_591 : vector<16x1xf32> to vector<16x1024xf32>
    %sub3A_599 = arith.subf %sub3A_598, %get3A_597 : vector<16x1024xf32>
    %mul3A_600 = arith.mulf %sub3A_599, %sub3A_599 : vector<16x1024xf32>
    %slice3A_601 = vector.extract_strided_slice %get3A_4 {offsets = [0, 55], sizes = [16, 1], strides = [1, 1]} : vector<16x64xf32> to vector<16x1xf32>
    %get3A_602 = arith.constant 0 : index
    %get3A_603 = arith.constant 55 : index
    %get3A_604 = arith.constant 0 : index
    %get3A_605 = arith.constant 0 : index
    %get3A_606 = vector.load %arg2[%get3A_602, %get3A_603, %get3A_604, %get3A_605] : memref<4x64x16x1024xf32, #tpu.memory_space<vmem>>, vector<1x1x16x1024xf32>
    %get3A_607 = vector.shape_cast %get3A_606 : vector<1x1x16x1024xf32> to vector<16x1024xf32>
    %sub3A_608 = vector.broadcast %slice3A_601 : vector<16x1xf32> to vector<16x1024xf32>
    %sub3A_609 = arith.subf %sub3A_608, %get3A_607 : vector<16x1024xf32>
    %mul3A_610 = arith.mulf %sub3A_609, %sub3A_609 : vector<16x1024xf32>
    %add3A_611 = arith.addf %mul3A_600, %mul3A_610 : vector<16x1024xf32>
    %add3A_612 = arith.addf %add3A_548, %add3A_569 : vector<16x1024xf32>
    %add3A_613 = arith.addf %add3A_590, %add3A_611 : vector<16x1024xf32>
    %add3A_614 = arith.addf %add3A_612, %add3A_613 : vector<16x1024xf32>
    %add3A_615 = arith.addf %add3A_527, %add3A_614 : vector<16x1024xf32>
    %slice3A_616 = vector.extract_strided_slice %get3A_4 {offsets = [0, 56], sizes = [16, 1], strides = [1, 1]} : vector<16x64xf32> to vector<16x1xf32>
    %get3A_617 = arith.constant 0 : index
    %get3A_618 = arith.constant 56 : index
    %get3A_619 = arith.constant 0 : index
    %get3A_620 = arith.constant 0 : index
    %get3A_621 = vector.load %arg2[%get3A_617, %get3A_618, %get3A_619, %get3A_620] : memref<4x64x16x1024xf32, #tpu.memory_space<vmem>>, vector<1x1x16x1024xf32>
    %get3A_622 = vector.shape_cast %get3A_621 : vector<1x1x16x1024xf32> to vector<16x1024xf32>
    %sub3A_623 = vector.broadcast %slice3A_616 : vector<16x1xf32> to vector<16x1024xf32>
    %sub3A_624 = arith.subf %sub3A_623, %get3A_622 : vector<16x1024xf32>
    %mul3A_625 = arith.mulf %sub3A_624, %sub3A_624 : vector<16x1024xf32>
    %slice3A_626 = vector.extract_strided_slice %get3A_4 {offsets = [0, 60], sizes = [16, 1], strides = [1, 1]} : vector<16x64xf32> to vector<16x1xf32>
    %get3A_627 = arith.constant 0 : index
    %get3A_628 = arith.constant 60 : index
    %get3A_629 = arith.constant 0 : index
    %get3A_630 = arith.constant 0 : index
    %get3A_631 = vector.load %arg2[%get3A_627, %get3A_628, %get3A_629, %get3A_630] : memref<4x64x16x1024xf32, #tpu.memory_space<vmem>>, vector<1x1x16x1024xf32>
    %get3A_632 = vector.shape_cast %get3A_631 : vector<1x1x16x1024xf32> to vector<16x1024xf32>
    %sub3A_633 = vector.broadcast %slice3A_626 : vector<16x1xf32> to vector<16x1024xf32>
    %sub3A_634 = arith.subf %sub3A_633, %get3A_632 : vector<16x1024xf32>
    %mul3A_635 = arith.mulf %sub3A_634, %sub3A_634 : vector<16x1024xf32>
    %add3A_636 = arith.addf %mul3A_625, %mul3A_635 : vector<16x1024xf32>
    %slice3A_637 = vector.extract_strided_slice %get3A_4 {offsets = [0, 58], sizes = [16, 1], strides = [1, 1]} : vector<16x64xf32> to vector<16x1xf32>
    %get3A_638 = arith.constant 0 : index
    %get3A_639 = arith.constant 58 : index
    %get3A_640 = arith.constant 0 : index
    %get3A_641 = arith.constant 0 : index
    %get3A_642 = vector.load %arg2[%get3A_638, %get3A_639, %get3A_640, %get3A_641] : memref<4x64x16x1024xf32, #tpu.memory_space<vmem>>, vector<1x1x16x1024xf32>
    %get3A_643 = vector.shape_cast %get3A_642 : vector<1x1x16x1024xf32> to vector<16x1024xf32>
    %sub3A_644 = vector.broadcast %slice3A_637 : vector<16x1xf32> to vector<16x1024xf32>
    %sub3A_645 = arith.subf %sub3A_644, %get3A_643 : vector<16x1024xf32>
    %mul3A_646 = arith.mulf %sub3A_645, %sub3A_645 : vector<16x1024xf32>
    %slice3A_647 = vector.extract_strided_slice %get3A_4 {offsets = [0, 62], sizes = [16, 1], strides = [1, 1]} : vector<16x64xf32> to vector<16x1xf32>
    %get3A_648 = arith.constant 0 : index
    %get3A_649 = arith.constant 62 : index
    %get3A_650 = arith.constant 0 : index
    %get3A_651 = arith.constant 0 : index
    %get3A_652 = vector.load %arg2[%get3A_648, %get3A_649, %get3A_650, %get3A_651] : memref<4x64x16x1024xf32, #tpu.memory_space<vmem>>, vector<1x1x16x1024xf32>
    %get3A_653 = vector.shape_cast %get3A_652 : vector<1x1x16x1024xf32> to vector<16x1024xf32>
    %sub3A_654 = vector.broadcast %slice3A_647 : vector<16x1xf32> to vector<16x1024xf32>
    %sub3A_655 = arith.subf %sub3A_654, %get3A_653 : vector<16x1024xf32>
    %mul3A_656 = arith.mulf %sub3A_655, %sub3A_655 : vector<16x1024xf32>
    %add3A_657 = arith.addf %mul3A_646, %mul3A_656 : vector<16x1024xf32>
    %slice3A_658 = vector.extract_strided_slice %get3A_4 {offsets = [0, 57], sizes = [16, 1], strides = [1, 1]} : vector<16x64xf32> to vector<16x1xf32>
    %get3A_659 = arith.constant 0 : index
    %get3A_660 = arith.constant 57 : index
    %get3A_661 = arith.constant 0 : index
    %get3A_662 = arith.constant 0 : index
    %get3A_663 = vector.load %arg2[%get3A_659, %get3A_660, %get3A_661, %get3A_662] : memref<4x64x16x1024xf32, #tpu.memory_space<vmem>>, vector<1x1x16x1024xf32>
    %get3A_664 = vector.shape_cast %get3A_663 : vector<1x1x16x1024xf32> to vector<16x1024xf32>
    %sub3A_665 = vector.broadcast %slice3A_658 : vector<16x1xf32> to vector<16x1024xf32>
    %sub3A_666 = arith.subf %sub3A_665, %get3A_664 : vector<16x1024xf32>
    %mul3A_667 = arith.mulf %sub3A_666, %sub3A_666 : vector<16x1024xf32>
    %slice3A_668 = vector.extract_strided_slice %get3A_4 {offsets = [0, 61], sizes = [16, 1], strides = [1, 1]} : vector<16x64xf32> to vector<16x1xf32>
    %get3A_669 = arith.constant 0 : index
    %get3A_670 = arith.constant 61 : index
    %get3A_671 = arith.constant 0 : index
    %get3A_672 = arith.constant 0 : index
    %get3A_673 = vector.load %arg2[%get3A_669, %get3A_670, %get3A_671, %get3A_672] : memref<4x64x16x1024xf32, #tpu.memory_space<vmem>>, vector<1x1x16x1024xf32>
    %get3A_674 = vector.shape_cast %get3A_673 : vector<1x1x16x1024xf32> to vector<16x1024xf32>
    %sub3A_675 = vector.broadcast %slice3A_668 : vector<16x1xf32> to vector<16x1024xf32>
    %sub3A_676 = arith.subf %sub3A_675, %get3A_674 : vector<16x1024xf32>
    %mul3A_677 = arith.mulf %sub3A_676, %sub3A_676 : vector<16x1024xf32>
    %add3A_678 = arith.addf %mul3A_667, %mul3A_677 : vector<16x1024xf32>
    %slice3A_679 = vector.extract_strided_slice %get3A_4 {offsets = [0, 59], sizes = [16, 1], strides = [1, 1]} : vector<16x64xf32> to vector<16x1xf32>
    %get3A_680 = arith.constant 0 : index
    %get3A_681 = arith.constant 59 : index
    %get3A_682 = arith.constant 0 : index
    %get3A_683 = arith.constant 0 : index
    %get3A_684 = vector.load %arg2[%get3A_680, %get3A_681, %get3A_682, %get3A_683] : memref<4x64x16x1024xf32, #tpu.memory_space<vmem>>, vector<1x1x16x1024xf32>
    %get3A_685 = vector.shape_cast %get3A_684 : vector<1x1x16x1024xf32> to vector<16x1024xf32>
    %sub3A_686 = vector.broadcast %slice3A_679 : vector<16x1xf32> to vector<16x1024xf32>
    %sub3A_687 = arith.subf %sub3A_686, %get3A_685 : vector<16x1024xf32>
    %mul3A_688 = arith.mulf %sub3A_687, %sub3A_687 : vector<16x1024xf32>
    %slice3A_689 = vector.extract_strided_slice %get3A_4 {offsets = [0, 63], sizes = [16, 1], strides = [1, 1]} : vector<16x64xf32> to vector<16x1xf32>
    %get3A_690 = arith.constant 0 : index
    %get3A_691 = arith.constant 63 : index
    %get3A_692 = arith.constant 0 : index
    %get3A_693 = arith.constant 0 : index
    %get3A_694 = vector.load %arg2[%get3A_690, %get3A_691, %get3A_692, %get3A_693] : memref<4x64x16x1024xf32, #tpu.memory_space<vmem>>, vector<1x1x16x1024xf32>
    %get3A_695 = vector.shape_cast %get3A_694 : vector<1x1x16x1024xf32> to vector<16x1024xf32>
    %sub3A_696 = vector.broadcast %slice3A_689 : vector<16x1xf32> to vector<16x1024xf32>
    %sub3A_697 = arith.subf %sub3A_696, %get3A_695 : vector<16x1024xf32>
    %mul3A_698 = arith.mulf %sub3A_697, %sub3A_697 : vector<16x1024xf32>
    %add3A_699 = arith.addf %mul3A_688, %mul3A_698 : vector<16x1024xf32>
    %add3A_700 = arith.addf %add3A_636, %add3A_657 : vector<16x1024xf32>
    %add3A_701 = arith.addf %add3A_678, %add3A_699 : vector<16x1024xf32>
    %add3A_702 = arith.addf %add3A_700, %add3A_701 : vector<16x1024xf32>
    %add3A_703 = arith.addf %add3A_615, %add3A_702 : vector<16x1024xf32>
    %sqrt3A = math.sqrt %add3A_703 : vector<16x1024xf32>
    %reduce_min3A = arith.constant dense<0x7F800000> : vector<16xf32>
    %reduce_min3A_704 = vector.multi_reduction <minimumf>, %sqrt3A, %reduce_min3A [1] : vector<16x1024xf32> to vector<16xf32>
    %broadcast_in_dim3A = vector.shape_cast %reduce_min3A_704 : vector<16xf32> to vector<16x1xf32>
    %iota3A = tpu.iota {dimensions = array<i32: 1>} : vector<16x1024xi32>
    %eq3A = vector.broadcast %broadcast_in_dim3A : vector<16x1xf32> to vector<16x1024xf32>
    %eq3A_705 = arith.cmpf oeq, %sqrt3A, %eq3A : vector<16x1024xf32>
    %jit3A = arith.constant 1024 : i32
    %broadcast_in_dim3A_706 = vector.broadcast %jit3A : i32 to vector<16x1024xi32>
    %select_n3A = arith.select %eq3A_705, %iota3A, %broadcast_in_dim3A_706 : vector<16x1024xi1>, vector<16x1024xi32>
    %reduce_min3A_707 = arith.constant dense<2147483647> : vector<16xi32>
    %reduce_min3A_708 = vector.multi_reduction <minsi>, %select_n3A, %reduce_min3A_707 [1] : vector<16x1024xi32> to vector<16xi32>
    %broadcast_in_dim3A_709 = vector.shape_cast %reduce_min3A_708 : vector<16xi32> to vector<16x1xi32>
    %broadcast_in_dim3A_710 = vector.shape_cast %reduce_min3A_708 : vector<16xi32> to vector<16x1xi32>
    %add3A_711 = arith.constant 0 : i32
    %add3A_712 = vector.broadcast %add3A_711 : i32 to vector<16x1xi32>
    %add3A_713 = arith.addi %broadcast_in_dim3A_710, %add3A_712 : vector<16x1xi32>
    %get3A_714 = arith.constant 0 : index
    %get3A_715 = arith.constant 0 : index
    %get3A_716 = arith.constant 1 : index
    %get3A_717 = arith.constant 0 : index
    %get3A_718 = vector.load %arg1[%get3A_714, %get3A_715, %get3A_716, %get3A_717] : memref<1x16x4x64xf32, #tpu.memory_space<vmem>>, vector<1x16x1x64xf32>
    %get3A_719 = vector.shape_cast %get3A_718 : vector<1x16x1x64xf32> to vector<16x64xf32>
    %slice3A_720 = vector.extract_strided_slice %get3A_719 {offsets = [0, 0], sizes = [16, 1], strides = [1, 1]} : vector<16x64xf32> to vector<16x1xf32>
    %get3A_721 = arith.constant 1 : index
    %get3A_722 = arith.constant 0 : index
    %get3A_723 = arith.constant 0 : index
    %get3A_724 = arith.constant 0 : index
    %get3A_725 = vector.load %arg2[%get3A_721, %get3A_722, %get3A_723, %get3A_724] : memref<4x64x16x1024xf32, #tpu.memory_space<vmem>>, vector<1x1x16x1024xf32>
    %get3A_726 = vector.shape_cast %get3A_725 : vector<1x1x16x1024xf32> to vector<16x1024xf32>
    %sub3A_727 = vector.broadcast %slice3A_720 : vector<16x1xf32> to vector<16x1024xf32>
    %sub3A_728 = arith.subf %sub3A_727, %get3A_726 : vector<16x1024xf32>
    %mul3A_729 = arith.mulf %sub3A_728, %sub3A_728 : vector<16x1024xf32>
    %slice3A_730 = vector.extract_strided_slice %get3A_719 {offsets = [0, 4], sizes = [16, 1], strides = [1, 1]} : vector<16x64xf32> to vector<16x1xf32>
    %get3A_731 = arith.constant 1 : index
    %get3A_732 = arith.constant 4 : index
    %get3A_733 = arith.constant 0 : index
    %get3A_734 = arith.constant 0 : index
    %get3A_735 = vector.load %arg2[%get3A_731, %get3A_732, %get3A_733, %get3A_734] : memref<4x64x16x1024xf32, #tpu.memory_space<vmem>>, vector<1x1x16x1024xf32>
    %get3A_736 = vector.shape_cast %get3A_735 : vector<1x1x16x1024xf32> to vector<16x1024xf32>
    %sub3A_737 = vector.broadcast %slice3A_730 : vector<16x1xf32> to vector<16x1024xf32>
    %sub3A_738 = arith.subf %sub3A_737, %get3A_736 : vector<16x1024xf32>
    %mul3A_739 = arith.mulf %sub3A_738, %sub3A_738 : vector<16x1024xf32>
    %add3A_740 = arith.addf %mul3A_729, %mul3A_739 : vector<16x1024xf32>
    %slice3A_741 = vector.extract_strided_slice %get3A_719 {offsets = [0, 2], sizes = [16, 1], strides = [1, 1]} : vector<16x64xf32> to vector<16x1xf32>
    %get3A_742 = arith.constant 1 : index
    %get3A_743 = arith.constant 2 : index
    %get3A_744 = arith.constant 0 : index
    %get3A_745 = arith.constant 0 : index
    %get3A_746 = vector.load %arg2[%get3A_742, %get3A_743, %get3A_744, %get3A_745] : memref<4x64x16x1024xf32, #tpu.memory_space<vmem>>, vector<1x1x16x1024xf32>
    %get3A_747 = vector.shape_cast %get3A_746 : vector<1x1x16x1024xf32> to vector<16x1024xf32>
    %sub3A_748 = vector.broadcast %slice3A_741 : vector<16x1xf32> to vector<16x1024xf32>
    %sub3A_749 = arith.subf %sub3A_748, %get3A_747 : vector<16x1024xf32>
    %mul3A_750 = arith.mulf %sub3A_749, %sub3A_749 : vector<16x1024xf32>
    %slice3A_751 = vector.extract_strided_slice %get3A_719 {offsets = [0, 6], sizes = [16, 1], strides = [1, 1]} : vector<16x64xf32> to vector<16x1xf32>
    %get3A_752 = arith.constant 1 : index
    %get3A_753 = arith.constant 6 : index
    %get3A_754 = arith.constant 0 : index
    %get3A_755 = arith.constant 0 : index
    %get3A_756 = vector.load %arg2[%get3A_752, %get3A_753, %get3A_754, %get3A_755] : memref<4x64x16x1024xf32, #tpu.memory_space<vmem>>, vector<1x1x16x1024xf32>
    %get3A_757 = vector.shape_cast %get3A_756 : vector<1x1x16x1024xf32> to vector<16x1024xf32>
    %sub3A_758 = vector.broadcast %slice3A_751 : vector<16x1xf32> to vector<16x1024xf32>
    %sub3A_759 = arith.subf %sub3A_758, %get3A_757 : vector<16x1024xf32>
    %mul3A_760 = arith.mulf %sub3A_759, %sub3A_759 : vector<16x1024xf32>
    %add3A_761 = arith.addf %mul3A_750, %mul3A_760 : vector<16x1024xf32>
    %slice3A_762 = vector.extract_strided_slice %get3A_719 {offsets = [0, 1], sizes = [16, 1], strides = [1, 1]} : vector<16x64xf32> to vector<16x1xf32>
    %get3A_763 = arith.constant 1 : index
    %get3A_764 = arith.constant 1 : index
    %get3A_765 = arith.constant 0 : index
    %get3A_766 = arith.constant 0 : index
    %get3A_767 = vector.load %arg2[%get3A_763, %get3A_764, %get3A_765, %get3A_766] : memref<4x64x16x1024xf32, #tpu.memory_space<vmem>>, vector<1x1x16x1024xf32>
    %get3A_768 = vector.shape_cast %get3A_767 : vector<1x1x16x1024xf32> to vector<16x1024xf32>
    %sub3A_769 = vector.broadcast %slice3A_762 : vector<16x1xf32> to vector<16x1024xf32>
    %sub3A_770 = arith.subf %sub3A_769, %get3A_768 : vector<16x1024xf32>
    %mul3A_771 = arith.mulf %sub3A_770, %sub3A_770 : vector<16x1024xf32>
    %slice3A_772 = vector.extract_strided_slice %get3A_719 {offsets = [0, 5], sizes = [16, 1], strides = [1, 1]} : vector<16x64xf32> to vector<16x1xf32>
    %get3A_773 = arith.constant 1 : index
    %get3A_774 = arith.constant 5 : index
    %get3A_775 = arith.constant 0 : index
    %get3A_776 = arith.constant 0 : index
    %get3A_777 = vector.load %arg2[%get3A_773, %get3A_774, %get3A_775, %get3A_776] : memref<4x64x16x1024xf32, #tpu.memory_space<vmem>>, vector<1x1x16x1024xf32>
    %get3A_778 = vector.shape_cast %get3A_777 : vector<1x1x16x1024xf32> to vector<16x1024xf32>
    %sub3A_779 = vector.broadcast %slice3A_772 : vector<16x1xf32> to vector<16x1024xf32>
    %sub3A_780 = arith.subf %sub3A_779, %get3A_778 : vector<16x1024xf32>
    %mul3A_781 = arith.mulf %sub3A_780, %sub3A_780 : vector<16x1024xf32>
    %add3A_782 = arith.addf %mul3A_771, %mul3A_781 : vector<16x1024xf32>
    %slice3A_783 = vector.extract_strided_slice %get3A_719 {offsets = [0, 3], sizes = [16, 1], strides = [1, 1]} : vector<16x64xf32> to vector<16x1xf32>
    %get3A_784 = arith.constant 1 : index
    %get3A_785 = arith.constant 3 : index
    %get3A_786 = arith.constant 0 : index
    %get3A_787 = arith.constant 0 : index
    %get3A_788 = vector.load %arg2[%get3A_784, %get3A_785, %get3A_786, %get3A_787] : memref<4x64x16x1024xf32, #tpu.memory_space<vmem>>, vector<1x1x16x1024xf32>
    %get3A_789 = vector.shape_cast %get3A_788 : vector<1x1x16x1024xf32> to vector<16x1024xf32>
    %sub3A_790 = vector.broadcast %slice3A_783 : vector<16x1xf32> to vector<16x1024xf32>
    %sub3A_791 = arith.subf %sub3A_790, %get3A_789 : vector<16x1024xf32>
    %mul3A_792 = arith.mulf %sub3A_791, %sub3A_791 : vector<16x1024xf32>
    %slice3A_793 = vector.extract_strided_slice %get3A_719 {offsets = [0, 7], sizes = [16, 1], strides = [1, 1]} : vector<16x64xf32> to vector<16x1xf32>
    %get3A_794 = arith.constant 1 : index
    %get3A_795 = arith.constant 7 : index
    %get3A_796 = arith.constant 0 : index
    %get3A_797 = arith.constant 0 : index
    %get3A_798 = vector.load %arg2[%get3A_794, %get3A_795, %get3A_796, %get3A_797] : memref<4x64x16x1024xf32, #tpu.memory_space<vmem>>, vector<1x1x16x1024xf32>
    %get3A_799 = vector.shape_cast %get3A_798 : vector<1x1x16x1024xf32> to vector<16x1024xf32>
    %sub3A_800 = vector.broadcast %slice3A_793 : vector<16x1xf32> to vector<16x1024xf32>
    %sub3A_801 = arith.subf %sub3A_800, %get3A_799 : vector<16x1024xf32>
    %mul3A_802 = arith.mulf %sub3A_801, %sub3A_801 : vector<16x1024xf32>
    %add3A_803 = arith.addf %mul3A_792, %mul3A_802 : vector<16x1024xf32>
    %add3A_804 = arith.addf %add3A_740, %add3A_761 : vector<16x1024xf32>
    %add3A_805 = arith.addf %add3A_782, %add3A_803 : vector<16x1024xf32>
    %add3A_806 = arith.addf %add3A_804, %add3A_805 : vector<16x1024xf32>
    %slice3A_807 = vector.extract_strided_slice %get3A_719 {offsets = [0, 8], sizes = [16, 1], strides = [1, 1]} : vector<16x64xf32> to vector<16x1xf32>
    %get3A_808 = arith.constant 1 : index
    %get3A_809 = arith.constant 8 : index
    %get3A_810 = arith.constant 0 : index
    %get3A_811 = arith.constant 0 : index
    %get3A_812 = vector.load %arg2[%get3A_808, %get3A_809, %get3A_810, %get3A_811] : memref<4x64x16x1024xf32, #tpu.memory_space<vmem>>, vector<1x1x16x1024xf32>
    %get3A_813 = vector.shape_cast %get3A_812 : vector<1x1x16x1024xf32> to vector<16x1024xf32>
    %sub3A_814 = vector.broadcast %slice3A_807 : vector<16x1xf32> to vector<16x1024xf32>
    %sub3A_815 = arith.subf %sub3A_814, %get3A_813 : vector<16x1024xf32>
    %mul3A_816 = arith.mulf %sub3A_815, %sub3A_815 : vector<16x1024xf32>
    %slice3A_817 = vector.extract_strided_slice %get3A_719 {offsets = [0, 12], sizes = [16, 1], strides = [1, 1]} : vector<16x64xf32> to vector<16x1xf32>
    %get3A_818 = arith.constant 1 : index
    %get3A_819 = arith.constant 12 : index
    %get3A_820 = arith.constant 0 : index
    %get3A_821 = arith.constant 0 : index
    %get3A_822 = vector.load %arg2[%get3A_818, %get3A_819, %get3A_820, %get3A_821] : memref<4x64x16x1024xf32, #tpu.memory_space<vmem>>, vector<1x1x16x1024xf32>
    %get3A_823 = vector.shape_cast %get3A_822 : vector<1x1x16x1024xf32> to vector<16x1024xf32>
    %sub3A_824 = vector.broadcast %slice3A_817 : vector<16x1xf32> to vector<16x1024xf32>
    %sub3A_825 = arith.subf %sub3A_824, %get3A_823 : vector<16x1024xf32>
    %mul3A_826 = arith.mulf %sub3A_825, %sub3A_825 : vector<16x1024xf32>
    %add3A_827 = arith.addf %mul3A_816, %mul3A_826 : vector<16x1024xf32>
    %slice3A_828 = vector.extract_strided_slice %get3A_719 {offsets = [0, 10], sizes = [16, 1], strides = [1, 1]} : vector<16x64xf32> to vector<16x1xf32>
    %get3A_829 = arith.constant 1 : index
    %get3A_830 = arith.constant 10 : index
    %get3A_831 = arith.constant 0 : index
    %get3A_832 = arith.constant 0 : index
    %get3A_833 = vector.load %arg2[%get3A_829, %get3A_830, %get3A_831, %get3A_832] : memref<4x64x16x1024xf32, #tpu.memory_space<vmem>>, vector<1x1x16x1024xf32>
    %get3A_834 = vector.shape_cast %get3A_833 : vector<1x1x16x1024xf32> to vector<16x1024xf32>
    %sub3A_835 = vector.broadcast %slice3A_828 : vector<16x1xf32> to vector<16x1024xf32>
    %sub3A_836 = arith.subf %sub3A_835, %get3A_834 : vector<16x1024xf32>
    %mul3A_837 = arith.mulf %sub3A_836, %sub3A_836 : vector<16x1024xf32>
    %slice3A_838 = vector.extract_strided_slice %get3A_719 {offsets = [0, 14], sizes = [16, 1], strides = [1, 1]} : vector<16x64xf32> to vector<16x1xf32>
    %get3A_839 = arith.constant 1 : index
    %get3A_840 = arith.constant 14 : index
    %get3A_841 = arith.constant 0 : index
    %get3A_842 = arith.constant 0 : index
    %get3A_843 = vector.load %arg2[%get3A_839, %get3A_840, %get3A_841, %get3A_842] : memref<4x64x16x1024xf32, #tpu.memory_space<vmem>>, vector<1x1x16x1024xf32>
    %get3A_844 = vector.shape_cast %get3A_843 : vector<1x1x16x1024xf32> to vector<16x1024xf32>
    %sub3A_845 = vector.broadcast %slice3A_838 : vector<16x1xf32> to vector<16x1024xf32>
    %sub3A_846 = arith.subf %sub3A_845, %get3A_844 : vector<16x1024xf32>
    %mul3A_847 = arith.mulf %sub3A_846, %sub3A_846 : vector<16x1024xf32>
    %add3A_848 = arith.addf %mul3A_837, %mul3A_847 : vector<16x1024xf32>
    %slice3A_849 = vector.extract_strided_slice %get3A_719 {offsets = [0, 9], sizes = [16, 1], strides = [1, 1]} : vector<16x64xf32> to vector<16x1xf32>
    %get3A_850 = arith.constant 1 : index
    %get3A_851 = arith.constant 9 : index
    %get3A_852 = arith.constant 0 : index
    %get3A_853 = arith.constant 0 : index
    %get3A_854 = vector.load %arg2[%get3A_850, %get3A_851, %get3A_852, %get3A_853] : memref<4x64x16x1024xf32, #tpu.memory_space<vmem>>, vector<1x1x16x1024xf32>
    %get3A_855 = vector.shape_cast %get3A_854 : vector<1x1x16x1024xf32> to vector<16x1024xf32>
    %sub3A_856 = vector.broadcast %slice3A_849 : vector<16x1xf32> to vector<16x1024xf32>
    %sub3A_857 = arith.subf %sub3A_856, %get3A_855 : vector<16x1024xf32>
    %mul3A_858 = arith.mulf %sub3A_857, %sub3A_857 : vector<16x1024xf32>
    %slice3A_859 = vector.extract_strided_slice %get3A_719 {offsets = [0, 13], sizes = [16, 1], strides = [1, 1]} : vector<16x64xf32> to vector<16x1xf32>
    %get3A_860 = arith.constant 1 : index
    %get3A_861 = arith.constant 13 : index
    %get3A_862 = arith.constant 0 : index
    %get3A_863 = arith.constant 0 : index
    %get3A_864 = vector.load %arg2[%get3A_860, %get3A_861, %get3A_862, %get3A_863] : memref<4x64x16x1024xf32, #tpu.memory_space<vmem>>, vector<1x1x16x1024xf32>
    %get3A_865 = vector.shape_cast %get3A_864 : vector<1x1x16x1024xf32> to vector<16x1024xf32>
    %sub3A_866 = vector.broadcast %slice3A_859 : vector<16x1xf32> to vector<16x1024xf32>
    %sub3A_867 = arith.subf %sub3A_866, %get3A_865 : vector<16x1024xf32>
    %mul3A_868 = arith.mulf %sub3A_867, %sub3A_867 : vector<16x1024xf32>
    %add3A_869 = arith.addf %mul3A_858, %mul3A_868 : vector<16x1024xf32>
    %slice3A_870 = vector.extract_strided_slice %get3A_719 {offsets = [0, 11], sizes = [16, 1], strides = [1, 1]} : vector<16x64xf32> to vector<16x1xf32>
    %get3A_871 = arith.constant 1 : index
    %get3A_872 = arith.constant 11 : index
    %get3A_873 = arith.constant 0 : index
    %get3A_874 = arith.constant 0 : index
    %get3A_875 = vector.load %arg2[%get3A_871, %get3A_872, %get3A_873, %get3A_874] : memref<4x64x16x1024xf32, #tpu.memory_space<vmem>>, vector<1x1x16x1024xf32>
    %get3A_876 = vector.shape_cast %get3A_875 : vector<1x1x16x1024xf32> to vector<16x1024xf32>
    %sub3A_877 = vector.broadcast %slice3A_870 : vector<16x1xf32> to vector<16x1024xf32>
    %sub3A_878 = arith.subf %sub3A_877, %get3A_876 : vector<16x1024xf32>
    %mul3A_879 = arith.mulf %sub3A_878, %sub3A_878 : vector<16x1024xf32>
    %slice3A_880 = vector.extract_strided_slice %get3A_719 {offsets = [0, 15], sizes = [16, 1], strides = [1, 1]} : vector<16x64xf32> to vector<16x1xf32>
    %get3A_881 = arith.constant 1 : index
    %get3A_882 = arith.constant 15 : index
    %get3A_883 = arith.constant 0 : index
    %get3A_884 = arith.constant 0 : index
    %get3A_885 = vector.load %arg2[%get3A_881, %get3A_882, %get3A_883, %get3A_884] : memref<4x64x16x1024xf32, #tpu.memory_space<vmem>>, vector<1x1x16x1024xf32>
    %get3A_886 = vector.shape_cast %get3A_885 : vector<1x1x16x1024xf32> to vector<16x1024xf32>
    %sub3A_887 = vector.broadcast %slice3A_880 : vector<16x1xf32> to vector<16x1024xf32>
    %sub3A_888 = arith.subf %sub3A_887, %get3A_886 : vector<16x1024xf32>
    %mul3A_889 = arith.mulf %sub3A_888, %sub3A_888 : vector<16x1024xf32>
    %add3A_890 = arith.addf %mul3A_879, %mul3A_889 : vector<16x1024xf32>
    %add3A_891 = arith.addf %add3A_827, %add3A_848 : vector<16x1024xf32>
    %add3A_892 = arith.addf %add3A_869, %add3A_890 : vector<16x1024xf32>
    %add3A_893 = arith.addf %add3A_891, %add3A_892 : vector<16x1024xf32>
    %add3A_894 = arith.addf %add3A_806, %add3A_893 : vector<16x1024xf32>
    %slice3A_895 = vector.extract_strided_slice %get3A_719 {offsets = [0, 16], sizes = [16, 1], strides = [1, 1]} : vector<16x64xf32> to vector<16x1xf32>
    %get3A_896 = arith.constant 1 : index
    %get3A_897 = arith.constant 16 : index
    %get3A_898 = arith.constant 0 : index
    %get3A_899 = arith.constant 0 : index
    %get3A_900 = vector.load %arg2[%get3A_896, %get3A_897, %get3A_898, %get3A_899] : memref<4x64x16x1024xf32, #tpu.memory_space<vmem>>, vector<1x1x16x1024xf32>
    %get3A_901 = vector.shape_cast %get3A_900 : vector<1x1x16x1024xf32> to vector<16x1024xf32>
    %sub3A_902 = vector.broadcast %slice3A_895 : vector<16x1xf32> to vector<16x1024xf32>
    %sub3A_903 = arith.subf %sub3A_902, %get3A_901 : vector<16x1024xf32>
    %mul3A_904 = arith.mulf %sub3A_903, %sub3A_903 : vector<16x1024xf32>
    %slice3A_905 = vector.extract_strided_slice %get3A_719 {offsets = [0, 20], sizes = [16, 1], strides = [1, 1]} : vector<16x64xf32> to vector<16x1xf32>
    %get3A_906 = arith.constant 1 : index
    %get3A_907 = arith.constant 20 : index
    %get3A_908 = arith.constant 0 : index
    %get3A_909 = arith.constant 0 : index
    %get3A_910 = vector.load %arg2[%get3A_906, %get3A_907, %get3A_908, %get3A_909] : memref<4x64x16x1024xf32, #tpu.memory_space<vmem>>, vector<1x1x16x1024xf32>
    %get3A_911 = vector.shape_cast %get3A_910 : vector<1x1x16x1024xf32> to vector<16x1024xf32>
    %sub3A_912 = vector.broadcast %slice3A_905 : vector<16x1xf32> to vector<16x1024xf32>
    %sub3A_913 = arith.subf %sub3A_912, %get3A_911 : vector<16x1024xf32>
    %mul3A_914 = arith.mulf %sub3A_913, %sub3A_913 : vector<16x1024xf32>
    %add3A_915 = arith.addf %mul3A_904, %mul3A_914 : vector<16x1024xf32>
    %slice3A_916 = vector.extract_strided_slice %get3A_719 {offsets = [0, 18], sizes = [16, 1], strides = [1, 1]} : vector<16x64xf32> to vector<16x1xf32>
    %get3A_917 = arith.constant 1 : index
    %get3A_918 = arith.constant 18 : index
    %get3A_919 = arith.constant 0 : index
    %get3A_920 = arith.constant 0 : index
    %get3A_921 = vector.load %arg2[%get3A_917, %get3A_918, %get3A_919, %get3A_920] : memref<4x64x16x1024xf32, #tpu.memory_space<vmem>>, vector<1x1x16x1024xf32>
    %get3A_922 = vector.shape_cast %get3A_921 : vector<1x1x16x1024xf32> to vector<16x1024xf32>
    %sub3A_923 = vector.broadcast %slice3A_916 : vector<16x1xf32> to vector<16x1024xf32>
    %sub3A_924 = arith.subf %sub3A_923, %get3A_922 : vector<16x1024xf32>
    %mul3A_925 = arith.mulf %sub3A_924, %sub3A_924 : vector<16x1024xf32>
    %slice3A_926 = vector.extract_strided_slice %get3A_719 {offsets = [0, 22], sizes = [16, 1], strides = [1, 1]} : vector<16x64xf32> to vector<16x1xf32>
    %get3A_927 = arith.constant 1 : index
    %get3A_928 = arith.constant 22 : index
    %get3A_929 = arith.constant 0 : index
    %get3A_930 = arith.constant 0 : index
    %get3A_931 = vector.load %arg2[%get3A_927, %get3A_928, %get3A_929, %get3A_930] : memref<4x64x16x1024xf32, #tpu.memory_space<vmem>>, vector<1x1x16x1024xf32>
    %get3A_932 = vector.shape_cast %get3A_931 : vector<1x1x16x1024xf32> to vector<16x1024xf32>
    %sub3A_933 = vector.broadcast %slice3A_926 : vector<16x1xf32> to vector<16x1024xf32>
    %sub3A_934 = arith.subf %sub3A_933, %get3A_932 : vector<16x1024xf32>
    %mul3A_935 = arith.mulf %sub3A_934, %sub3A_934 : vector<16x1024xf32>
    %add3A_936 = arith.addf %mul3A_925, %mul3A_935 : vector<16x1024xf32>
    %slice3A_937 = vector.extract_strided_slice %get3A_719 {offsets = [0, 17], sizes = [16, 1], strides = [1, 1]} : vector<16x64xf32> to vector<16x1xf32>
    %get3A_938 = arith.constant 1 : index
    %get3A_939 = arith.constant 17 : index
    %get3A_940 = arith.constant 0 : index
    %get3A_941 = arith.constant 0 : index
    %get3A_942 = vector.load %arg2[%get3A_938, %get3A_939, %get3A_940, %get3A_941] : memref<4x64x16x1024xf32, #tpu.memory_space<vmem>>, vector<1x1x16x1024xf32>
    %get3A_943 = vector.shape_cast %get3A_942 : vector<1x1x16x1024xf32> to vector<16x1024xf32>
    %sub3A_944 = vector.broadcast %slice3A_937 : vector<16x1xf32> to vector<16x1024xf32>
    %sub3A_945 = arith.subf %sub3A_944, %get3A_943 : vector<16x1024xf32>
    %mul3A_946 = arith.mulf %sub3A_945, %sub3A_945 : vector<16x1024xf32>
    %slice3A_947 = vector.extract_strided_slice %get3A_719 {offsets = [0, 21], sizes = [16, 1], strides = [1, 1]} : vector<16x64xf32> to vector<16x1xf32>
    %get3A_948 = arith.constant 1 : index
    %get3A_949 = arith.constant 21 : index
    %get3A_950 = arith.constant 0 : index
    %get3A_951 = arith.constant 0 : index
    %get3A_952 = vector.load %arg2[%get3A_948, %get3A_949, %get3A_950, %get3A_951] : memref<4x64x16x1024xf32, #tpu.memory_space<vmem>>, vector<1x1x16x1024xf32>
    %get3A_953 = vector.shape_cast %get3A_952 : vector<1x1x16x1024xf32> to vector<16x1024xf32>
    %sub3A_954 = vector.broadcast %slice3A_947 : vector<16x1xf32> to vector<16x1024xf32>
    %sub3A_955 = arith.subf %sub3A_954, %get3A_953 : vector<16x1024xf32>
    %mul3A_956 = arith.mulf %sub3A_955, %sub3A_955 : vector<16x1024xf32>
    %add3A_957 = arith.addf %mul3A_946, %mul3A_956 : vector<16x1024xf32>
    %slice3A_958 = vector.extract_strided_slice %get3A_719 {offsets = [0, 19], sizes = [16, 1], strides = [1, 1]} : vector<16x64xf32> to vector<16x1xf32>
    %get3A_959 = arith.constant 1 : index
    %get3A_960 = arith.constant 19 : index
    %get3A_961 = arith.constant 0 : index
    %get3A_962 = arith.constant 0 : index
    %get3A_963 = vector.load %arg2[%get3A_959, %get3A_960, %get3A_961, %get3A_962] : memref<4x64x16x1024xf32, #tpu.memory_space<vmem>>, vector<1x1x16x1024xf32>
    %get3A_964 = vector.shape_cast %get3A_963 : vector<1x1x16x1024xf32> to vector<16x1024xf32>
    %sub3A_965 = vector.broadcast %slice3A_958 : vector<16x1xf32> to vector<16x1024xf32>
    %sub3A_966 = arith.subf %sub3A_965, %get3A_964 : vector<16x1024xf32>
    %mul3A_967 = arith.mulf %sub3A_966, %sub3A_966 : vector<16x1024xf32>
    %slice3A_968 = vector.extract_strided_slice %get3A_719 {offsets = [0, 23], sizes = [16, 1], strides = [1, 1]} : vector<16x64xf32> to vector<16x1xf32>
    %get3A_969 = arith.constant 1 : index
    %get3A_970 = arith.constant 23 : index
    %get3A_971 = arith.constant 0 : index
    %get3A_972 = arith.constant 0 : index
    %get3A_973 = vector.load %arg2[%get3A_969, %get3A_970, %get3A_971, %get3A_972] : memref<4x64x16x1024xf32, #tpu.memory_space<vmem>>, vector<1x1x16x1024xf32>
    %get3A_974 = vector.shape_cast %get3A_973 : vector<1x1x16x1024xf32> to vector<16x1024xf32>
    %sub3A_975 = vector.broadcast %slice3A_968 : vector<16x1xf32> to vector<16x1024xf32>
    %sub3A_976 = arith.subf %sub3A_975, %get3A_974 : vector<16x1024xf32>
    %mul3A_977 = arith.mulf %sub3A_976, %sub3A_976 : vector<16x1024xf32>
    %add3A_978 = arith.addf %mul3A_967, %mul3A_977 : vector<16x1024xf32>
    %add3A_979 = arith.addf %add3A_915, %add3A_936 : vector<16x1024xf32>
    %add3A_980 = arith.addf %add3A_957, %add3A_978 : vector<16x1024xf32>
    %add3A_981 = arith.addf %add3A_979, %add3A_980 : vector<16x1024xf32>
    %add3A_982 = arith.addf %add3A_894, %add3A_981 : vector<16x1024xf32>
    %slice3A_983 = vector.extract_strided_slice %get3A_719 {offsets = [0, 24], sizes = [16, 1], strides = [1, 1]} : vector<16x64xf32> to vector<16x1xf32>
    %get3A_984 = arith.constant 1 : index
    %get3A_985 = arith.constant 24 : index
    %get3A_986 = arith.constant 0 : index
    %get3A_987 = arith.constant 0 : index
    %get3A_988 = vector.load %arg2[%get3A_984, %get3A_985, %get3A_986, %get3A_987] : memref<4x64x16x1024xf32, #tpu.memory_space<vmem>>, vector<1x1x16x1024xf32>
    %get3A_989 = vector.shape_cast %get3A_988 : vector<1x1x16x1024xf32> to vector<16x1024xf32>
    %sub3A_990 = vector.broadcast %slice3A_983 : vector<16x1xf32> to vector<16x1024xf32>
    %sub3A_991 = arith.subf %sub3A_990, %get3A_989 : vector<16x1024xf32>
    %mul3A_992 = arith.mulf %sub3A_991, %sub3A_991 : vector<16x1024xf32>
    %slice3A_993 = vector.extract_strided_slice %get3A_719 {offsets = [0, 28], sizes = [16, 1], strides = [1, 1]} : vector<16x64xf32> to vector<16x1xf32>
    %get3A_994 = arith.constant 1 : index
    %get3A_995 = arith.constant 28 : index
    %get3A_996 = arith.constant 0 : index
    %get3A_997 = arith.constant 0 : index
    %get3A_998 = vector.load %arg2[%get3A_994, %get3A_995, %get3A_996, %get3A_997] : memref<4x64x16x1024xf32, #tpu.memory_space<vmem>>, vector<1x1x16x1024xf32>
    %get3A_999 = vector.shape_cast %get3A_998 : vector<1x1x16x1024xf32> to vector<16x1024xf32>
    %sub3A_1000 = vector.broadcast %slice3A_993 : vector<16x1xf32> to vector<16x1024xf32>
    %sub3A_1001 = arith.subf %sub3A_1000, %get3A_999 : vector<16x1024xf32>
    %mul3A_1002 = arith.mulf %sub3A_1001, %sub3A_1001 : vector<16x1024xf32>
    %add3A_1003 = arith.addf %mul3A_992, %mul3A_1002 : vector<16x1024xf32>
    %slice3A_1004 = vector.extract_strided_slice %get3A_719 {offsets = [0, 26], sizes = [16, 1], strides = [1, 1]} : vector<16x64xf32> to vector<16x1xf32>
    %get3A_1005 = arith.constant 1 : index
    %get3A_1006 = arith.constant 26 : index
    %get3A_1007 = arith.constant 0 : index
    %get3A_1008 = arith.constant 0 : index
    %get3A_1009 = vector.load %arg2[%get3A_1005, %get3A_1006, %get3A_1007, %get3A_1008] : memref<4x64x16x1024xf32, #tpu.memory_space<vmem>>, vector<1x1x16x1024xf32>
    %get3A_1010 = vector.shape_cast %get3A_1009 : vector<1x1x16x1024xf32> to vector<16x1024xf32>
    %sub3A_1011 = vector.broadcast %slice3A_1004 : vector<16x1xf32> to vector<16x1024xf32>
    %sub3A_1012 = arith.subf %sub3A_1011, %get3A_1010 : vector<16x1024xf32>
    %mul3A_1013 = arith.mulf %sub3A_1012, %sub3A_1012 : vector<16x1024xf32>
    %slice3A_1014 = vector.extract_strided_slice %get3A_719 {offsets = [0, 30], sizes = [16, 1], strides = [1, 1]} : vector<16x64xf32> to vector<16x1xf32>
    %get3A_1015 = arith.constant 1 : index
    %get3A_1016 = arith.constant 30 : index
    %get3A_1017 = arith.constant 0 : index
    %get3A_1018 = arith.constant 0 : index
    %get3A_1019 = vector.load %arg2[%get3A_1015, %get3A_1016, %get3A_1017, %get3A_1018] : memref<4x64x16x1024xf32, #tpu.memory_space<vmem>>, vector<1x1x16x1024xf32>
    %get3A_1020 = vector.shape_cast %get3A_1019 : vector<1x1x16x1024xf32> to vector<16x1024xf32>
    %sub3A_1021 = vector.broadcast %slice3A_1014 : vector<16x1xf32> to vector<16x1024xf32>
    %sub3A_1022 = arith.subf %sub3A_1021, %get3A_1020 : vector<16x1024xf32>
    %mul3A_1023 = arith.mulf %sub3A_1022, %sub3A_1022 : vector<16x1024xf32>
    %add3A_1024 = arith.addf %mul3A_1013, %mul3A_1023 : vector<16x1024xf32>
    %slice3A_1025 = vector.extract_strided_slice %get3A_719 {offsets = [0, 25], sizes = [16, 1], strides = [1, 1]} : vector<16x64xf32> to vector<16x1xf32>
    %get3A_1026 = arith.constant 1 : index
    %get3A_1027 = arith.constant 25 : index
    %get3A_1028 = arith.constant 0 : index
    %get3A_1029 = arith.constant 0 : index
    %get3A_1030 = vector.load %arg2[%get3A_1026, %get3A_1027, %get3A_1028, %get3A_1029] : memref<4x64x16x1024xf32, #tpu.memory_space<vmem>>, vector<1x1x16x1024xf32>
    %get3A_1031 = vector.shape_cast %get3A_1030 : vector<1x1x16x1024xf32> to vector<16x1024xf32>
    %sub3A_1032 = vector.broadcast %slice3A_1025 : vector<16x1xf32> to vector<16x1024xf32>
    %sub3A_1033 = arith.subf %sub3A_1032, %get3A_1031 : vector<16x1024xf32>
    %mul3A_1034 = arith.mulf %sub3A_1033, %sub3A_1033 : vector<16x1024xf32>
    %slice3A_1035 = vector.extract_strided_slice %get3A_719 {offsets = [0, 29], sizes = [16, 1], strides = [1, 1]} : vector<16x64xf32> to vector<16x1xf32>
    %get3A_1036 = arith.constant 1 : index
    %get3A_1037 = arith.constant 29 : index
    %get3A_1038 = arith.constant 0 : index
    %get3A_1039 = arith.constant 0 : index
    %get3A_1040 = vector.load %arg2[%get3A_1036, %get3A_1037, %get3A_1038, %get3A_1039] : memref<4x64x16x1024xf32, #tpu.memory_space<vmem>>, vector<1x1x16x1024xf32>
    %get3A_1041 = vector.shape_cast %get3A_1040 : vector<1x1x16x1024xf32> to vector<16x1024xf32>
    %sub3A_1042 = vector.broadcast %slice3A_1035 : vector<16x1xf32> to vector<16x1024xf32>
    %sub3A_1043 = arith.subf %sub3A_1042, %get3A_1041 : vector<16x1024xf32>
    %mul3A_1044 = arith.mulf %sub3A_1043, %sub3A_1043 : vector<16x1024xf32>
    %add3A_1045 = arith.addf %mul3A_1034, %mul3A_1044 : vector<16x1024xf32>
    %slice3A_1046 = vector.extract_strided_slice %get3A_719 {offsets = [0, 27], sizes = [16, 1], strides = [1, 1]} : vector<16x64xf32> to vector<16x1xf32>
    %get3A_1047 = arith.constant 1 : index
    %get3A_1048 = arith.constant 27 : index
    %get3A_1049 = arith.constant 0 : index
    %get3A_1050 = arith.constant 0 : index
    %get3A_1051 = vector.load %arg2[%get3A_1047, %get3A_1048, %get3A_1049, %get3A_1050] : memref<4x64x16x1024xf32, #tpu.memory_space<vmem>>, vector<1x1x16x1024xf32>
    %get3A_1052 = vector.shape_cast %get3A_1051 : vector<1x1x16x1024xf32> to vector<16x1024xf32>
    %sub3A_1053 = vector.broadcast %slice3A_1046 : vector<16x1xf32> to vector<16x1024xf32>
    %sub3A_1054 = arith.subf %sub3A_1053, %get3A_1052 : vector<16x1024xf32>
    %mul3A_1055 = arith.mulf %sub3A_1054, %sub3A_1054 : vector<16x1024xf32>
    %slice3A_1056 = vector.extract_strided_slice %get3A_719 {offsets = [0, 31], sizes = [16, 1], strides = [1, 1]} : vector<16x64xf32> to vector<16x1xf32>
    %get3A_1057 = arith.constant 1 : index
    %get3A_1058 = arith.constant 31 : index
    %get3A_1059 = arith.constant 0 : index
    %get3A_1060 = arith.constant 0 : index
    %get3A_1061 = vector.load %arg2[%get3A_1057, %get3A_1058, %get3A_1059, %get3A_1060] : memref<4x64x16x1024xf32, #tpu.memory_space<vmem>>, vector<1x1x16x1024xf32>
    %get3A_1062 = vector.shape_cast %get3A_1061 : vector<1x1x16x1024xf32> to vector<16x1024xf32>
    %sub3A_1063 = vector.broadcast %slice3A_1056 : vector<16x1xf32> to vector<16x1024xf32>
    %sub3A_1064 = arith.subf %sub3A_1063, %get3A_1062 : vector<16x1024xf32>
    %mul3A_1065 = arith.mulf %sub3A_1064, %sub3A_1064 : vector<16x1024xf32>
    %add3A_1066 = arith.addf %mul3A_1055, %mul3A_1065 : vector<16x1024xf32>
    %add3A_1067 = arith.addf %add3A_1003, %add3A_1024 : vector<16x1024xf32>
    %add3A_1068 = arith.addf %add3A_1045, %add3A_1066 : vector<16x1024xf32>
    %add3A_1069 = arith.addf %add3A_1067, %add3A_1068 : vector<16x1024xf32>
    %add3A_1070 = arith.addf %add3A_982, %add3A_1069 : vector<16x1024xf32>
    %slice3A_1071 = vector.extract_strided_slice %get3A_719 {offsets = [0, 32], sizes = [16, 1], strides = [1, 1]} : vector<16x64xf32> to vector<16x1xf32>
    %get3A_1072 = arith.constant 1 : index
    %get3A_1073 = arith.constant 32 : index
    %get3A_1074 = arith.constant 0 : index
    %get3A_1075 = arith.constant 0 : index
    %get3A_1076 = vector.load %arg2[%get3A_1072, %get3A_1073, %get3A_1074, %get3A_1075] : memref<4x64x16x1024xf32, #tpu.memory_space<vmem>>, vector<1x1x16x1024xf32>
    %get3A_1077 = vector.shape_cast %get3A_1076 : vector<1x1x16x1024xf32> to vector<16x1024xf32>
    %sub3A_1078 = vector.broadcast %slice3A_1071 : vector<16x1xf32> to vector<16x1024xf32>
    %sub3A_1079 = arith.subf %sub3A_1078, %get3A_1077 : vector<16x1024xf32>
    %mul3A_1080 = arith.mulf %sub3A_1079, %sub3A_1079 : vector<16x1024xf32>
    %slice3A_1081 = vector.extract_strided_slice %get3A_719 {offsets = [0, 36], sizes = [16, 1], strides = [1, 1]} : vector<16x64xf32> to vector<16x1xf32>
    %get3A_1082 = arith.constant 1 : index
    %get3A_1083 = arith.constant 36 : index
    %get3A_1084 = arith.constant 0 : index
    %get3A_1085 = arith.constant 0 : index
    %get3A_1086 = vector.load %arg2[%get3A_1082, %get3A_1083, %get3A_1084, %get3A_1085] : memref<4x64x16x1024xf32, #tpu.memory_space<vmem>>, vector<1x1x16x1024xf32>
    %get3A_1087 = vector.shape_cast %get3A_1086 : vector<1x1x16x1024xf32> to vector<16x1024xf32>
    %sub3A_1088 = vector.broadcast %slice3A_1081 : vector<16x1xf32> to vector<16x1024xf32>
    %sub3A_1089 = arith.subf %sub3A_1088, %get3A_1087 : vector<16x1024xf32>
    %mul3A_1090 = arith.mulf %sub3A_1089, %sub3A_1089 : vector<16x1024xf32>
    %add3A_1091 = arith.addf %mul3A_1080, %mul3A_1090 : vector<16x1024xf32>
    %slice3A_1092 = vector.extract_strided_slice %get3A_719 {offsets = [0, 34], sizes = [16, 1], strides = [1, 1]} : vector<16x64xf32> to vector<16x1xf32>
    %get3A_1093 = arith.constant 1 : index
    %get3A_1094 = arith.constant 34 : index
    %get3A_1095 = arith.constant 0 : index
    %get3A_1096 = arith.constant 0 : index
    %get3A_1097 = vector.load %arg2[%get3A_1093, %get3A_1094, %get3A_1095, %get3A_1096] : memref<4x64x16x1024xf32, #tpu.memory_space<vmem>>, vector<1x1x16x1024xf32>
    %get3A_1098 = vector.shape_cast %get3A_1097 : vector<1x1x16x1024xf32> to vector<16x1024xf32>
    %sub3A_1099 = vector.broadcast %slice3A_1092 : vector<16x1xf32> to vector<16x1024xf32>
    %sub3A_1100 = arith.subf %sub3A_1099, %get3A_1098 : vector<16x1024xf32>
    %mul3A_1101 = arith.mulf %sub3A_1100, %sub3A_1100 : vector<16x1024xf32>
    %slice3A_1102 = vector.extract_strided_slice %get3A_719 {offsets = [0, 38], sizes = [16, 1], strides = [1, 1]} : vector<16x64xf32> to vector<16x1xf32>
    %get3A_1103 = arith.constant 1 : index
    %get3A_1104 = arith.constant 38 : index
    %get3A_1105 = arith.constant 0 : index
    %get3A_1106 = arith.constant 0 : index
    %get3A_1107 = vector.load %arg2[%get3A_1103, %get3A_1104, %get3A_1105, %get3A_1106] : memref<4x64x16x1024xf32, #tpu.memory_space<vmem>>, vector<1x1x16x1024xf32>
    %get3A_1108 = vector.shape_cast %get3A_1107 : vector<1x1x16x1024xf32> to vector<16x1024xf32>
    %sub3A_1109 = vector.broadcast %slice3A_1102 : vector<16x1xf32> to vector<16x1024xf32>
    %sub3A_1110 = arith.subf %sub3A_1109, %get3A_1108 : vector<16x1024xf32>
    %mul3A_1111 = arith.mulf %sub3A_1110, %sub3A_1110 : vector<16x1024xf32>
    %add3A_1112 = arith.addf %mul3A_1101, %mul3A_1111 : vector<16x1024xf32>
    %slice3A_1113 = vector.extract_strided_slice %get3A_719 {offsets = [0, 33], sizes = [16, 1], strides = [1, 1]} : vector<16x64xf32> to vector<16x1xf32>
    %get3A_1114 = arith.constant 1 : index
    %get3A_1115 = arith.constant 33 : index
    %get3A_1116 = arith.constant 0 : index
    %get3A_1117 = arith.constant 0 : index
    %get3A_1118 = vector.load %arg2[%get3A_1114, %get3A_1115, %get3A_1116, %get3A_1117] : memref<4x64x16x1024xf32, #tpu.memory_space<vmem>>, vector<1x1x16x1024xf32>
    %get3A_1119 = vector.shape_cast %get3A_1118 : vector<1x1x16x1024xf32> to vector<16x1024xf32>
    %sub3A_1120 = vector.broadcast %slice3A_1113 : vector<16x1xf32> to vector<16x1024xf32>
    %sub3A_1121 = arith.subf %sub3A_1120, %get3A_1119 : vector<16x1024xf32>
    %mul3A_1122 = arith.mulf %sub3A_1121, %sub3A_1121 : vector<16x1024xf32>
    %slice3A_1123 = vector.extract_strided_slice %get3A_719 {offsets = [0, 37], sizes = [16, 1], strides = [1, 1]} : vector<16x64xf32> to vector<16x1xf32>
    %get3A_1124 = arith.constant 1 : index
    %get3A_1125 = arith.constant 37 : index
    %get3A_1126 = arith.constant 0 : index
    %get3A_1127 = arith.constant 0 : index
    %get3A_1128 = vector.load %arg2[%get3A_1124, %get3A_1125, %get3A_1126, %get3A_1127] : memref<4x64x16x1024xf32, #tpu.memory_space<vmem>>, vector<1x1x16x1024xf32>
    %get3A_1129 = vector.shape_cast %get3A_1128 : vector<1x1x16x1024xf32> to vector<16x1024xf32>
    %sub3A_1130 = vector.broadcast %slice3A_1123 : vector<16x1xf32> to vector<16x1024xf32>
    %sub3A_1131 = arith.subf %sub3A_1130, %get3A_1129 : vector<16x1024xf32>
    %mul3A_1132 = arith.mulf %sub3A_1131, %sub3A_1131 : vector<16x1024xf32>
    %add3A_1133 = arith.addf %mul3A_1122, %mul3A_1132 : vector<16x1024xf32>
    %slice3A_1134 = vector.extract_strided_slice %get3A_719 {offsets = [0, 35], sizes = [16, 1], strides = [1, 1]} : vector<16x64xf32> to vector<16x1xf32>
    %get3A_1135 = arith.constant 1 : index
    %get3A_1136 = arith.constant 35 : index
    %get3A_1137 = arith.constant 0 : index
    %get3A_1138 = arith.constant 0 : index
    %get3A_1139 = vector.load %arg2[%get3A_1135, %get3A_1136, %get3A_1137, %get3A_1138] : memref<4x64x16x1024xf32, #tpu.memory_space<vmem>>, vector<1x1x16x1024xf32>
    %get3A_1140 = vector.shape_cast %get3A_1139 : vector<1x1x16x1024xf32> to vector<16x1024xf32>
    %sub3A_1141 = vector.broadcast %slice3A_1134 : vector<16x1xf32> to vector<16x1024xf32>
    %sub3A_1142 = arith.subf %sub3A_1141, %get3A_1140 : vector<16x1024xf32>
    %mul3A_1143 = arith.mulf %sub3A_1142, %sub3A_1142 : vector<16x1024xf32>
    %slice3A_1144 = vector.extract_strided_slice %get3A_719 {offsets = [0, 39], sizes = [16, 1], strides = [1, 1]} : vector<16x64xf32> to vector<16x1xf32>
    %get3A_1145 = arith.constant 1 : index
    %get3A_1146 = arith.constant 39 : index
    %get3A_1147 = arith.constant 0 : index
    %get3A_1148 = arith.constant 0 : index
    %get3A_1149 = vector.load %arg2[%get3A_1145, %get3A_1146, %get3A_1147, %get3A_1148] : memref<4x64x16x1024xf32, #tpu.memory_space<vmem>>, vector<1x1x16x1024xf32>
    %get3A_1150 = vector.shape_cast %get3A_1149 : vector<1x1x16x1024xf32> to vector<16x1024xf32>
    %sub3A_1151 = vector.broadcast %slice3A_1144 : vector<16x1xf32> to vector<16x1024xf32>
    %sub3A_1152 = arith.subf %sub3A_1151, %get3A_1150 : vector<16x1024xf32>
    %mul3A_1153 = arith.mulf %sub3A_1152, %sub3A_1152 : vector<16x1024xf32>
    %add3A_1154 = arith.addf %mul3A_1143, %mul3A_1153 : vector<16x1024xf32>
    %add3A_1155 = arith.addf %add3A_1091, %add3A_1112 : vector<16x1024xf32>
    %add3A_1156 = arith.addf %add3A_1133, %add3A_1154 : vector<16x1024xf32>
    %add3A_1157 = arith.addf %add3A_1155, %add3A_1156 : vector<16x1024xf32>
    %add3A_1158 = arith.addf %add3A_1070, %add3A_1157 : vector<16x1024xf32>
    %slice3A_1159 = vector.extract_strided_slice %get3A_719 {offsets = [0, 40], sizes = [16, 1], strides = [1, 1]} : vector<16x64xf32> to vector<16x1xf32>
    %get3A_1160 = arith.constant 1 : index
    %get3A_1161 = arith.constant 40 : index
    %get3A_1162 = arith.constant 0 : index
    %get3A_1163 = arith.constant 0 : index
    %get3A_1164 = vector.load %arg2[%get3A_1160, %get3A_1161, %get3A_1162, %get3A_1163] : memref<4x64x16x1024xf32, #tpu.memory_space<vmem>>, vector<1x1x16x1024xf32>
    %get3A_1165 = vector.shape_cast %get3A_1164 : vector<1x1x16x1024xf32> to vector<16x1024xf32>
    %sub3A_1166 = vector.broadcast %slice3A_1159 : vector<16x1xf32> to vector<16x1024xf32>
    %sub3A_1167 = arith.subf %sub3A_1166, %get3A_1165 : vector<16x1024xf32>
    %mul3A_1168 = arith.mulf %sub3A_1167, %sub3A_1167 : vector<16x1024xf32>
    %slice3A_1169 = vector.extract_strided_slice %get3A_719 {offsets = [0, 44], sizes = [16, 1], strides = [1, 1]} : vector<16x64xf32> to vector<16x1xf32>
    %get3A_1170 = arith.constant 1 : index
    %get3A_1171 = arith.constant 44 : index
    %get3A_1172 = arith.constant 0 : index
    %get3A_1173 = arith.constant 0 : index
    %get3A_1174 = vector.load %arg2[%get3A_1170, %get3A_1171, %get3A_1172, %get3A_1173] : memref<4x64x16x1024xf32, #tpu.memory_space<vmem>>, vector<1x1x16x1024xf32>
    %get3A_1175 = vector.shape_cast %get3A_1174 : vector<1x1x16x1024xf32> to vector<16x1024xf32>
    %sub3A_1176 = vector.broadcast %slice3A_1169 : vector<16x1xf32> to vector<16x1024xf32>
    %sub3A_1177 = arith.subf %sub3A_1176, %get3A_1175 : vector<16x1024xf32>
    %mul3A_1178 = arith.mulf %sub3A_1177, %sub3A_1177 : vector<16x1024xf32>
    %add3A_1179 = arith.addf %mul3A_1168, %mul3A_1178 : vector<16x1024xf32>
    %slice3A_1180 = vector.extract_strided_slice %get3A_719 {offsets = [0, 42], sizes = [16, 1], strides = [1, 1]} : vector<16x64xf32> to vector<16x1xf32>
    %get3A_1181 = arith.constant 1 : index
    %get3A_1182 = arith.constant 42 : index
    %get3A_1183 = arith.constant 0 : index
    %get3A_1184 = arith.constant 0 : index
    %get3A_1185 = vector.load %arg2[%get3A_1181, %get3A_1182, %get3A_1183, %get3A_1184] : memref<4x64x16x1024xf32, #tpu.memory_space<vmem>>, vector<1x1x16x1024xf32>
    %get3A_1186 = vector.shape_cast %get3A_1185 : vector<1x1x16x1024xf32> to vector<16x1024xf32>
    %sub3A_1187 = vector.broadcast %slice3A_1180 : vector<16x1xf32> to vector<16x1024xf32>
    %sub3A_1188 = arith.subf %sub3A_1187, %get3A_1186 : vector<16x1024xf32>
    %mul3A_1189 = arith.mulf %sub3A_1188, %sub3A_1188 : vector<16x1024xf32>
    %slice3A_1190 = vector.extract_strided_slice %get3A_719 {offsets = [0, 46], sizes = [16, 1], strides = [1, 1]} : vector<16x64xf32> to vector<16x1xf32>
    %get3A_1191 = arith.constant 1 : index
    %get3A_1192 = arith.constant 46 : index
    %get3A_1193 = arith.constant 0 : index
    %get3A_1194 = arith.constant 0 : index
    %get3A_1195 = vector.load %arg2[%get3A_1191, %get3A_1192, %get3A_1193, %get3A_1194] : memref<4x64x16x1024xf32, #tpu.memory_space<vmem>>, vector<1x1x16x1024xf32>
    %get3A_1196 = vector.shape_cast %get3A_1195 : vector<1x1x16x1024xf32> to vector<16x1024xf32>
    %sub3A_1197 = vector.broadcast %slice3A_1190 : vector<16x1xf32> to vector<16x1024xf32>
    %sub3A_1198 = arith.subf %sub3A_1197, %get3A_1196 : vector<16x1024xf32>
    %mul3A_1199 = arith.mulf %sub3A_1198, %sub3A_1198 : vector<16x1024xf32>
    %add3A_1200 = arith.addf %mul3A_1189, %mul3A_1199 : vector<16x1024xf32>
    %slice3A_1201 = vector.extract_strided_slice %get3A_719 {offsets = [0, 41], sizes = [16, 1], strides = [1, 1]} : vector<16x64xf32> to vector<16x1xf32>
    %get3A_1202 = arith.constant 1 : index
    %get3A_1203 = arith.constant 41 : index
    %get3A_1204 = arith.constant 0 : index
    %get3A_1205 = arith.constant 0 : index
    %get3A_1206 = vector.load %arg2[%get3A_1202, %get3A_1203, %get3A_1204, %get3A_1205] : memref<4x64x16x1024xf32, #tpu.memory_space<vmem>>, vector<1x1x16x1024xf32>
    %get3A_1207 = vector.shape_cast %get3A_1206 : vector<1x1x16x1024xf32> to vector<16x1024xf32>
    %sub3A_1208 = vector.broadcast %slice3A_1201 : vector<16x1xf32> to vector<16x1024xf32>
    %sub3A_1209 = arith.subf %sub3A_1208, %get3A_1207 : vector<16x1024xf32>
    %mul3A_1210 = arith.mulf %sub3A_1209, %sub3A_1209 : vector<16x1024xf32>
    %slice3A_1211 = vector.extract_strided_slice %get3A_719 {offsets = [0, 45], sizes = [16, 1], strides = [1, 1]} : vector<16x64xf32> to vector<16x1xf32>
    %get3A_1212 = arith.constant 1 : index
    %get3A_1213 = arith.constant 45 : index
    %get3A_1214 = arith.constant 0 : index
    %get3A_1215 = arith.constant 0 : index
    %get3A_1216 = vector.load %arg2[%get3A_1212, %get3A_1213, %get3A_1214, %get3A_1215] : memref<4x64x16x1024xf32, #tpu.memory_space<vmem>>, vector<1x1x16x1024xf32>
    %get3A_1217 = vector.shape_cast %get3A_1216 : vector<1x1x16x1024xf32> to vector<16x1024xf32>
    %sub3A_1218 = vector.broadcast %slice3A_1211 : vector<16x1xf32> to vector<16x1024xf32>
    %sub3A_1219 = arith.subf %sub3A_1218, %get3A_1217 : vector<16x1024xf32>
    %mul3A_1220 = arith.mulf %sub3A_1219, %sub3A_1219 : vector<16x1024xf32>
    %add3A_1221 = arith.addf %mul3A_1210, %mul3A_1220 : vector<16x1024xf32>
    %slice3A_1222 = vector.extract_strided_slice %get3A_719 {offsets = [0, 43], sizes = [16, 1], strides = [1, 1]} : vector<16x64xf32> to vector<16x1xf32>
    %get3A_1223 = arith.constant 1 : index
    %get3A_1224 = arith.constant 43 : index
    %get3A_1225 = arith.constant 0 : index
    %get3A_1226 = arith.constant 0 : index
    %get3A_1227 = vector.load %arg2[%get3A_1223, %get3A_1224, %get3A_1225, %get3A_1226] : memref<4x64x16x1024xf32, #tpu.memory_space<vmem>>, vector<1x1x16x1024xf32>
    %get3A_1228 = vector.shape_cast %get3A_1227 : vector<1x1x16x1024xf32> to vector<16x1024xf32>
    %sub3A_1229 = vector.broadcast %slice3A_1222 : vector<16x1xf32> to vector<16x1024xf32>
    %sub3A_1230 = arith.subf %sub3A_1229, %get3A_1228 : vector<16x1024xf32>
    %mul3A_1231 = arith.mulf %sub3A_1230, %sub3A_1230 : vector<16x1024xf32>
    %slice3A_1232 = vector.extract_strided_slice %get3A_719 {offsets = [0, 47], sizes = [16, 1], strides = [1, 1]} : vector<16x64xf32> to vector<16x1xf32>
    %get3A_1233 = arith.constant 1 : index
    %get3A_1234 = arith.constant 47 : index
    %get3A_1235 = arith.constant 0 : index
    %get3A_1236 = arith.constant 0 : index
    %get3A_1237 = vector.load %arg2[%get3A_1233, %get3A_1234, %get3A_1235, %get3A_1236] : memref<4x64x16x1024xf32, #tpu.memory_space<vmem>>, vector<1x1x16x1024xf32>
    %get3A_1238 = vector.shape_cast %get3A_1237 : vector<1x1x16x1024xf32> to vector<16x1024xf32>
    %sub3A_1239 = vector.broadcast %slice3A_1232 : vector<16x1xf32> to vector<16x1024xf32>
    %sub3A_1240 = arith.subf %sub3A_1239, %get3A_1238 : vector<16x1024xf32>
    %mul3A_1241 = arith.mulf %sub3A_1240, %sub3A_1240 : vector<16x1024xf32>
    %add3A_1242 = arith.addf %mul3A_1231, %mul3A_1241 : vector<16x1024xf32>
    %add3A_1243 = arith.addf %add3A_1179, %add3A_1200 : vector<16x1024xf32>
    %add3A_1244 = arith.addf %add3A_1221, %add3A_1242 : vector<16x1024xf32>
    %add3A_1245 = arith.addf %add3A_1243, %add3A_1244 : vector<16x1024xf32>
    %add3A_1246 = arith.addf %add3A_1158, %add3A_1245 : vector<16x1024xf32>
    %slice3A_1247 = vector.extract_strided_slice %get3A_719 {offsets = [0, 48], sizes = [16, 1], strides = [1, 1]} : vector<16x64xf32> to vector<16x1xf32>
    %get3A_1248 = arith.constant 1 : index
    %get3A_1249 = arith.constant 48 : index
    %get3A_1250 = arith.constant 0 : index
    %get3A_1251 = arith.constant 0 : index
    %get3A_1252 = vector.load %arg2[%get3A_1248, %get3A_1249, %get3A_1250, %get3A_1251] : memref<4x64x16x1024xf32, #tpu.memory_space<vmem>>, vector<1x1x16x1024xf32>
    %get3A_1253 = vector.shape_cast %get3A_1252 : vector<1x1x16x1024xf32> to vector<16x1024xf32>
    %sub3A_1254 = vector.broadcast %slice3A_1247 : vector<16x1xf32> to vector<16x1024xf32>
    %sub3A_1255 = arith.subf %sub3A_1254, %get3A_1253 : vector<16x1024xf32>
    %mul3A_1256 = arith.mulf %sub3A_1255, %sub3A_1255 : vector<16x1024xf32>
    %slice3A_1257 = vector.extract_strided_slice %get3A_719 {offsets = [0, 52], sizes = [16, 1], strides = [1, 1]} : vector<16x64xf32> to vector<16x1xf32>
    %get3A_1258 = arith.constant 1 : index
    %get3A_1259 = arith.constant 52 : index
    %get3A_1260 = arith.constant 0 : index
    %get3A_1261 = arith.constant 0 : index
    %get3A_1262 = vector.load %arg2[%get3A_1258, %get3A_1259, %get3A_1260, %get3A_1261] : memref<4x64x16x1024xf32, #tpu.memory_space<vmem>>, vector<1x1x16x1024xf32>
    %get3A_1263 = vector.shape_cast %get3A_1262 : vector<1x1x16x1024xf32> to vector<16x1024xf32>
    %sub3A_1264 = vector.broadcast %slice3A_1257 : vector<16x1xf32> to vector<16x1024xf32>
    %sub3A_1265 = arith.subf %sub3A_1264, %get3A_1263 : vector<16x1024xf32>
    %mul3A_1266 = arith.mulf %sub3A_1265, %sub3A_1265 : vector<16x1024xf32>
    %add3A_1267 = arith.addf %mul3A_1256, %mul3A_1266 : vector<16x1024xf32>
    %slice3A_1268 = vector.extract_strided_slice %get3A_719 {offsets = [0, 50], sizes = [16, 1], strides = [1, 1]} : vector<16x64xf32> to vector<16x1xf32>
    %get3A_1269 = arith.constant 1 : index
    %get3A_1270 = arith.constant 50 : index
    %get3A_1271 = arith.constant 0 : index
    %get3A_1272 = arith.constant 0 : index
    %get3A_1273 = vector.load %arg2[%get3A_1269, %get3A_1270, %get3A_1271, %get3A_1272] : memref<4x64x16x1024xf32, #tpu.memory_space<vmem>>, vector<1x1x16x1024xf32>
    %get3A_1274 = vector.shape_cast %get3A_1273 : vector<1x1x16x1024xf32> to vector<16x1024xf32>
    %sub3A_1275 = vector.broadcast %slice3A_1268 : vector<16x1xf32> to vector<16x1024xf32>
    %sub3A_1276 = arith.subf %sub3A_1275, %get3A_1274 : vector<16x1024xf32>
    %mul3A_1277 = arith.mulf %sub3A_1276, %sub3A_1276 : vector<16x1024xf32>
    %slice3A_1278 = vector.extract_strided_slice %get3A_719 {offsets = [0, 54], sizes = [16, 1], strides = [1, 1]} : vector<16x64xf32> to vector<16x1xf32>
    %get3A_1279 = arith.constant 1 : index
    %get3A_1280 = arith.constant 54 : index
    %get3A_1281 = arith.constant 0 : index
    %get3A_1282 = arith.constant 0 : index
    %get3A_1283 = vector.load %arg2[%get3A_1279, %get3A_1280, %get3A_1281, %get3A_1282] : memref<4x64x16x1024xf32, #tpu.memory_space<vmem>>, vector<1x1x16x1024xf32>
    %get3A_1284 = vector.shape_cast %get3A_1283 : vector<1x1x16x1024xf32> to vector<16x1024xf32>
    %sub3A_1285 = vector.broadcast %slice3A_1278 : vector<16x1xf32> to vector<16x1024xf32>
    %sub3A_1286 = arith.subf %sub3A_1285, %get3A_1284 : vector<16x1024xf32>
    %mul3A_1287 = arith.mulf %sub3A_1286, %sub3A_1286 : vector<16x1024xf32>
    %add3A_1288 = arith.addf %mul3A_1277, %mul3A_1287 : vector<16x1024xf32>
    %slice3A_1289 = vector.extract_strided_slice %get3A_719 {offsets = [0, 49], sizes = [16, 1], strides = [1, 1]} : vector<16x64xf32> to vector<16x1xf32>
    %get3A_1290 = arith.constant 1 : index
    %get3A_1291 = arith.constant 49 : index
    %get3A_1292 = arith.constant 0 : index
    %get3A_1293 = arith.constant 0 : index
    %get3A_1294 = vector.load %arg2[%get3A_1290, %get3A_1291, %get3A_1292, %get3A_1293] : memref<4x64x16x1024xf32, #tpu.memory_space<vmem>>, vector<1x1x16x1024xf32>
    %get3A_1295 = vector.shape_cast %get3A_1294 : vector<1x1x16x1024xf32> to vector<16x1024xf32>
    %sub3A_1296 = vector.broadcast %slice3A_1289 : vector<16x1xf32> to vector<16x1024xf32>
    %sub3A_1297 = arith.subf %sub3A_1296, %get3A_1295 : vector<16x1024xf32>
    %mul3A_1298 = arith.mulf %sub3A_1297, %sub3A_1297 : vector<16x1024xf32>
    %slice3A_1299 = vector.extract_strided_slice %get3A_719 {offsets = [0, 53], sizes = [16, 1], strides = [1, 1]} : vector<16x64xf32> to vector<16x1xf32>
    %get3A_1300 = arith.constant 1 : index
    %get3A_1301 = arith.constant 53 : index
    %get3A_1302 = arith.constant 0 : index
    %get3A_1303 = arith.constant 0 : index
    %get3A_1304 = vector.load %arg2[%get3A_1300, %get3A_1301, %get3A_1302, %get3A_1303] : memref<4x64x16x1024xf32, #tpu.memory_space<vmem>>, vector<1x1x16x1024xf32>
    %get3A_1305 = vector.shape_cast %get3A_1304 : vector<1x1x16x1024xf32> to vector<16x1024xf32>
    %sub3A_1306 = vector.broadcast %slice3A_1299 : vector<16x1xf32> to vector<16x1024xf32>
    %sub3A_1307 = arith.subf %sub3A_1306, %get3A_1305 : vector<16x1024xf32>
    %mul3A_1308 = arith.mulf %sub3A_1307, %sub3A_1307 : vector<16x1024xf32>
    %add3A_1309 = arith.addf %mul3A_1298, %mul3A_1308 : vector<16x1024xf32>
    %slice3A_1310 = vector.extract_strided_slice %get3A_719 {offsets = [0, 51], sizes = [16, 1], strides = [1, 1]} : vector<16x64xf32> to vector<16x1xf32>
    %get3A_1311 = arith.constant 1 : index
    %get3A_1312 = arith.constant 51 : index
    %get3A_1313 = arith.constant 0 : index
    %get3A_1314 = arith.constant 0 : index
    %get3A_1315 = vector.load %arg2[%get3A_1311, %get3A_1312, %get3A_1313, %get3A_1314] : memref<4x64x16x1024xf32, #tpu.memory_space<vmem>>, vector<1x1x16x1024xf32>
    %get3A_1316 = vector.shape_cast %get3A_1315 : vector<1x1x16x1024xf32> to vector<16x1024xf32>
    %sub3A_1317 = vector.broadcast %slice3A_1310 : vector<16x1xf32> to vector<16x1024xf32>
    %sub3A_1318 = arith.subf %sub3A_1317, %get3A_1316 : vector<16x1024xf32>
    %mul3A_1319 = arith.mulf %sub3A_1318, %sub3A_1318 : vector<16x1024xf32>
    %slice3A_1320 = vector.extract_strided_slice %get3A_719 {offsets = [0, 55], sizes = [16, 1], strides = [1, 1]} : vector<16x64xf32> to vector<16x1xf32>
    %get3A_1321 = arith.constant 1 : index
    %get3A_1322 = arith.constant 55 : index
    %get3A_1323 = arith.constant 0 : index
    %get3A_1324 = arith.constant 0 : index
    %get3A_1325 = vector.load %arg2[%get3A_1321, %get3A_1322, %get3A_1323, %get3A_1324] : memref<4x64x16x1024xf32, #tpu.memory_space<vmem>>, vector<1x1x16x1024xf32>
    %get3A_1326 = vector.shape_cast %get3A_1325 : vector<1x1x16x1024xf32> to vector<16x1024xf32>
    %sub3A_1327 = vector.broadcast %slice3A_1320 : vector<16x1xf32> to vector<16x1024xf32>
    %sub3A_1328 = arith.subf %sub3A_1327, %get3A_1326 : vector<16x1024xf32>
    %mul3A_1329 = arith.mulf %sub3A_1328, %sub3A_1328 : vector<16x1024xf32>
    %add3A_1330 = arith.addf %mul3A_1319, %mul3A_1329 : vector<16x1024xf32>
    %add3A_1331 = arith.addf %add3A_1267, %add3A_1288 : vector<16x1024xf32>
    %add3A_1332 = arith.addf %add3A_1309, %add3A_1330 : vector<16x1024xf32>
    %add3A_1333 = arith.addf %add3A_1331, %add3A_1332 : vector<16x1024xf32>
    %add3A_1334 = arith.addf %add3A_1246, %add3A_1333 : vector<16x1024xf32>
    %slice3A_1335 = vector.extract_strided_slice %get3A_719 {offsets = [0, 56], sizes = [16, 1], strides = [1, 1]} : vector<16x64xf32> to vector<16x1xf32>
    %get3A_1336 = arith.constant 1 : index
    %get3A_1337 = arith.constant 56 : index
    %get3A_1338 = arith.constant 0 : index
    %get3A_1339 = arith.constant 0 : index
    %get3A_1340 = vector.load %arg2[%get3A_1336, %get3A_1337, %get3A_1338, %get3A_1339] : memref<4x64x16x1024xf32, #tpu.memory_space<vmem>>, vector<1x1x16x1024xf32>
    %get3A_1341 = vector.shape_cast %get3A_1340 : vector<1x1x16x1024xf32> to vector<16x1024xf32>
    %sub3A_1342 = vector.broadcast %slice3A_1335 : vector<16x1xf32> to vector<16x1024xf32>
    %sub3A_1343 = arith.subf %sub3A_1342, %get3A_1341 : vector<16x1024xf32>
    %mul3A_1344 = arith.mulf %sub3A_1343, %sub3A_1343 : vector<16x1024xf32>
    %slice3A_1345 = vector.extract_strided_slice %get3A_719 {offsets = [0, 60], sizes = [16, 1], strides = [1, 1]} : vector<16x64xf32> to vector<16x1xf32>
    %get3A_1346 = arith.constant 1 : index
    %get3A_1347 = arith.constant 60 : index
    %get3A_1348 = arith.constant 0 : index
    %get3A_1349 = arith.constant 0 : index
    %get3A_1350 = vector.load %arg2[%get3A_1346, %get3A_1347, %get3A_1348, %get3A_1349] : memref<4x64x16x1024xf32, #tpu.memory_space<vmem>>, vector<1x1x16x1024xf32>
    %get3A_1351 = vector.shape_cast %get3A_1350 : vector<1x1x16x1024xf32> to vector<16x1024xf32>
    %sub3A_1352 = vector.broadcast %slice3A_1345 : vector<16x1xf32> to vector<16x1024xf32>
    %sub3A_1353 = arith.subf %sub3A_1352, %get3A_1351 : vector<16x1024xf32>
    %mul3A_1354 = arith.mulf %sub3A_1353, %sub3A_1353 : vector<16x1024xf32>
    %add3A_1355 = arith.addf %mul3A_1344, %mul3A_1354 : vector<16x1024xf32>
    %slice3A_1356 = vector.extract_strided_slice %get3A_719 {offsets = [0, 58], sizes = [16, 1], strides = [1, 1]} : vector<16x64xf32> to vector<16x1xf32>
    %get3A_1357 = arith.constant 1 : index
    %get3A_1358 = arith.constant 58 : index
    %get3A_1359 = arith.constant 0 : index
    %get3A_1360 = arith.constant 0 : index
    %get3A_1361 = vector.load %arg2[%get3A_1357, %get3A_1358, %get3A_1359, %get3A_1360] : memref<4x64x16x1024xf32, #tpu.memory_space<vmem>>, vector<1x1x16x1024xf32>
    %get3A_1362 = vector.shape_cast %get3A_1361 : vector<1x1x16x1024xf32> to vector<16x1024xf32>
    %sub3A_1363 = vector.broadcast %slice3A_1356 : vector<16x1xf32> to vector<16x1024xf32>
    %sub3A_1364 = arith.subf %sub3A_1363, %get3A_1362 : vector<16x1024xf32>
    %mul3A_1365 = arith.mulf %sub3A_1364, %sub3A_1364 : vector<16x1024xf32>
    %slice3A_1366 = vector.extract_strided_slice %get3A_719 {offsets = [0, 62], sizes = [16, 1], strides = [1, 1]} : vector<16x64xf32> to vector<16x1xf32>
    %get3A_1367 = arith.constant 1 : index
    %get3A_1368 = arith.constant 62 : index
    %get3A_1369 = arith.constant 0 : index
    %get3A_1370 = arith.constant 0 : index
    %get3A_1371 = vector.load %arg2[%get3A_1367, %get3A_1368, %get3A_1369, %get3A_1370] : memref<4x64x16x1024xf32, #tpu.memory_space<vmem>>, vector<1x1x16x1024xf32>
    %get3A_1372 = vector.shape_cast %get3A_1371 : vector<1x1x16x1024xf32> to vector<16x1024xf32>
    %sub3A_1373 = vector.broadcast %slice3A_1366 : vector<16x1xf32> to vector<16x1024xf32>
    %sub3A_1374 = arith.subf %sub3A_1373, %get3A_1372 : vector<16x1024xf32>
    %mul3A_1375 = arith.mulf %sub3A_1374, %sub3A_1374 : vector<16x1024xf32>
    %add3A_1376 = arith.addf %mul3A_1365, %mul3A_1375 : vector<16x1024xf32>
    %slice3A_1377 = vector.extract_strided_slice %get3A_719 {offsets = [0, 57], sizes = [16, 1], strides = [1, 1]} : vector<16x64xf32> to vector<16x1xf32>
    %get3A_1378 = arith.constant 1 : index
    %get3A_1379 = arith.constant 57 : index
    %get3A_1380 = arith.constant 0 : index
    %get3A_1381 = arith.constant 0 : index
    %get3A_1382 = vector.load %arg2[%get3A_1378, %get3A_1379, %get3A_1380, %get3A_1381] : memref<4x64x16x1024xf32, #tpu.memory_space<vmem>>, vector<1x1x16x1024xf32>
    %get3A_1383 = vector.shape_cast %get3A_1382 : vector<1x1x16x1024xf32> to vector<16x1024xf32>
    %sub3A_1384 = vector.broadcast %slice3A_1377 : vector<16x1xf32> to vector<16x1024xf32>
    %sub3A_1385 = arith.subf %sub3A_1384, %get3A_1383 : vector<16x1024xf32>
    %mul3A_1386 = arith.mulf %sub3A_1385, %sub3A_1385 : vector<16x1024xf32>
    %slice3A_1387 = vector.extract_strided_slice %get3A_719 {offsets = [0, 61], sizes = [16, 1], strides = [1, 1]} : vector<16x64xf32> to vector<16x1xf32>
    %get3A_1388 = arith.constant 1 : index
    %get3A_1389 = arith.constant 61 : index
    %get3A_1390 = arith.constant 0 : index
    %get3A_1391 = arith.constant 0 : index
    %get3A_1392 = vector.load %arg2[%get3A_1388, %get3A_1389, %get3A_1390, %get3A_1391] : memref<4x64x16x1024xf32, #tpu.memory_space<vmem>>, vector<1x1x16x1024xf32>
    %get3A_1393 = vector.shape_cast %get3A_1392 : vector<1x1x16x1024xf32> to vector<16x1024xf32>
    %sub3A_1394 = vector.broadcast %slice3A_1387 : vector<16x1xf32> to vector<16x1024xf32>
    %sub3A_1395 = arith.subf %sub3A_1394, %get3A_1393 : vector<16x1024xf32>
    %mul3A_1396 = arith.mulf %sub3A_1395, %sub3A_1395 : vector<16x1024xf32>
    %add3A_1397 = arith.addf %mul3A_1386, %mul3A_1396 : vector<16x1024xf32>
    %slice3A_1398 = vector.extract_strided_slice %get3A_719 {offsets = [0, 59], sizes = [16, 1], strides = [1, 1]} : vector<16x64xf32> to vector<16x1xf32>
    %get3A_1399 = arith.constant 1 : index
    %get3A_1400 = arith.constant 59 : index
    %get3A_1401 = arith.constant 0 : index
    %get3A_1402 = arith.constant 0 : index
    %get3A_1403 = vector.load %arg2[%get3A_1399, %get3A_1400, %get3A_1401, %get3A_1402] : memref<4x64x16x1024xf32, #tpu.memory_space<vmem>>, vector<1x1x16x1024xf32>
    %get3A_1404 = vector.shape_cast %get3A_1403 : vector<1x1x16x1024xf32> to vector<16x1024xf32>
    %sub3A_1405 = vector.broadcast %slice3A_1398 : vector<16x1xf32> to vector<16x1024xf32>
    %sub3A_1406 = arith.subf %sub3A_1405, %get3A_1404 : vector<16x1024xf32>
    %mul3A_1407 = arith.mulf %sub3A_1406, %sub3A_1406 : vector<16x1024xf32>
    %slice3A_1408 = vector.extract_strided_slice %get3A_719 {offsets = [0, 63], sizes = [16, 1], strides = [1, 1]} : vector<16x64xf32> to vector<16x1xf32>
    %get3A_1409 = arith.constant 1 : index
    %get3A_1410 = arith.constant 63 : index
    %get3A_1411 = arith.constant 0 : index
    %get3A_1412 = arith.constant 0 : index
    %get3A_1413 = vector.load %arg2[%get3A_1409, %get3A_1410, %get3A_1411, %get3A_1412] : memref<4x64x16x1024xf32, #tpu.memory_space<vmem>>, vector<1x1x16x1024xf32>
    %get3A_1414 = vector.shape_cast %get3A_1413 : vector<1x1x16x1024xf32> to vector<16x1024xf32>
    %sub3A_1415 = vector.broadcast %slice3A_1408 : vector<16x1xf32> to vector<16x1024xf32>
    %sub3A_1416 = arith.subf %sub3A_1415, %get3A_1414 : vector<16x1024xf32>
    %mul3A_1417 = arith.mulf %sub3A_1416, %sub3A_1416 : vector<16x1024xf32>
    %add3A_1418 = arith.addf %mul3A_1407, %mul3A_1417 : vector<16x1024xf32>
    %add3A_1419 = arith.addf %add3A_1355, %add3A_1376 : vector<16x1024xf32>
    %add3A_1420 = arith.addf %add3A_1397, %add3A_1418 : vector<16x1024xf32>
    %add3A_1421 = arith.addf %add3A_1419, %add3A_1420 : vector<16x1024xf32>
    %add3A_1422 = arith.addf %add3A_1334, %add3A_1421 : vector<16x1024xf32>
    %sqrt3A_1423 = math.sqrt %add3A_1422 : vector<16x1024xf32>
    %reduce_min3A_1424 = arith.constant dense<0x7F800000> : vector<16xf32>
    %reduce_min3A_1425 = vector.multi_reduction <minimumf>, %sqrt3A_1423, %reduce_min3A_1424 [1] : vector<16x1024xf32> to vector<16xf32>
    %broadcast_in_dim3A_1426 = vector.shape_cast %reduce_min3A_1425 : vector<16xf32> to vector<16x1xf32>
    %iota3A_1427 = tpu.iota {dimensions = array<i32: 1>} : vector<16x1024xi32>
    %eq3A_1428 = vector.broadcast %broadcast_in_dim3A_1426 : vector<16x1xf32> to vector<16x1024xf32>
    %eq3A_1429 = arith.cmpf oeq, %sqrt3A_1423, %eq3A_1428 : vector<16x1024xf32>
    %jit3A_1430 = arith.constant 1024 : i32
    %broadcast_in_dim3A_1431 = vector.broadcast %jit3A_1430 : i32 to vector<16x1024xi32>
    %select_n3A_1432 = arith.select %eq3A_1429, %iota3A_1427, %broadcast_in_dim3A_1431 : vector<16x1024xi1>, vector<16x1024xi32>
    %reduce_min3A_1433 = arith.constant dense<2147483647> : vector<16xi32>
    %reduce_min3A_1434 = vector.multi_reduction <minsi>, %select_n3A_1432, %reduce_min3A_1433 [1] : vector<16x1024xi32> to vector<16xi32>
    %broadcast_in_dim3A_1435 = vector.shape_cast %reduce_min3A_1434 : vector<16xi32> to vector<16x1xi32>
    %broadcast_in_dim3A_1436 = vector.shape_cast %reduce_min3A_1434 : vector<16xi32> to vector<16x1xi32>
    %add3A_1437 = arith.constant 1024 : i32
    %add3A_1438 = vector.broadcast %add3A_1437 : i32 to vector<16x1xi32>
    %add3A_1439 = arith.addi %broadcast_in_dim3A_1436, %add3A_1438 : vector<16x1xi32>
    %get3A_1440 = arith.constant 0 : index
    %get3A_1441 = arith.constant 0 : index
    %get3A_1442 = arith.constant 2 : index
    %get3A_1443 = arith.constant 0 : index
    %get3A_1444 = vector.load %arg1[%get3A_1440, %get3A_1441, %get3A_1442, %get3A_1443] : memref<1x16x4x64xf32, #tpu.memory_space<vmem>>, vector<1x16x1x64xf32>
    %get3A_1445 = vector.shape_cast %get3A_1444 : vector<1x16x1x64xf32> to vector<16x64xf32>
    %slice3A_1446 = vector.extract_strided_slice %get3A_1445 {offsets = [0, 0], sizes = [16, 1], strides = [1, 1]} : vector<16x64xf32> to vector<16x1xf32>
    %get3A_1447 = arith.constant 2 : index
    %get3A_1448 = arith.constant 0 : index
    %get3A_1449 = arith.constant 0 : index
    %get3A_1450 = arith.constant 0 : index
    %get3A_1451 = vector.load %arg2[%get3A_1447, %get3A_1448, %get3A_1449, %get3A_1450] : memref<4x64x16x1024xf32, #tpu.memory_space<vmem>>, vector<1x1x16x1024xf32>
    %get3A_1452 = vector.shape_cast %get3A_1451 : vector<1x1x16x1024xf32> to vector<16x1024xf32>
    %sub3A_1453 = vector.broadcast %slice3A_1446 : vector<16x1xf32> to vector<16x1024xf32>
    %sub3A_1454 = arith.subf %sub3A_1453, %get3A_1452 : vector<16x1024xf32>
    %mul3A_1455 = arith.mulf %sub3A_1454, %sub3A_1454 : vector<16x1024xf32>
    %slice3A_1456 = vector.extract_strided_slice %get3A_1445 {offsets = [0, 4], sizes = [16, 1], strides = [1, 1]} : vector<16x64xf32> to vector<16x1xf32>
    %get3A_1457 = arith.constant 2 : index
    %get3A_1458 = arith.constant 4 : index
    %get3A_1459 = arith.constant 0 : index
    %get3A_1460 = arith.constant 0 : index
    %get3A_1461 = vector.load %arg2[%get3A_1457, %get3A_1458, %get3A_1459, %get3A_1460] : memref<4x64x16x1024xf32, #tpu.memory_space<vmem>>, vector<1x1x16x1024xf32>
    %get3A_1462 = vector.shape_cast %get3A_1461 : vector<1x1x16x1024xf32> to vector<16x1024xf32>
    %sub3A_1463 = vector.broadcast %slice3A_1456 : vector<16x1xf32> to vector<16x1024xf32>
    %sub3A_1464 = arith.subf %sub3A_1463, %get3A_1462 : vector<16x1024xf32>
    %mul3A_1465 = arith.mulf %sub3A_1464, %sub3A_1464 : vector<16x1024xf32>
    %add3A_1466 = arith.addf %mul3A_1455, %mul3A_1465 : vector<16x1024xf32>
    %slice3A_1467 = vector.extract_strided_slice %get3A_1445 {offsets = [0, 2], sizes = [16, 1], strides = [1, 1]} : vector<16x64xf32> to vector<16x1xf32>
    %get3A_1468 = arith.constant 2 : index
    %get3A_1469 = arith.constant 2 : index
    %get3A_1470 = arith.constant 0 : index
    %get3A_1471 = arith.constant 0 : index
    %get3A_1472 = vector.load %arg2[%get3A_1468, %get3A_1469, %get3A_1470, %get3A_1471] : memref<4x64x16x1024xf32, #tpu.memory_space<vmem>>, vector<1x1x16x1024xf32>
    %get3A_1473 = vector.shape_cast %get3A_1472 : vector<1x1x16x1024xf32> to vector<16x1024xf32>
    %sub3A_1474 = vector.broadcast %slice3A_1467 : vector<16x1xf32> to vector<16x1024xf32>
    %sub3A_1475 = arith.subf %sub3A_1474, %get3A_1473 : vector<16x1024xf32>
    %mul3A_1476 = arith.mulf %sub3A_1475, %sub3A_1475 : vector<16x1024xf32>
    %slice3A_1477 = vector.extract_strided_slice %get3A_1445 {offsets = [0, 6], sizes = [16, 1], strides = [1, 1]} : vector<16x64xf32> to vector<16x1xf32>
    %get3A_1478 = arith.constant 2 : index
    %get3A_1479 = arith.constant 6 : index
    %get3A_1480 = arith.constant 0 : index
    %get3A_1481 = arith.constant 0 : index
    %get3A_1482 = vector.load %arg2[%get3A_1478, %get3A_1479, %get3A_1480, %get3A_1481] : memref<4x64x16x1024xf32, #tpu.memory_space<vmem>>, vector<1x1x16x1024xf32>
    %get3A_1483 = vector.shape_cast %get3A_1482 : vector<1x1x16x1024xf32> to vector<16x1024xf32>
    %sub3A_1484 = vector.broadcast %slice3A_1477 : vector<16x1xf32> to vector<16x1024xf32>
    %sub3A_1485 = arith.subf %sub3A_1484, %get3A_1483 : vector<16x1024xf32>
    %mul3A_1486 = arith.mulf %sub3A_1485, %sub3A_1485 : vector<16x1024xf32>
    %add3A_1487 = arith.addf %mul3A_1476, %mul3A_1486 : vector<16x1024xf32>
    %slice3A_1488 = vector.extract_strided_slice %get3A_1445 {offsets = [0, 1], sizes = [16, 1], strides = [1, 1]} : vector<16x64xf32> to vector<16x1xf32>
    %get3A_1489 = arith.constant 2 : index
    %get3A_1490 = arith.constant 1 : index
    %get3A_1491 = arith.constant 0 : index
    %get3A_1492 = arith.constant 0 : index
    %get3A_1493 = vector.load %arg2[%get3A_1489, %get3A_1490, %get3A_1491, %get3A_1492] : memref<4x64x16x1024xf32, #tpu.memory_space<vmem>>, vector<1x1x16x1024xf32>
    %get3A_1494 = vector.shape_cast %get3A_1493 : vector<1x1x16x1024xf32> to vector<16x1024xf32>
    %sub3A_1495 = vector.broadcast %slice3A_1488 : vector<16x1xf32> to vector<16x1024xf32>
    %sub3A_1496 = arith.subf %sub3A_1495, %get3A_1494 : vector<16x1024xf32>
    %mul3A_1497 = arith.mulf %sub3A_1496, %sub3A_1496 : vector<16x1024xf32>
    %slice3A_1498 = vector.extract_strided_slice %get3A_1445 {offsets = [0, 5], sizes = [16, 1], strides = [1, 1]} : vector<16x64xf32> to vector<16x1xf32>
    %get3A_1499 = arith.constant 2 : index
    %get3A_1500 = arith.constant 5 : index
    %get3A_1501 = arith.constant 0 : index
    %get3A_1502 = arith.constant 0 : index
    %get3A_1503 = vector.load %arg2[%get3A_1499, %get3A_1500, %get3A_1501, %get3A_1502] : memref<4x64x16x1024xf32, #tpu.memory_space<vmem>>, vector<1x1x16x1024xf32>
    %get3A_1504 = vector.shape_cast %get3A_1503 : vector<1x1x16x1024xf32> to vector<16x1024xf32>
    %sub3A_1505 = vector.broadcast %slice3A_1498 : vector<16x1xf32> to vector<16x1024xf32>
    %sub3A_1506 = arith.subf %sub3A_1505, %get3A_1504 : vector<16x1024xf32>
    %mul3A_1507 = arith.mulf %sub3A_1506, %sub3A_1506 : vector<16x1024xf32>
    %add3A_1508 = arith.addf %mul3A_1497, %mul3A_1507 : vector<16x1024xf32>
    %slice3A_1509 = vector.extract_strided_slice %get3A_1445 {offsets = [0, 3], sizes = [16, 1], strides = [1, 1]} : vector<16x64xf32> to vector<16x1xf32>
    %get3A_1510 = arith.constant 2 : index
    %get3A_1511 = arith.constant 3 : index
    %get3A_1512 = arith.constant 0 : index
    %get3A_1513 = arith.constant 0 : index
    %get3A_1514 = vector.load %arg2[%get3A_1510, %get3A_1511, %get3A_1512, %get3A_1513] : memref<4x64x16x1024xf32, #tpu.memory_space<vmem>>, vector<1x1x16x1024xf32>
    %get3A_1515 = vector.shape_cast %get3A_1514 : vector<1x1x16x1024xf32> to vector<16x1024xf32>
    %sub3A_1516 = vector.broadcast %slice3A_1509 : vector<16x1xf32> to vector<16x1024xf32>
    %sub3A_1517 = arith.subf %sub3A_1516, %get3A_1515 : vector<16x1024xf32>
    %mul3A_1518 = arith.mulf %sub3A_1517, %sub3A_1517 : vector<16x1024xf32>
    %slice3A_1519 = vector.extract_strided_slice %get3A_1445 {offsets = [0, 7], sizes = [16, 1], strides = [1, 1]} : vector<16x64xf32> to vector<16x1xf32>
    %get3A_1520 = arith.constant 2 : index
    %get3A_1521 = arith.constant 7 : index
    %get3A_1522 = arith.constant 0 : index
    %get3A_1523 = arith.constant 0 : index
    %get3A_1524 = vector.load %arg2[%get3A_1520, %get3A_1521, %get3A_1522, %get3A_1523] : memref<4x64x16x1024xf32, #tpu.memory_space<vmem>>, vector<1x1x16x1024xf32>
    %get3A_1525 = vector.shape_cast %get3A_1524 : vector<1x1x16x1024xf32> to vector<16x1024xf32>
    %sub3A_1526 = vector.broadcast %slice3A_1519 : vector<16x1xf32> to vector<16x1024xf32>
    %sub3A_1527 = arith.subf %sub3A_1526, %get3A_1525 : vector<16x1024xf32>
    %mul3A_1528 = arith.mulf %sub3A_1527, %sub3A_1527 : vector<16x1024xf32>
    %add3A_1529 = arith.addf %mul3A_1518, %mul3A_1528 : vector<16x1024xf32>
    %add3A_1530 = arith.addf %add3A_1466, %add3A_1487 : vector<16x1024xf32>
    %add3A_1531 = arith.addf %add3A_1508, %add3A_1529 : vector<16x1024xf32>
    %add3A_1532 = arith.addf %add3A_1530, %add3A_1531 : vector<16x1024xf32>
    %slice3A_1533 = vector.extract_strided_slice %get3A_1445 {offsets = [0, 8], sizes = [16, 1], strides = [1, 1]} : vector<16x64xf32> to vector<16x1xf32>
    %get3A_1534 = arith.constant 2 : index
    %get3A_1535 = arith.constant 8 : index
    %get3A_1536 = arith.constant 0 : index
    %get3A_1537 = arith.constant 0 : index
    %get3A_1538 = vector.load %arg2[%get3A_1534, %get3A_1535, %get3A_1536, %get3A_1537] : memref<4x64x16x1024xf32, #tpu.memory_space<vmem>>, vector<1x1x16x1024xf32>
    %get3A_1539 = vector.shape_cast %get3A_1538 : vector<1x1x16x1024xf32> to vector<16x1024xf32>
    %sub3A_1540 = vector.broadcast %slice3A_1533 : vector<16x1xf32> to vector<16x1024xf32>
    %sub3A_1541 = arith.subf %sub3A_1540, %get3A_1539 : vector<16x1024xf32>
    %mul3A_1542 = arith.mulf %sub3A_1541, %sub3A_1541 : vector<16x1024xf32>
    %slice3A_1543 = vector.extract_strided_slice %get3A_1445 {offsets = [0, 12], sizes = [16, 1], strides = [1, 1]} : vector<16x64xf32> to vector<16x1xf32>
    %get3A_1544 = arith.constant 2 : index
    %get3A_1545 = arith.constant 12 : index
    %get3A_1546 = arith.constant 0 : index
    %get3A_1547 = arith.constant 0 : index
    %get3A_1548 = vector.load %arg2[%get3A_1544, %get3A_1545, %get3A_1546, %get3A_1547] : memref<4x64x16x1024xf32, #tpu.memory_space<vmem>>, vector<1x1x16x1024xf32>
    %get3A_1549 = vector.shape_cast %get3A_1548 : vector<1x1x16x1024xf32> to vector<16x1024xf32>
    %sub3A_1550 = vector.broadcast %slice3A_1543 : vector<16x1xf32> to vector<16x1024xf32>
    %sub3A_1551 = arith.subf %sub3A_1550, %get3A_1549 : vector<16x1024xf32>
    %mul3A_1552 = arith.mulf %sub3A_1551, %sub3A_1551 : vector<16x1024xf32>
    %add3A_1553 = arith.addf %mul3A_1542, %mul3A_1552 : vector<16x1024xf32>
    %slice3A_1554 = vector.extract_strided_slice %get3A_1445 {offsets = [0, 10], sizes = [16, 1], strides = [1, 1]} : vector<16x64xf32> to vector<16x1xf32>
    %get3A_1555 = arith.constant 2 : index
    %get3A_1556 = arith.constant 10 : index
    %get3A_1557 = arith.constant 0 : index
    %get3A_1558 = arith.constant 0 : index
    %get3A_1559 = vector.load %arg2[%get3A_1555, %get3A_1556, %get3A_1557, %get3A_1558] : memref<4x64x16x1024xf32, #tpu.memory_space<vmem>>, vector<1x1x16x1024xf32>
    %get3A_1560 = vector.shape_cast %get3A_1559 : vector<1x1x16x1024xf32> to vector<16x1024xf32>
    %sub3A_1561 = vector.broadcast %slice3A_1554 : vector<16x1xf32> to vector<16x1024xf32>
    %sub3A_1562 = arith.subf %sub3A_1561, %get3A_1560 : vector<16x1024xf32>
    %mul3A_1563 = arith.mulf %sub3A_1562, %sub3A_1562 : vector<16x1024xf32>
    %slice3A_1564 = vector.extract_strided_slice %get3A_1445 {offsets = [0, 14], sizes = [16, 1], strides = [1, 1]} : vector<16x64xf32> to vector<16x1xf32>
    %get3A_1565 = arith.constant 2 : index
    %get3A_1566 = arith.constant 14 : index
    %get3A_1567 = arith.constant 0 : index
    %get3A_1568 = arith.constant 0 : index
    %get3A_1569 = vector.load %arg2[%get3A_1565, %get3A_1566, %get3A_1567, %get3A_1568] : memref<4x64x16x1024xf32, #tpu.memory_space<vmem>>, vector<1x1x16x1024xf32>
    %get3A_1570 = vector.shape_cast %get3A_1569 : vector<1x1x16x1024xf32> to vector<16x1024xf32>
    %sub3A_1571 = vector.broadcast %slice3A_1564 : vector<16x1xf32> to vector<16x1024xf32>
    %sub3A_1572 = arith.subf %sub3A_1571, %get3A_1570 : vector<16x1024xf32>
    %mul3A_1573 = arith.mulf %sub3A_1572, %sub3A_1572 : vector<16x1024xf32>
    %add3A_1574 = arith.addf %mul3A_1563, %mul3A_1573 : vector<16x1024xf32>
    %slice3A_1575 = vector.extract_strided_slice %get3A_1445 {offsets = [0, 9], sizes = [16, 1], strides = [1, 1]} : vector<16x64xf32> to vector<16x1xf32>
    %get3A_1576 = arith.constant 2 : index
    %get3A_1577 = arith.constant 9 : index
    %get3A_1578 = arith.constant 0 : index
    %get3A_1579 = arith.constant 0 : index
    %get3A_1580 = vector.load %arg2[%get3A_1576, %get3A_1577, %get3A_1578, %get3A_1579] : memref<4x64x16x1024xf32, #tpu.memory_space<vmem>>, vector<1x1x16x1024xf32>
    %get3A_1581 = vector.shape_cast %get3A_1580 : vector<1x1x16x1024xf32> to vector<16x1024xf32>
    %sub3A_1582 = vector.broadcast %slice3A_1575 : vector<16x1xf32> to vector<16x1024xf32>
    %sub3A_1583 = arith.subf %sub3A_1582, %get3A_1581 : vector<16x1024xf32>
    %mul3A_1584 = arith.mulf %sub3A_1583, %sub3A_1583 : vector<16x1024xf32>
    %slice3A_1585 = vector.extract_strided_slice %get3A_1445 {offsets = [0, 13], sizes = [16, 1], strides = [1, 1]} : vector<16x64xf32> to vector<16x1xf32>
    %get3A_1586 = arith.constant 2 : index
    %get3A_1587 = arith.constant 13 : index
    %get3A_1588 = arith.constant 0 : index
    %get3A_1589 = arith.constant 0 : index
    %get3A_1590 = vector.load %arg2[%get3A_1586, %get3A_1587, %get3A_1588, %get3A_1589] : memref<4x64x16x1024xf32, #tpu.memory_space<vmem>>, vector<1x1x16x1024xf32>
    %get3A_1591 = vector.shape_cast %get3A_1590 : vector<1x1x16x1024xf32> to vector<16x1024xf32>
    %sub3A_1592 = vector.broadcast %slice3A_1585 : vector<16x1xf32> to vector<16x1024xf32>
    %sub3A_1593 = arith.subf %sub3A_1592, %get3A_1591 : vector<16x1024xf32>
    %mul3A_1594 = arith.mulf %sub3A_1593, %sub3A_1593 : vector<16x1024xf32>
    %add3A_1595 = arith.addf %mul3A_1584, %mul3A_1594 : vector<16x1024xf32>
    %slice3A_1596 = vector.extract_strided_slice %get3A_1445 {offsets = [0, 11], sizes = [16, 1], strides = [1, 1]} : vector<16x64xf32> to vector<16x1xf32>
    %get3A_1597 = arith.constant 2 : index
    %get3A_1598 = arith.constant 11 : index
    %get3A_1599 = arith.constant 0 : index
    %get3A_1600 = arith.constant 0 : index
    %get3A_1601 = vector.load %arg2[%get3A_1597, %get3A_1598, %get3A_1599, %get3A_1600] : memref<4x64x16x1024xf32, #tpu.memory_space<vmem>>, vector<1x1x16x1024xf32>
    %get3A_1602 = vector.shape_cast %get3A_1601 : vector<1x1x16x1024xf32> to vector<16x1024xf32>
    %sub3A_1603 = vector.broadcast %slice3A_1596 : vector<16x1xf32> to vector<16x1024xf32>
    %sub3A_1604 = arith.subf %sub3A_1603, %get3A_1602 : vector<16x1024xf32>
    %mul3A_1605 = arith.mulf %sub3A_1604, %sub3A_1604 : vector<16x1024xf32>
    %slice3A_1606 = vector.extract_strided_slice %get3A_1445 {offsets = [0, 15], sizes = [16, 1], strides = [1, 1]} : vector<16x64xf32> to vector<16x1xf32>
    %get3A_1607 = arith.constant 2 : index
    %get3A_1608 = arith.constant 15 : index
    %get3A_1609 = arith.constant 0 : index
    %get3A_1610 = arith.constant 0 : index
    %get3A_1611 = vector.load %arg2[%get3A_1607, %get3A_1608, %get3A_1609, %get3A_1610] : memref<4x64x16x1024xf32, #tpu.memory_space<vmem>>, vector<1x1x16x1024xf32>
    %get3A_1612 = vector.shape_cast %get3A_1611 : vector<1x1x16x1024xf32> to vector<16x1024xf32>
    %sub3A_1613 = vector.broadcast %slice3A_1606 : vector<16x1xf32> to vector<16x1024xf32>
    %sub3A_1614 = arith.subf %sub3A_1613, %get3A_1612 : vector<16x1024xf32>
    %mul3A_1615 = arith.mulf %sub3A_1614, %sub3A_1614 : vector<16x1024xf32>
    %add3A_1616 = arith.addf %mul3A_1605, %mul3A_1615 : vector<16x1024xf32>
    %add3A_1617 = arith.addf %add3A_1553, %add3A_1574 : vector<16x1024xf32>
    %add3A_1618 = arith.addf %add3A_1595, %add3A_1616 : vector<16x1024xf32>
    %add3A_1619 = arith.addf %add3A_1617, %add3A_1618 : vector<16x1024xf32>
    %add3A_1620 = arith.addf %add3A_1532, %add3A_1619 : vector<16x1024xf32>
    %slice3A_1621 = vector.extract_strided_slice %get3A_1445 {offsets = [0, 16], sizes = [16, 1], strides = [1, 1]} : vector<16x64xf32> to vector<16x1xf32>
    %get3A_1622 = arith.constant 2 : index
    %get3A_1623 = arith.constant 16 : index
    %get3A_1624 = arith.constant 0 : index
    %get3A_1625 = arith.constant 0 : index
    %get3A_1626 = vector.load %arg2[%get3A_1622, %get3A_1623, %get3A_1624, %get3A_1625] : memref<4x64x16x1024xf32, #tpu.memory_space<vmem>>, vector<1x1x16x1024xf32>
    %get3A_1627 = vector.shape_cast %get3A_1626 : vector<1x1x16x1024xf32> to vector<16x1024xf32>
    %sub3A_1628 = vector.broadcast %slice3A_1621 : vector<16x1xf32> to vector<16x1024xf32>
    %sub3A_1629 = arith.subf %sub3A_1628, %get3A_1627 : vector<16x1024xf32>
    %mul3A_1630 = arith.mulf %sub3A_1629, %sub3A_1629 : vector<16x1024xf32>
    %slice3A_1631 = vector.extract_strided_slice %get3A_1445 {offsets = [0, 20], sizes = [16, 1], strides = [1, 1]} : vector<16x64xf32> to vector<16x1xf32>
    %get3A_1632 = arith.constant 2 : index
    %get3A_1633 = arith.constant 20 : index
    %get3A_1634 = arith.constant 0 : index
    %get3A_1635 = arith.constant 0 : index
    %get3A_1636 = vector.load %arg2[%get3A_1632, %get3A_1633, %get3A_1634, %get3A_1635] : memref<4x64x16x1024xf32, #tpu.memory_space<vmem>>, vector<1x1x16x1024xf32>
    %get3A_1637 = vector.shape_cast %get3A_1636 : vector<1x1x16x1024xf32> to vector<16x1024xf32>
    %sub3A_1638 = vector.broadcast %slice3A_1631 : vector<16x1xf32> to vector<16x1024xf32>
    %sub3A_1639 = arith.subf %sub3A_1638, %get3A_1637 : vector<16x1024xf32>
    %mul3A_1640 = arith.mulf %sub3A_1639, %sub3A_1639 : vector<16x1024xf32>
    %add3A_1641 = arith.addf %mul3A_1630, %mul3A_1640 : vector<16x1024xf32>
    %slice3A_1642 = vector.extract_strided_slice %get3A_1445 {offsets = [0, 18], sizes = [16, 1], strides = [1, 1]} : vector<16x64xf32> to vector<16x1xf32>
    %get3A_1643 = arith.constant 2 : index
    %get3A_1644 = arith.constant 18 : index
    %get3A_1645 = arith.constant 0 : index
    %get3A_1646 = arith.constant 0 : index
    %get3A_1647 = vector.load %arg2[%get3A_1643, %get3A_1644, %get3A_1645, %get3A_1646] : memref<4x64x16x1024xf32, #tpu.memory_space<vmem>>, vector<1x1x16x1024xf32>
    %get3A_1648 = vector.shape_cast %get3A_1647 : vector<1x1x16x1024xf32> to vector<16x1024xf32>
    %sub3A_1649 = vector.broadcast %slice3A_1642 : vector<16x1xf32> to vector<16x1024xf32>
    %sub3A_1650 = arith.subf %sub3A_1649, %get3A_1648 : vector<16x1024xf32>
    %mul3A_1651 = arith.mulf %sub3A_1650, %sub3A_1650 : vector<16x1024xf32>
    %slice3A_1652 = vector.extract_strided_slice %get3A_1445 {offsets = [0, 22], sizes = [16, 1], strides = [1, 1]} : vector<16x64xf32> to vector<16x1xf32>
    %get3A_1653 = arith.constant 2 : index
    %get3A_1654 = arith.constant 22 : index
    %get3A_1655 = arith.constant 0 : index
    %get3A_1656 = arith.constant 0 : index
    %get3A_1657 = vector.load %arg2[%get3A_1653, %get3A_1654, %get3A_1655, %get3A_1656] : memref<4x64x16x1024xf32, #tpu.memory_space<vmem>>, vector<1x1x16x1024xf32>
    %get3A_1658 = vector.shape_cast %get3A_1657 : vector<1x1x16x1024xf32> to vector<16x1024xf32>
    %sub3A_1659 = vector.broadcast %slice3A_1652 : vector<16x1xf32> to vector<16x1024xf32>
    %sub3A_1660 = arith.subf %sub3A_1659, %get3A_1658 : vector<16x1024xf32>
    %mul3A_1661 = arith.mulf %sub3A_1660, %sub3A_1660 : vector<16x1024xf32>
    %add3A_1662 = arith.addf %mul3A_1651, %mul3A_1661 : vector<16x1024xf32>
    %slice3A_1663 = vector.extract_strided_slice %get3A_1445 {offsets = [0, 17], sizes = [16, 1], strides = [1, 1]} : vector<16x64xf32> to vector<16x1xf32>
    %get3A_1664 = arith.constant 2 : index
    %get3A_1665 = arith.constant 17 : index
    %get3A_1666 = arith.constant 0 : index
    %get3A_1667 = arith.constant 0 : index
    %get3A_1668 = vector.load %arg2[%get3A_1664, %get3A_1665, %get3A_1666, %get3A_1667] : memref<4x64x16x1024xf32, #tpu.memory_space<vmem>>, vector<1x1x16x1024xf32>
    %get3A_1669 = vector.shape_cast %get3A_1668 : vector<1x1x16x1024xf32> to vector<16x1024xf32>
    %sub3A_1670 = vector.broadcast %slice3A_1663 : vector<16x1xf32> to vector<16x1024xf32>
    %sub3A_1671 = arith.subf %sub3A_1670, %get3A_1669 : vector<16x1024xf32>
    %mul3A_1672 = arith.mulf %sub3A_1671, %sub3A_1671 : vector<16x1024xf32>
    %slice3A_1673 = vector.extract_strided_slice %get3A_1445 {offsets = [0, 21], sizes = [16, 1], strides = [1, 1]} : vector<16x64xf32> to vector<16x1xf32>
    %get3A_1674 = arith.constant 2 : index
    %get3A_1675 = arith.constant 21 : index
    %get3A_1676 = arith.constant 0 : index
    %get3A_1677 = arith.constant 0 : index
    %get3A_1678 = vector.load %arg2[%get3A_1674, %get3A_1675, %get3A_1676, %get3A_1677] : memref<4x64x16x1024xf32, #tpu.memory_space<vmem>>, vector<1x1x16x1024xf32>
    %get3A_1679 = vector.shape_cast %get3A_1678 : vector<1x1x16x1024xf32> to vector<16x1024xf32>
    %sub3A_1680 = vector.broadcast %slice3A_1673 : vector<16x1xf32> to vector<16x1024xf32>
    %sub3A_1681 = arith.subf %sub3A_1680, %get3A_1679 : vector<16x1024xf32>
    %mul3A_1682 = arith.mulf %sub3A_1681, %sub3A_1681 : vector<16x1024xf32>
    %add3A_1683 = arith.addf %mul3A_1672, %mul3A_1682 : vector<16x1024xf32>
    %slice3A_1684 = vector.extract_strided_slice %get3A_1445 {offsets = [0, 19], sizes = [16, 1], strides = [1, 1]} : vector<16x64xf32> to vector<16x1xf32>
    %get3A_1685 = arith.constant 2 : index
    %get3A_1686 = arith.constant 19 : index
    %get3A_1687 = arith.constant 0 : index
    %get3A_1688 = arith.constant 0 : index
    %get3A_1689 = vector.load %arg2[%get3A_1685, %get3A_1686, %get3A_1687, %get3A_1688] : memref<4x64x16x1024xf32, #tpu.memory_space<vmem>>, vector<1x1x16x1024xf32>
    %get3A_1690 = vector.shape_cast %get3A_1689 : vector<1x1x16x1024xf32> to vector<16x1024xf32>
    %sub3A_1691 = vector.broadcast %slice3A_1684 : vector<16x1xf32> to vector<16x1024xf32>
    %sub3A_1692 = arith.subf %sub3A_1691, %get3A_1690 : vector<16x1024xf32>
    %mul3A_1693 = arith.mulf %sub3A_1692, %sub3A_1692 : vector<16x1024xf32>
    %slice3A_1694 = vector.extract_strided_slice %get3A_1445 {offsets = [0, 23], sizes = [16, 1], strides = [1, 1]} : vector<16x64xf32> to vector<16x1xf32>
    %get3A_1695 = arith.constant 2 : index
    %get3A_1696 = arith.constant 23 : index
    %get3A_1697 = arith.constant 0 : index
    %get3A_1698 = arith.constant 0 : index
    %get3A_1699 = vector.load %arg2[%get3A_1695, %get3A_1696, %get3A_1697, %get3A_1698] : memref<4x64x16x1024xf32, #tpu.memory_space<vmem>>, vector<1x1x16x1024xf32>
    %get3A_1700 = vector.shape_cast %get3A_1699 : vector<1x1x16x1024xf32> to vector<16x1024xf32>
    %sub3A_1701 = vector.broadcast %slice3A_1694 : vector<16x1xf32> to vector<16x1024xf32>
    %sub3A_1702 = arith.subf %sub3A_1701, %get3A_1700 : vector<16x1024xf32>
    %mul3A_1703 = arith.mulf %sub3A_1702, %sub3A_1702 : vector<16x1024xf32>
    %add3A_1704 = arith.addf %mul3A_1693, %mul3A_1703 : vector<16x1024xf32>
    %add3A_1705 = arith.addf %add3A_1641, %add3A_1662 : vector<16x1024xf32>
    %add3A_1706 = arith.addf %add3A_1683, %add3A_1704 : vector<16x1024xf32>
    %add3A_1707 = arith.addf %add3A_1705, %add3A_1706 : vector<16x1024xf32>
    %add3A_1708 = arith.addf %add3A_1620, %add3A_1707 : vector<16x1024xf32>
    %slice3A_1709 = vector.extract_strided_slice %get3A_1445 {offsets = [0, 24], sizes = [16, 1], strides = [1, 1]} : vector<16x64xf32> to vector<16x1xf32>
    %get3A_1710 = arith.constant 2 : index
    %get3A_1711 = arith.constant 24 : index
    %get3A_1712 = arith.constant 0 : index
    %get3A_1713 = arith.constant 0 : index
    %get3A_1714 = vector.load %arg2[%get3A_1710, %get3A_1711, %get3A_1712, %get3A_1713] : memref<4x64x16x1024xf32, #tpu.memory_space<vmem>>, vector<1x1x16x1024xf32>
    %get3A_1715 = vector.shape_cast %get3A_1714 : vector<1x1x16x1024xf32> to vector<16x1024xf32>
    %sub3A_1716 = vector.broadcast %slice3A_1709 : vector<16x1xf32> to vector<16x1024xf32>
    %sub3A_1717 = arith.subf %sub3A_1716, %get3A_1715 : vector<16x1024xf32>
    %mul3A_1718 = arith.mulf %sub3A_1717, %sub3A_1717 : vector<16x1024xf32>
    %slice3A_1719 = vector.extract_strided_slice %get3A_1445 {offsets = [0, 28], sizes = [16, 1], strides = [1, 1]} : vector<16x64xf32> to vector<16x1xf32>
    %get3A_1720 = arith.constant 2 : index
    %get3A_1721 = arith.constant 28 : index
    %get3A_1722 = arith.constant 0 : index
    %get3A_1723 = arith.constant 0 : index
    %get3A_1724 = vector.load %arg2[%get3A_1720, %get3A_1721, %get3A_1722, %get3A_1723] : memref<4x64x16x1024xf32, #tpu.memory_space<vmem>>, vector<1x1x16x1024xf32>
    %get3A_1725 = vector.shape_cast %get3A_1724 : vector<1x1x16x1024xf32> to vector<16x1024xf32>
    %sub3A_1726 = vector.broadcast %slice3A_1719 : vector<16x1xf32> to vector<16x1024xf32>
    %sub3A_1727 = arith.subf %sub3A_1726, %get3A_1725 : vector<16x1024xf32>
    %mul3A_1728 = arith.mulf %sub3A_1727, %sub3A_1727 : vector<16x1024xf32>
    %add3A_1729 = arith.addf %mul3A_1718, %mul3A_1728 : vector<16x1024xf32>
    %slice3A_1730 = vector.extract_strided_slice %get3A_1445 {offsets = [0, 26], sizes = [16, 1], strides = [1, 1]} : vector<16x64xf32> to vector<16x1xf32>
    %get3A_1731 = arith.constant 2 : index
    %get3A_1732 = arith.constant 26 : index
    %get3A_1733 = arith.constant 0 : index
    %get3A_1734 = arith.constant 0 : index
    %get3A_1735 = vector.load %arg2[%get3A_1731, %get3A_1732, %get3A_1733, %get3A_1734] : memref<4x64x16x1024xf32, #tpu.memory_space<vmem>>, vector<1x1x16x1024xf32>
    %get3A_1736 = vector.shape_cast %get3A_1735 : vector<1x1x16x1024xf32> to vector<16x1024xf32>
    %sub3A_1737 = vector.broadcast %slice3A_1730 : vector<16x1xf32> to vector<16x1024xf32>
    %sub3A_1738 = arith.subf %sub3A_1737, %get3A_1736 : vector<16x1024xf32>
    %mul3A_1739 = arith.mulf %sub3A_1738, %sub3A_1738 : vector<16x1024xf32>
    %slice3A_1740 = vector.extract_strided_slice %get3A_1445 {offsets = [0, 30], sizes = [16, 1], strides = [1, 1]} : vector<16x64xf32> to vector<16x1xf32>
    %get3A_1741 = arith.constant 2 : index
    %get3A_1742 = arith.constant 30 : index
    %get3A_1743 = arith.constant 0 : index
    %get3A_1744 = arith.constant 0 : index
    %get3A_1745 = vector.load %arg2[%get3A_1741, %get3A_1742, %get3A_1743, %get3A_1744] : memref<4x64x16x1024xf32, #tpu.memory_space<vmem>>, vector<1x1x16x1024xf32>
    %get3A_1746 = vector.shape_cast %get3A_1745 : vector<1x1x16x1024xf32> to vector<16x1024xf32>
    %sub3A_1747 = vector.broadcast %slice3A_1740 : vector<16x1xf32> to vector<16x1024xf32>
    %sub3A_1748 = arith.subf %sub3A_1747, %get3A_1746 : vector<16x1024xf32>
    %mul3A_1749 = arith.mulf %sub3A_1748, %sub3A_1748 : vector<16x1024xf32>
    %add3A_1750 = arith.addf %mul3A_1739, %mul3A_1749 : vector<16x1024xf32>
    %slice3A_1751 = vector.extract_strided_slice %get3A_1445 {offsets = [0, 25], sizes = [16, 1], strides = [1, 1]} : vector<16x64xf32> to vector<16x1xf32>
    %get3A_1752 = arith.constant 2 : index
    %get3A_1753 = arith.constant 25 : index
    %get3A_1754 = arith.constant 0 : index
    %get3A_1755 = arith.constant 0 : index
    %get3A_1756 = vector.load %arg2[%get3A_1752, %get3A_1753, %get3A_1754, %get3A_1755] : memref<4x64x16x1024xf32, #tpu.memory_space<vmem>>, vector<1x1x16x1024xf32>
    %get3A_1757 = vector.shape_cast %get3A_1756 : vector<1x1x16x1024xf32> to vector<16x1024xf32>
    %sub3A_1758 = vector.broadcast %slice3A_1751 : vector<16x1xf32> to vector<16x1024xf32>
    %sub3A_1759 = arith.subf %sub3A_1758, %get3A_1757 : vector<16x1024xf32>
    %mul3A_1760 = arith.mulf %sub3A_1759, %sub3A_1759 : vector<16x1024xf32>
    %slice3A_1761 = vector.extract_strided_slice %get3A_1445 {offsets = [0, 29], sizes = [16, 1], strides = [1, 1]} : vector<16x64xf32> to vector<16x1xf32>
    %get3A_1762 = arith.constant 2 : index
    %get3A_1763 = arith.constant 29 : index
    %get3A_1764 = arith.constant 0 : index
    %get3A_1765 = arith.constant 0 : index
    %get3A_1766 = vector.load %arg2[%get3A_1762, %get3A_1763, %get3A_1764, %get3A_1765] : memref<4x64x16x1024xf32, #tpu.memory_space<vmem>>, vector<1x1x16x1024xf32>
    %get3A_1767 = vector.shape_cast %get3A_1766 : vector<1x1x16x1024xf32> to vector<16x1024xf32>
    %sub3A_1768 = vector.broadcast %slice3A_1761 : vector<16x1xf32> to vector<16x1024xf32>
    %sub3A_1769 = arith.subf %sub3A_1768, %get3A_1767 : vector<16x1024xf32>
    %mul3A_1770 = arith.mulf %sub3A_1769, %sub3A_1769 : vector<16x1024xf32>
    %add3A_1771 = arith.addf %mul3A_1760, %mul3A_1770 : vector<16x1024xf32>
    %slice3A_1772 = vector.extract_strided_slice %get3A_1445 {offsets = [0, 27], sizes = [16, 1], strides = [1, 1]} : vector<16x64xf32> to vector<16x1xf32>
    %get3A_1773 = arith.constant 2 : index
    %get3A_1774 = arith.constant 27 : index
    %get3A_1775 = arith.constant 0 : index
    %get3A_1776 = arith.constant 0 : index
    %get3A_1777 = vector.load %arg2[%get3A_1773, %get3A_1774, %get3A_1775, %get3A_1776] : memref<4x64x16x1024xf32, #tpu.memory_space<vmem>>, vector<1x1x16x1024xf32>
    %get3A_1778 = vector.shape_cast %get3A_1777 : vector<1x1x16x1024xf32> to vector<16x1024xf32>
    %sub3A_1779 = vector.broadcast %slice3A_1772 : vector<16x1xf32> to vector<16x1024xf32>
    %sub3A_1780 = arith.subf %sub3A_1779, %get3A_1778 : vector<16x1024xf32>
    %mul3A_1781 = arith.mulf %sub3A_1780, %sub3A_1780 : vector<16x1024xf32>
    %slice3A_1782 = vector.extract_strided_slice %get3A_1445 {offsets = [0, 31], sizes = [16, 1], strides = [1, 1]} : vector<16x64xf32> to vector<16x1xf32>
    %get3A_1783 = arith.constant 2 : index
    %get3A_1784 = arith.constant 31 : index
    %get3A_1785 = arith.constant 0 : index
    %get3A_1786 = arith.constant 0 : index
    %get3A_1787 = vector.load %arg2[%get3A_1783, %get3A_1784, %get3A_1785, %get3A_1786] : memref<4x64x16x1024xf32, #tpu.memory_space<vmem>>, vector<1x1x16x1024xf32>
    %get3A_1788 = vector.shape_cast %get3A_1787 : vector<1x1x16x1024xf32> to vector<16x1024xf32>
    %sub3A_1789 = vector.broadcast %slice3A_1782 : vector<16x1xf32> to vector<16x1024xf32>
    %sub3A_1790 = arith.subf %sub3A_1789, %get3A_1788 : vector<16x1024xf32>
    %mul3A_1791 = arith.mulf %sub3A_1790, %sub3A_1790 : vector<16x1024xf32>
    %add3A_1792 = arith.addf %mul3A_1781, %mul3A_1791 : vector<16x1024xf32>
    %add3A_1793 = arith.addf %add3A_1729, %add3A_1750 : vector<16x1024xf32>
    %add3A_1794 = arith.addf %add3A_1771, %add3A_1792 : vector<16x1024xf32>
    %add3A_1795 = arith.addf %add3A_1793, %add3A_1794 : vector<16x1024xf32>
    %add3A_1796 = arith.addf %add3A_1708, %add3A_1795 : vector<16x1024xf32>
    %slice3A_1797 = vector.extract_strided_slice %get3A_1445 {offsets = [0, 32], sizes = [16, 1], strides = [1, 1]} : vector<16x64xf32> to vector<16x1xf32>
    %get3A_1798 = arith.constant 2 : index
    %get3A_1799 = arith.constant 32 : index
    %get3A_1800 = arith.constant 0 : index
    %get3A_1801 = arith.constant 0 : index
    %get3A_1802 = vector.load %arg2[%get3A_1798, %get3A_1799, %get3A_1800, %get3A_1801] : memref<4x64x16x1024xf32, #tpu.memory_space<vmem>>, vector<1x1x16x1024xf32>
    %get3A_1803 = vector.shape_cast %get3A_1802 : vector<1x1x16x1024xf32> to vector<16x1024xf32>
    %sub3A_1804 = vector.broadcast %slice3A_1797 : vector<16x1xf32> to vector<16x1024xf32>
    %sub3A_1805 = arith.subf %sub3A_1804, %get3A_1803 : vector<16x1024xf32>
    %mul3A_1806 = arith.mulf %sub3A_1805, %sub3A_1805 : vector<16x1024xf32>
    %slice3A_1807 = vector.extract_strided_slice %get3A_1445 {offsets = [0, 36], sizes = [16, 1], strides = [1, 1]} : vector<16x64xf32> to vector<16x1xf32>
    %get3A_1808 = arith.constant 2 : index
    %get3A_1809 = arith.constant 36 : index
    %get3A_1810 = arith.constant 0 : index
    %get3A_1811 = arith.constant 0 : index
    %get3A_1812 = vector.load %arg2[%get3A_1808, %get3A_1809, %get3A_1810, %get3A_1811] : memref<4x64x16x1024xf32, #tpu.memory_space<vmem>>, vector<1x1x16x1024xf32>
    %get3A_1813 = vector.shape_cast %get3A_1812 : vector<1x1x16x1024xf32> to vector<16x1024xf32>
    %sub3A_1814 = vector.broadcast %slice3A_1807 : vector<16x1xf32> to vector<16x1024xf32>
    %sub3A_1815 = arith.subf %sub3A_1814, %get3A_1813 : vector<16x1024xf32>
    %mul3A_1816 = arith.mulf %sub3A_1815, %sub3A_1815 : vector<16x1024xf32>
    %add3A_1817 = arith.addf %mul3A_1806, %mul3A_1816 : vector<16x1024xf32>
    %slice3A_1818 = vector.extract_strided_slice %get3A_1445 {offsets = [0, 34], sizes = [16, 1], strides = [1, 1]} : vector<16x64xf32> to vector<16x1xf32>
    %get3A_1819 = arith.constant 2 : index
    %get3A_1820 = arith.constant 34 : index
    %get3A_1821 = arith.constant 0 : index
    %get3A_1822 = arith.constant 0 : index
    %get3A_1823 = vector.load %arg2[%get3A_1819, %get3A_1820, %get3A_1821, %get3A_1822] : memref<4x64x16x1024xf32, #tpu.memory_space<vmem>>, vector<1x1x16x1024xf32>
    %get3A_1824 = vector.shape_cast %get3A_1823 : vector<1x1x16x1024xf32> to vector<16x1024xf32>
    %sub3A_1825 = vector.broadcast %slice3A_1818 : vector<16x1xf32> to vector<16x1024xf32>
    %sub3A_1826 = arith.subf %sub3A_1825, %get3A_1824 : vector<16x1024xf32>
    %mul3A_1827 = arith.mulf %sub3A_1826, %sub3A_1826 : vector<16x1024xf32>
    %slice3A_1828 = vector.extract_strided_slice %get3A_1445 {offsets = [0, 38], sizes = [16, 1], strides = [1, 1]} : vector<16x64xf32> to vector<16x1xf32>
    %get3A_1829 = arith.constant 2 : index
    %get3A_1830 = arith.constant 38 : index
    %get3A_1831 = arith.constant 0 : index
    %get3A_1832 = arith.constant 0 : index
    %get3A_1833 = vector.load %arg2[%get3A_1829, %get3A_1830, %get3A_1831, %get3A_1832] : memref<4x64x16x1024xf32, #tpu.memory_space<vmem>>, vector<1x1x16x1024xf32>
    %get3A_1834 = vector.shape_cast %get3A_1833 : vector<1x1x16x1024xf32> to vector<16x1024xf32>
    %sub3A_1835 = vector.broadcast %slice3A_1828 : vector<16x1xf32> to vector<16x1024xf32>
    %sub3A_1836 = arith.subf %sub3A_1835, %get3A_1834 : vector<16x1024xf32>
    %mul3A_1837 = arith.mulf %sub3A_1836, %sub3A_1836 : vector<16x1024xf32>
    %add3A_1838 = arith.addf %mul3A_1827, %mul3A_1837 : vector<16x1024xf32>
    %slice3A_1839 = vector.extract_strided_slice %get3A_1445 {offsets = [0, 33], sizes = [16, 1], strides = [1, 1]} : vector<16x64xf32> to vector<16x1xf32>
    %get3A_1840 = arith.constant 2 : index
    %get3A_1841 = arith.constant 33 : index
    %get3A_1842 = arith.constant 0 : index
    %get3A_1843 = arith.constant 0 : index
    %get3A_1844 = vector.load %arg2[%get3A_1840, %get3A_1841, %get3A_1842, %get3A_1843] : memref<4x64x16x1024xf32, #tpu.memory_space<vmem>>, vector<1x1x16x1024xf32>
    %get3A_1845 = vector.shape_cast %get3A_1844 : vector<1x1x16x1024xf32> to vector<16x1024xf32>
    %sub3A_1846 = vector.broadcast %slice3A_1839 : vector<16x1xf32> to vector<16x1024xf32>
    %sub3A_1847 = arith.subf %sub3A_1846, %get3A_1845 : vector<16x1024xf32>
    %mul3A_1848 = arith.mulf %sub3A_1847, %sub3A_1847 : vector<16x1024xf32>
    %slice3A_1849 = vector.extract_strided_slice %get3A_1445 {offsets = [0, 37], sizes = [16, 1], strides = [1, 1]} : vector<16x64xf32> to vector<16x1xf32>
    %get3A_1850 = arith.constant 2 : index
    %get3A_1851 = arith.constant 37 : index
    %get3A_1852 = arith.constant 0 : index
    %get3A_1853 = arith.constant 0 : index
    %get3A_1854 = vector.load %arg2[%get3A_1850, %get3A_1851, %get3A_1852, %get3A_1853] : memref<4x64x16x1024xf32, #tpu.memory_space<vmem>>, vector<1x1x16x1024xf32>
    %get3A_1855 = vector.shape_cast %get3A_1854 : vector<1x1x16x1024xf32> to vector<16x1024xf32>
    %sub3A_1856 = vector.broadcast %slice3A_1849 : vector<16x1xf32> to vector<16x1024xf32>
    %sub3A_1857 = arith.subf %sub3A_1856, %get3A_1855 : vector<16x1024xf32>
    %mul3A_1858 = arith.mulf %sub3A_1857, %sub3A_1857 : vector<16x1024xf32>
    %add3A_1859 = arith.addf %mul3A_1848, %mul3A_1858 : vector<16x1024xf32>
    %slice3A_1860 = vector.extract_strided_slice %get3A_1445 {offsets = [0, 35], sizes = [16, 1], strides = [1, 1]} : vector<16x64xf32> to vector<16x1xf32>
    %get3A_1861 = arith.constant 2 : index
    %get3A_1862 = arith.constant 35 : index
    %get3A_1863 = arith.constant 0 : index
    %get3A_1864 = arith.constant 0 : index
    %get3A_1865 = vector.load %arg2[%get3A_1861, %get3A_1862, %get3A_1863, %get3A_1864] : memref<4x64x16x1024xf32, #tpu.memory_space<vmem>>, vector<1x1x16x1024xf32>
    %get3A_1866 = vector.shape_cast %get3A_1865 : vector<1x1x16x1024xf32> to vector<16x1024xf32>
    %sub3A_1867 = vector.broadcast %slice3A_1860 : vector<16x1xf32> to vector<16x1024xf32>
    %sub3A_1868 = arith.subf %sub3A_1867, %get3A_1866 : vector<16x1024xf32>
    %mul3A_1869 = arith.mulf %sub3A_1868, %sub3A_1868 : vector<16x1024xf32>
    %slice3A_1870 = vector.extract_strided_slice %get3A_1445 {offsets = [0, 39], sizes = [16, 1], strides = [1, 1]} : vector<16x64xf32> to vector<16x1xf32>
    %get3A_1871 = arith.constant 2 : index
    %get3A_1872 = arith.constant 39 : index
    %get3A_1873 = arith.constant 0 : index
    %get3A_1874 = arith.constant 0 : index
    %get3A_1875 = vector.load %arg2[%get3A_1871, %get3A_1872, %get3A_1873, %get3A_1874] : memref<4x64x16x1024xf32, #tpu.memory_space<vmem>>, vector<1x1x16x1024xf32>
    %get3A_1876 = vector.shape_cast %get3A_1875 : vector<1x1x16x1024xf32> to vector<16x1024xf32>
    %sub3A_1877 = vector.broadcast %slice3A_1870 : vector<16x1xf32> to vector<16x1024xf32>
    %sub3A_1878 = arith.subf %sub3A_1877, %get3A_1876 : vector<16x1024xf32>
    %mul3A_1879 = arith.mulf %sub3A_1878, %sub3A_1878 : vector<16x1024xf32>
    %add3A_1880 = arith.addf %mul3A_1869, %mul3A_1879 : vector<16x1024xf32>
    %add3A_1881 = arith.addf %add3A_1817, %add3A_1838 : vector<16x1024xf32>
    %add3A_1882 = arith.addf %add3A_1859, %add3A_1880 : vector<16x1024xf32>
    %add3A_1883 = arith.addf %add3A_1881, %add3A_1882 : vector<16x1024xf32>
    %add3A_1884 = arith.addf %add3A_1796, %add3A_1883 : vector<16x1024xf32>
    %slice3A_1885 = vector.extract_strided_slice %get3A_1445 {offsets = [0, 40], sizes = [16, 1], strides = [1, 1]} : vector<16x64xf32> to vector<16x1xf32>
    %get3A_1886 = arith.constant 2 : index
    %get3A_1887 = arith.constant 40 : index
    %get3A_1888 = arith.constant 0 : index
    %get3A_1889 = arith.constant 0 : index
    %get3A_1890 = vector.load %arg2[%get3A_1886, %get3A_1887, %get3A_1888, %get3A_1889] : memref<4x64x16x1024xf32, #tpu.memory_space<vmem>>, vector<1x1x16x1024xf32>
    %get3A_1891 = vector.shape_cast %get3A_1890 : vector<1x1x16x1024xf32> to vector<16x1024xf32>
    %sub3A_1892 = vector.broadcast %slice3A_1885 : vector<16x1xf32> to vector<16x1024xf32>
    %sub3A_1893 = arith.subf %sub3A_1892, %get3A_1891 : vector<16x1024xf32>
    %mul3A_1894 = arith.mulf %sub3A_1893, %sub3A_1893 : vector<16x1024xf32>
    %slice3A_1895 = vector.extract_strided_slice %get3A_1445 {offsets = [0, 44], sizes = [16, 1], strides = [1, 1]} : vector<16x64xf32> to vector<16x1xf32>
    %get3A_1896 = arith.constant 2 : index
    %get3A_1897 = arith.constant 44 : index
    %get3A_1898 = arith.constant 0 : index
    %get3A_1899 = arith.constant 0 : index
    %get3A_1900 = vector.load %arg2[%get3A_1896, %get3A_1897, %get3A_1898, %get3A_1899] : memref<4x64x16x1024xf32, #tpu.memory_space<vmem>>, vector<1x1x16x1024xf32>
    %get3A_1901 = vector.shape_cast %get3A_1900 : vector<1x1x16x1024xf32> to vector<16x1024xf32>
    %sub3A_1902 = vector.broadcast %slice3A_1895 : vector<16x1xf32> to vector<16x1024xf32>
    %sub3A_1903 = arith.subf %sub3A_1902, %get3A_1901 : vector<16x1024xf32>
    %mul3A_1904 = arith.mulf %sub3A_1903, %sub3A_1903 : vector<16x1024xf32>
    %add3A_1905 = arith.addf %mul3A_1894, %mul3A_1904 : vector<16x1024xf32>
    %slice3A_1906 = vector.extract_strided_slice %get3A_1445 {offsets = [0, 42], sizes = [16, 1], strides = [1, 1]} : vector<16x64xf32> to vector<16x1xf32>
    %get3A_1907 = arith.constant 2 : index
    %get3A_1908 = arith.constant 42 : index
    %get3A_1909 = arith.constant 0 : index
    %get3A_1910 = arith.constant 0 : index
    %get3A_1911 = vector.load %arg2[%get3A_1907, %get3A_1908, %get3A_1909, %get3A_1910] : memref<4x64x16x1024xf32, #tpu.memory_space<vmem>>, vector<1x1x16x1024xf32>
    %get3A_1912 = vector.shape_cast %get3A_1911 : vector<1x1x16x1024xf32> to vector<16x1024xf32>
    %sub3A_1913 = vector.broadcast %slice3A_1906 : vector<16x1xf32> to vector<16x1024xf32>
    %sub3A_1914 = arith.subf %sub3A_1913, %get3A_1912 : vector<16x1024xf32>
    %mul3A_1915 = arith.mulf %sub3A_1914, %sub3A_1914 : vector<16x1024xf32>
    %slice3A_1916 = vector.extract_strided_slice %get3A_1445 {offsets = [0, 46], sizes = [16, 1], strides = [1, 1]} : vector<16x64xf32> to vector<16x1xf32>
    %get3A_1917 = arith.constant 2 : index
    %get3A_1918 = arith.constant 46 : index
    %get3A_1919 = arith.constant 0 : index
    %get3A_1920 = arith.constant 0 : index
    %get3A_1921 = vector.load %arg2[%get3A_1917, %get3A_1918, %get3A_1919, %get3A_1920] : memref<4x64x16x1024xf32, #tpu.memory_space<vmem>>, vector<1x1x16x1024xf32>
    %get3A_1922 = vector.shape_cast %get3A_1921 : vector<1x1x16x1024xf32> to vector<16x1024xf32>
    %sub3A_1923 = vector.broadcast %slice3A_1916 : vector<16x1xf32> to vector<16x1024xf32>
    %sub3A_1924 = arith.subf %sub3A_1923, %get3A_1922 : vector<16x1024xf32>
    %mul3A_1925 = arith.mulf %sub3A_1924, %sub3A_1924 : vector<16x1024xf32>
    %add3A_1926 = arith.addf %mul3A_1915, %mul3A_1925 : vector<16x1024xf32>
    %slice3A_1927 = vector.extract_strided_slice %get3A_1445 {offsets = [0, 41], sizes = [16, 1], strides = [1, 1]} : vector<16x64xf32> to vector<16x1xf32>
    %get3A_1928 = arith.constant 2 : index
    %get3A_1929 = arith.constant 41 : index
    %get3A_1930 = arith.constant 0 : index
    %get3A_1931 = arith.constant 0 : index
    %get3A_1932 = vector.load %arg2[%get3A_1928, %get3A_1929, %get3A_1930, %get3A_1931] : memref<4x64x16x1024xf32, #tpu.memory_space<vmem>>, vector<1x1x16x1024xf32>
    %get3A_1933 = vector.shape_cast %get3A_1932 : vector<1x1x16x1024xf32> to vector<16x1024xf32>
    %sub3A_1934 = vector.broadcast %slice3A_1927 : vector<16x1xf32> to vector<16x1024xf32>
    %sub3A_1935 = arith.subf %sub3A_1934, %get3A_1933 : vector<16x1024xf32>
    %mul3A_1936 = arith.mulf %sub3A_1935, %sub3A_1935 : vector<16x1024xf32>
    %slice3A_1937 = vector.extract_strided_slice %get3A_1445 {offsets = [0, 45], sizes = [16, 1], strides = [1, 1]} : vector<16x64xf32> to vector<16x1xf32>
    %get3A_1938 = arith.constant 2 : index
    %get3A_1939 = arith.constant 45 : index
    %get3A_1940 = arith.constant 0 : index
    %get3A_1941 = arith.constant 0 : index
    %get3A_1942 = vector.load %arg2[%get3A_1938, %get3A_1939, %get3A_1940, %get3A_1941] : memref<4x64x16x1024xf32, #tpu.memory_space<vmem>>, vector<1x1x16x1024xf32>
    %get3A_1943 = vector.shape_cast %get3A_1942 : vector<1x1x16x1024xf32> to vector<16x1024xf32>
    %sub3A_1944 = vector.broadcast %slice3A_1937 : vector<16x1xf32> to vector<16x1024xf32>
    %sub3A_1945 = arith.subf %sub3A_1944, %get3A_1943 : vector<16x1024xf32>
    %mul3A_1946 = arith.mulf %sub3A_1945, %sub3A_1945 : vector<16x1024xf32>
    %add3A_1947 = arith.addf %mul3A_1936, %mul3A_1946 : vector<16x1024xf32>
    %slice3A_1948 = vector.extract_strided_slice %get3A_1445 {offsets = [0, 43], sizes = [16, 1], strides = [1, 1]} : vector<16x64xf32> to vector<16x1xf32>
    %get3A_1949 = arith.constant 2 : index
    %get3A_1950 = arith.constant 43 : index
    %get3A_1951 = arith.constant 0 : index
    %get3A_1952 = arith.constant 0 : index
    %get3A_1953 = vector.load %arg2[%get3A_1949, %get3A_1950, %get3A_1951, %get3A_1952] : memref<4x64x16x1024xf32, #tpu.memory_space<vmem>>, vector<1x1x16x1024xf32>
    %get3A_1954 = vector.shape_cast %get3A_1953 : vector<1x1x16x1024xf32> to vector<16x1024xf32>
    %sub3A_1955 = vector.broadcast %slice3A_1948 : vector<16x1xf32> to vector<16x1024xf32>
    %sub3A_1956 = arith.subf %sub3A_1955, %get3A_1954 : vector<16x1024xf32>
    %mul3A_1957 = arith.mulf %sub3A_1956, %sub3A_1956 : vector<16x1024xf32>
    %slice3A_1958 = vector.extract_strided_slice %get3A_1445 {offsets = [0, 47], sizes = [16, 1], strides = [1, 1]} : vector<16x64xf32> to vector<16x1xf32>
    %get3A_1959 = arith.constant 2 : index
    %get3A_1960 = arith.constant 47 : index
    %get3A_1961 = arith.constant 0 : index
    %get3A_1962 = arith.constant 0 : index
    %get3A_1963 = vector.load %arg2[%get3A_1959, %get3A_1960, %get3A_1961, %get3A_1962] : memref<4x64x16x1024xf32, #tpu.memory_space<vmem>>, vector<1x1x16x1024xf32>
    %get3A_1964 = vector.shape_cast %get3A_1963 : vector<1x1x16x1024xf32> to vector<16x1024xf32>
    %sub3A_1965 = vector.broadcast %slice3A_1958 : vector<16x1xf32> to vector<16x1024xf32>
    %sub3A_1966 = arith.subf %sub3A_1965, %get3A_1964 : vector<16x1024xf32>
    %mul3A_1967 = arith.mulf %sub3A_1966, %sub3A_1966 : vector<16x1024xf32>
    %add3A_1968 = arith.addf %mul3A_1957, %mul3A_1967 : vector<16x1024xf32>
    %add3A_1969 = arith.addf %add3A_1905, %add3A_1926 : vector<16x1024xf32>
    %add3A_1970 = arith.addf %add3A_1947, %add3A_1968 : vector<16x1024xf32>
    %add3A_1971 = arith.addf %add3A_1969, %add3A_1970 : vector<16x1024xf32>
    %add3A_1972 = arith.addf %add3A_1884, %add3A_1971 : vector<16x1024xf32>
    %slice3A_1973 = vector.extract_strided_slice %get3A_1445 {offsets = [0, 48], sizes = [16, 1], strides = [1, 1]} : vector<16x64xf32> to vector<16x1xf32>
    %get3A_1974 = arith.constant 2 : index
    %get3A_1975 = arith.constant 48 : index
    %get3A_1976 = arith.constant 0 : index
    %get3A_1977 = arith.constant 0 : index
    %get3A_1978 = vector.load %arg2[%get3A_1974, %get3A_1975, %get3A_1976, %get3A_1977] : memref<4x64x16x1024xf32, #tpu.memory_space<vmem>>, vector<1x1x16x1024xf32>
    %get3A_1979 = vector.shape_cast %get3A_1978 : vector<1x1x16x1024xf32> to vector<16x1024xf32>
    %sub3A_1980 = vector.broadcast %slice3A_1973 : vector<16x1xf32> to vector<16x1024xf32>
    %sub3A_1981 = arith.subf %sub3A_1980, %get3A_1979 : vector<16x1024xf32>
    %mul3A_1982 = arith.mulf %sub3A_1981, %sub3A_1981 : vector<16x1024xf32>
    %slice3A_1983 = vector.extract_strided_slice %get3A_1445 {offsets = [0, 52], sizes = [16, 1], strides = [1, 1]} : vector<16x64xf32> to vector<16x1xf32>
    %get3A_1984 = arith.constant 2 : index
    %get3A_1985 = arith.constant 52 : index
    %get3A_1986 = arith.constant 0 : index
    %get3A_1987 = arith.constant 0 : index
    %get3A_1988 = vector.load %arg2[%get3A_1984, %get3A_1985, %get3A_1986, %get3A_1987] : memref<4x64x16x1024xf32, #tpu.memory_space<vmem>>, vector<1x1x16x1024xf32>
    %get3A_1989 = vector.shape_cast %get3A_1988 : vector<1x1x16x1024xf32> to vector<16x1024xf32>
    %sub3A_1990 = vector.broadcast %slice3A_1983 : vector<16x1xf32> to vector<16x1024xf32>
    %sub3A_1991 = arith.subf %sub3A_1990, %get3A_1989 : vector<16x1024xf32>
    %mul3A_1992 = arith.mulf %sub3A_1991, %sub3A_1991 : vector<16x1024xf32>
    %add3A_1993 = arith.addf %mul3A_1982, %mul3A_1992 : vector<16x1024xf32>
    %slice3A_1994 = vector.extract_strided_slice %get3A_1445 {offsets = [0, 50], sizes = [16, 1], strides = [1, 1]} : vector<16x64xf32> to vector<16x1xf32>
    %get3A_1995 = arith.constant 2 : index
    %get3A_1996 = arith.constant 50 : index
    %get3A_1997 = arith.constant 0 : index
    %get3A_1998 = arith.constant 0 : index
    %get3A_1999 = vector.load %arg2[%get3A_1995, %get3A_1996, %get3A_1997, %get3A_1998] : memref<4x64x16x1024xf32, #tpu.memory_space<vmem>>, vector<1x1x16x1024xf32>
    %get3A_2000 = vector.shape_cast %get3A_1999 : vector<1x1x16x1024xf32> to vector<16x1024xf32>
    %sub3A_2001 = vector.broadcast %slice3A_1994 : vector<16x1xf32> to vector<16x1024xf32>
    %sub3A_2002 = arith.subf %sub3A_2001, %get3A_2000 : vector<16x1024xf32>
    %mul3A_2003 = arith.mulf %sub3A_2002, %sub3A_2002 : vector<16x1024xf32>
    %slice3A_2004 = vector.extract_strided_slice %get3A_1445 {offsets = [0, 54], sizes = [16, 1], strides = [1, 1]} : vector<16x64xf32> to vector<16x1xf32>
    %get3A_2005 = arith.constant 2 : index
    %get3A_2006 = arith.constant 54 : index
    %get3A_2007 = arith.constant 0 : index
    %get3A_2008 = arith.constant 0 : index
    %get3A_2009 = vector.load %arg2[%get3A_2005, %get3A_2006, %get3A_2007, %get3A_2008] : memref<4x64x16x1024xf32, #tpu.memory_space<vmem>>, vector<1x1x16x1024xf32>
    %get3A_2010 = vector.shape_cast %get3A_2009 : vector<1x1x16x1024xf32> to vector<16x1024xf32>
    %sub3A_2011 = vector.broadcast %slice3A_2004 : vector<16x1xf32> to vector<16x1024xf32>
    %sub3A_2012 = arith.subf %sub3A_2011, %get3A_2010 : vector<16x1024xf32>
    %mul3A_2013 = arith.mulf %sub3A_2012, %sub3A_2012 : vector<16x1024xf32>
    %add3A_2014 = arith.addf %mul3A_2003, %mul3A_2013 : vector<16x1024xf32>
    %slice3A_2015 = vector.extract_strided_slice %get3A_1445 {offsets = [0, 49], sizes = [16, 1], strides = [1, 1]} : vector<16x64xf32> to vector<16x1xf32>
    %get3A_2016 = arith.constant 2 : index
    %get3A_2017 = arith.constant 49 : index
    %get3A_2018 = arith.constant 0 : index
    %get3A_2019 = arith.constant 0 : index
    %get3A_2020 = vector.load %arg2[%get3A_2016, %get3A_2017, %get3A_2018, %get3A_2019] : memref<4x64x16x1024xf32, #tpu.memory_space<vmem>>, vector<1x1x16x1024xf32>
    %get3A_2021 = vector.shape_cast %get3A_2020 : vector<1x1x16x1024xf32> to vector<16x1024xf32>
    %sub3A_2022 = vector.broadcast %slice3A_2015 : vector<16x1xf32> to vector<16x1024xf32>
    %sub3A_2023 = arith.subf %sub3A_2022, %get3A_2021 : vector<16x1024xf32>
    %mul3A_2024 = arith.mulf %sub3A_2023, %sub3A_2023 : vector<16x1024xf32>
    %slice3A_2025 = vector.extract_strided_slice %get3A_1445 {offsets = [0, 53], sizes = [16, 1], strides = [1, 1]} : vector<16x64xf32> to vector<16x1xf32>
    %get3A_2026 = arith.constant 2 : index
    %get3A_2027 = arith.constant 53 : index
    %get3A_2028 = arith.constant 0 : index
    %get3A_2029 = arith.constant 0 : index
    %get3A_2030 = vector.load %arg2[%get3A_2026, %get3A_2027, %get3A_2028, %get3A_2029] : memref<4x64x16x1024xf32, #tpu.memory_space<vmem>>, vector<1x1x16x1024xf32>
    %get3A_2031 = vector.shape_cast %get3A_2030 : vector<1x1x16x1024xf32> to vector<16x1024xf32>
    %sub3A_2032 = vector.broadcast %slice3A_2025 : vector<16x1xf32> to vector<16x1024xf32>
    %sub3A_2033 = arith.subf %sub3A_2032, %get3A_2031 : vector<16x1024xf32>
    %mul3A_2034 = arith.mulf %sub3A_2033, %sub3A_2033 : vector<16x1024xf32>
    %add3A_2035 = arith.addf %mul3A_2024, %mul3A_2034 : vector<16x1024xf32>
    %slice3A_2036 = vector.extract_strided_slice %get3A_1445 {offsets = [0, 51], sizes = [16, 1], strides = [1, 1]} : vector<16x64xf32> to vector<16x1xf32>
    %get3A_2037 = arith.constant 2 : index
    %get3A_2038 = arith.constant 51 : index
    %get3A_2039 = arith.constant 0 : index
    %get3A_2040 = arith.constant 0 : index
    %get3A_2041 = vector.load %arg2[%get3A_2037, %get3A_2038, %get3A_2039, %get3A_2040] : memref<4x64x16x1024xf32, #tpu.memory_space<vmem>>, vector<1x1x16x1024xf32>
    %get3A_2042 = vector.shape_cast %get3A_2041 : vector<1x1x16x1024xf32> to vector<16x1024xf32>
    %sub3A_2043 = vector.broadcast %slice3A_2036 : vector<16x1xf32> to vector<16x1024xf32>
    %sub3A_2044 = arith.subf %sub3A_2043, %get3A_2042 : vector<16x1024xf32>
    %mul3A_2045 = arith.mulf %sub3A_2044, %sub3A_2044 : vector<16x1024xf32>
    %slice3A_2046 = vector.extract_strided_slice %get3A_1445 {offsets = [0, 55], sizes = [16, 1], strides = [1, 1]} : vector<16x64xf32> to vector<16x1xf32>
    %get3A_2047 = arith.constant 2 : index
    %get3A_2048 = arith.constant 55 : index
    %get3A_2049 = arith.constant 0 : index
    %get3A_2050 = arith.constant 0 : index
    %get3A_2051 = vector.load %arg2[%get3A_2047, %get3A_2048, %get3A_2049, %get3A_2050] : memref<4x64x16x1024xf32, #tpu.memory_space<vmem>>, vector<1x1x16x1024xf32>
    %get3A_2052 = vector.shape_cast %get3A_2051 : vector<1x1x16x1024xf32> to vector<16x1024xf32>
    %sub3A_2053 = vector.broadcast %slice3A_2046 : vector<16x1xf32> to vector<16x1024xf32>
    %sub3A_2054 = arith.subf %sub3A_2053, %get3A_2052 : vector<16x1024xf32>
    %mul3A_2055 = arith.mulf %sub3A_2054, %sub3A_2054 : vector<16x1024xf32>
    %add3A_2056 = arith.addf %mul3A_2045, %mul3A_2055 : vector<16x1024xf32>
    %add3A_2057 = arith.addf %add3A_1993, %add3A_2014 : vector<16x1024xf32>
    %add3A_2058 = arith.addf %add3A_2035, %add3A_2056 : vector<16x1024xf32>
    %add3A_2059 = arith.addf %add3A_2057, %add3A_2058 : vector<16x1024xf32>
    %add3A_2060 = arith.addf %add3A_1972, %add3A_2059 : vector<16x1024xf32>
    %slice3A_2061 = vector.extract_strided_slice %get3A_1445 {offsets = [0, 56], sizes = [16, 1], strides = [1, 1]} : vector<16x64xf32> to vector<16x1xf32>
    %get3A_2062 = arith.constant 2 : index
    %get3A_2063 = arith.constant 56 : index
    %get3A_2064 = arith.constant 0 : index
    %get3A_2065 = arith.constant 0 : index
    %get3A_2066 = vector.load %arg2[%get3A_2062, %get3A_2063, %get3A_2064, %get3A_2065] : memref<4x64x16x1024xf32, #tpu.memory_space<vmem>>, vector<1x1x16x1024xf32>
    %get3A_2067 = vector.shape_cast %get3A_2066 : vector<1x1x16x1024xf32> to vector<16x1024xf32>
    %sub3A_2068 = vector.broadcast %slice3A_2061 : vector<16x1xf32> to vector<16x1024xf32>
    %sub3A_2069 = arith.subf %sub3A_2068, %get3A_2067 : vector<16x1024xf32>
    %mul3A_2070 = arith.mulf %sub3A_2069, %sub3A_2069 : vector<16x1024xf32>
    %slice3A_2071 = vector.extract_strided_slice %get3A_1445 {offsets = [0, 60], sizes = [16, 1], strides = [1, 1]} : vector<16x64xf32> to vector<16x1xf32>
    %get3A_2072 = arith.constant 2 : index
    %get3A_2073 = arith.constant 60 : index
    %get3A_2074 = arith.constant 0 : index
    %get3A_2075 = arith.constant 0 : index
    %get3A_2076 = vector.load %arg2[%get3A_2072, %get3A_2073, %get3A_2074, %get3A_2075] : memref<4x64x16x1024xf32, #tpu.memory_space<vmem>>, vector<1x1x16x1024xf32>
    %get3A_2077 = vector.shape_cast %get3A_2076 : vector<1x1x16x1024xf32> to vector<16x1024xf32>
    %sub3A_2078 = vector.broadcast %slice3A_2071 : vector<16x1xf32> to vector<16x1024xf32>
    %sub3A_2079 = arith.subf %sub3A_2078, %get3A_2077 : vector<16x1024xf32>
    %mul3A_2080 = arith.mulf %sub3A_2079, %sub3A_2079 : vector<16x1024xf32>
    %add3A_2081 = arith.addf %mul3A_2070, %mul3A_2080 : vector<16x1024xf32>
    %slice3A_2082 = vector.extract_strided_slice %get3A_1445 {offsets = [0, 58], sizes = [16, 1], strides = [1, 1]} : vector<16x64xf32> to vector<16x1xf32>
    %get3A_2083 = arith.constant 2 : index
    %get3A_2084 = arith.constant 58 : index
    %get3A_2085 = arith.constant 0 : index
    %get3A_2086 = arith.constant 0 : index
    %get3A_2087 = vector.load %arg2[%get3A_2083, %get3A_2084, %get3A_2085, %get3A_2086] : memref<4x64x16x1024xf32, #tpu.memory_space<vmem>>, vector<1x1x16x1024xf32>
    %get3A_2088 = vector.shape_cast %get3A_2087 : vector<1x1x16x1024xf32> to vector<16x1024xf32>
    %sub3A_2089 = vector.broadcast %slice3A_2082 : vector<16x1xf32> to vector<16x1024xf32>
    %sub3A_2090 = arith.subf %sub3A_2089, %get3A_2088 : vector<16x1024xf32>
    %mul3A_2091 = arith.mulf %sub3A_2090, %sub3A_2090 : vector<16x1024xf32>
    %slice3A_2092 = vector.extract_strided_slice %get3A_1445 {offsets = [0, 62], sizes = [16, 1], strides = [1, 1]} : vector<16x64xf32> to vector<16x1xf32>
    %get3A_2093 = arith.constant 2 : index
    %get3A_2094 = arith.constant 62 : index
    %get3A_2095 = arith.constant 0 : index
    %get3A_2096 = arith.constant 0 : index
    %get3A_2097 = vector.load %arg2[%get3A_2093, %get3A_2094, %get3A_2095, %get3A_2096] : memref<4x64x16x1024xf32, #tpu.memory_space<vmem>>, vector<1x1x16x1024xf32>
    %get3A_2098 = vector.shape_cast %get3A_2097 : vector<1x1x16x1024xf32> to vector<16x1024xf32>
    %sub3A_2099 = vector.broadcast %slice3A_2092 : vector<16x1xf32> to vector<16x1024xf32>
    %sub3A_2100 = arith.subf %sub3A_2099, %get3A_2098 : vector<16x1024xf32>
    %mul3A_2101 = arith.mulf %sub3A_2100, %sub3A_2100 : vector<16x1024xf32>
    %add3A_2102 = arith.addf %mul3A_2091, %mul3A_2101 : vector<16x1024xf32>
    %slice3A_2103 = vector.extract_strided_slice %get3A_1445 {offsets = [0, 57], sizes = [16, 1], strides = [1, 1]} : vector<16x64xf32> to vector<16x1xf32>
    %get3A_2104 = arith.constant 2 : index
    %get3A_2105 = arith.constant 57 : index
    %get3A_2106 = arith.constant 0 : index
    %get3A_2107 = arith.constant 0 : index
    %get3A_2108 = vector.load %arg2[%get3A_2104, %get3A_2105, %get3A_2106, %get3A_2107] : memref<4x64x16x1024xf32, #tpu.memory_space<vmem>>, vector<1x1x16x1024xf32>
    %get3A_2109 = vector.shape_cast %get3A_2108 : vector<1x1x16x1024xf32> to vector<16x1024xf32>
    %sub3A_2110 = vector.broadcast %slice3A_2103 : vector<16x1xf32> to vector<16x1024xf32>
    %sub3A_2111 = arith.subf %sub3A_2110, %get3A_2109 : vector<16x1024xf32>
    %mul3A_2112 = arith.mulf %sub3A_2111, %sub3A_2111 : vector<16x1024xf32>
    %slice3A_2113 = vector.extract_strided_slice %get3A_1445 {offsets = [0, 61], sizes = [16, 1], strides = [1, 1]} : vector<16x64xf32> to vector<16x1xf32>
    %get3A_2114 = arith.constant 2 : index
    %get3A_2115 = arith.constant 61 : index
    %get3A_2116 = arith.constant 0 : index
    %get3A_2117 = arith.constant 0 : index
    %get3A_2118 = vector.load %arg2[%get3A_2114, %get3A_2115, %get3A_2116, %get3A_2117] : memref<4x64x16x1024xf32, #tpu.memory_space<vmem>>, vector<1x1x16x1024xf32>
    %get3A_2119 = vector.shape_cast %get3A_2118 : vector<1x1x16x1024xf32> to vector<16x1024xf32>
    %sub3A_2120 = vector.broadcast %slice3A_2113 : vector<16x1xf32> to vector<16x1024xf32>
    %sub3A_2121 = arith.subf %sub3A_2120, %get3A_2119 : vector<16x1024xf32>
    %mul3A_2122 = arith.mulf %sub3A_2121, %sub3A_2121 : vector<16x1024xf32>
    %add3A_2123 = arith.addf %mul3A_2112, %mul3A_2122 : vector<16x1024xf32>
    %slice3A_2124 = vector.extract_strided_slice %get3A_1445 {offsets = [0, 59], sizes = [16, 1], strides = [1, 1]} : vector<16x64xf32> to vector<16x1xf32>
    %get3A_2125 = arith.constant 2 : index
    %get3A_2126 = arith.constant 59 : index
    %get3A_2127 = arith.constant 0 : index
    %get3A_2128 = arith.constant 0 : index
    %get3A_2129 = vector.load %arg2[%get3A_2125, %get3A_2126, %get3A_2127, %get3A_2128] : memref<4x64x16x1024xf32, #tpu.memory_space<vmem>>, vector<1x1x16x1024xf32>
    %get3A_2130 = vector.shape_cast %get3A_2129 : vector<1x1x16x1024xf32> to vector<16x1024xf32>
    %sub3A_2131 = vector.broadcast %slice3A_2124 : vector<16x1xf32> to vector<16x1024xf32>
    %sub3A_2132 = arith.subf %sub3A_2131, %get3A_2130 : vector<16x1024xf32>
    %mul3A_2133 = arith.mulf %sub3A_2132, %sub3A_2132 : vector<16x1024xf32>
    %slice3A_2134 = vector.extract_strided_slice %get3A_1445 {offsets = [0, 63], sizes = [16, 1], strides = [1, 1]} : vector<16x64xf32> to vector<16x1xf32>
    %get3A_2135 = arith.constant 2 : index
    %get3A_2136 = arith.constant 63 : index
    %get3A_2137 = arith.constant 0 : index
    %get3A_2138 = arith.constant 0 : index
    %get3A_2139 = vector.load %arg2[%get3A_2135, %get3A_2136, %get3A_2137, %get3A_2138] : memref<4x64x16x1024xf32, #tpu.memory_space<vmem>>, vector<1x1x16x1024xf32>
    %get3A_2140 = vector.shape_cast %get3A_2139 : vector<1x1x16x1024xf32> to vector<16x1024xf32>
    %sub3A_2141 = vector.broadcast %slice3A_2134 : vector<16x1xf32> to vector<16x1024xf32>
    %sub3A_2142 = arith.subf %sub3A_2141, %get3A_2140 : vector<16x1024xf32>
    %mul3A_2143 = arith.mulf %sub3A_2142, %sub3A_2142 : vector<16x1024xf32>
    %add3A_2144 = arith.addf %mul3A_2133, %mul3A_2143 : vector<16x1024xf32>
    %add3A_2145 = arith.addf %add3A_2081, %add3A_2102 : vector<16x1024xf32>
    %add3A_2146 = arith.addf %add3A_2123, %add3A_2144 : vector<16x1024xf32>
    %add3A_2147 = arith.addf %add3A_2145, %add3A_2146 : vector<16x1024xf32>
    %add3A_2148 = arith.addf %add3A_2060, %add3A_2147 : vector<16x1024xf32>
    %sqrt3A_2149 = math.sqrt %add3A_2148 : vector<16x1024xf32>
    %reduce_min3A_2150 = arith.constant dense<0x7F800000> : vector<16xf32>
    %reduce_min3A_2151 = vector.multi_reduction <minimumf>, %sqrt3A_2149, %reduce_min3A_2150 [1] : vector<16x1024xf32> to vector<16xf32>
    %broadcast_in_dim3A_2152 = vector.shape_cast %reduce_min3A_2151 : vector<16xf32> to vector<16x1xf32>
    %iota3A_2153 = tpu.iota {dimensions = array<i32: 1>} : vector<16x1024xi32>
    %eq3A_2154 = vector.broadcast %broadcast_in_dim3A_2152 : vector<16x1xf32> to vector<16x1024xf32>
    %eq3A_2155 = arith.cmpf oeq, %sqrt3A_2149, %eq3A_2154 : vector<16x1024xf32>
    %jit3A_2156 = arith.constant 1024 : i32
    %broadcast_in_dim3A_2157 = vector.broadcast %jit3A_2156 : i32 to vector<16x1024xi32>
    %select_n3A_2158 = arith.select %eq3A_2155, %iota3A_2153, %broadcast_in_dim3A_2157 : vector<16x1024xi1>, vector<16x1024xi32>
    %reduce_min3A_2159 = arith.constant dense<2147483647> : vector<16xi32>
    %reduce_min3A_2160 = vector.multi_reduction <minsi>, %select_n3A_2158, %reduce_min3A_2159 [1] : vector<16x1024xi32> to vector<16xi32>
    %broadcast_in_dim3A_2161 = vector.shape_cast %reduce_min3A_2160 : vector<16xi32> to vector<16x1xi32>
    %broadcast_in_dim3A_2162 = vector.shape_cast %reduce_min3A_2160 : vector<16xi32> to vector<16x1xi32>
    %add3A_2163 = arith.constant 2048 : i32
    %add3A_2164 = vector.broadcast %add3A_2163 : i32 to vector<16x1xi32>
    %add3A_2165 = arith.addi %broadcast_in_dim3A_2162, %add3A_2164 : vector<16x1xi32>
    %get3A_2166 = arith.constant 0 : index
    %get3A_2167 = arith.constant 0 : index
    %get3A_2168 = arith.constant 3 : index
    %get3A_2169 = arith.constant 0 : index
    %get3A_2170 = vector.load %arg1[%get3A_2166, %get3A_2167, %get3A_2168, %get3A_2169] : memref<1x16x4x64xf32, #tpu.memory_space<vmem>>, vector<1x16x1x64xf32>
    %get3A_2171 = vector.shape_cast %get3A_2170 : vector<1x16x1x64xf32> to vector<16x64xf32>
    %slice3A_2172 = vector.extract_strided_slice %get3A_2171 {offsets = [0, 0], sizes = [16, 1], strides = [1, 1]} : vector<16x64xf32> to vector<16x1xf32>
    %get3A_2173 = arith.constant 3 : index
    %get3A_2174 = arith.constant 0 : index
    %get3A_2175 = arith.constant 0 : index
    %get3A_2176 = arith.constant 0 : index
    %get3A_2177 = vector.load %arg2[%get3A_2173, %get3A_2174, %get3A_2175, %get3A_2176] : memref<4x64x16x1024xf32, #tpu.memory_space<vmem>>, vector<1x1x16x1024xf32>
    %get3A_2178 = vector.shape_cast %get3A_2177 : vector<1x1x16x1024xf32> to vector<16x1024xf32>
    %sub3A_2179 = vector.broadcast %slice3A_2172 : vector<16x1xf32> to vector<16x1024xf32>
    %sub3A_2180 = arith.subf %sub3A_2179, %get3A_2178 : vector<16x1024xf32>
    %mul3A_2181 = arith.mulf %sub3A_2180, %sub3A_2180 : vector<16x1024xf32>
    %slice3A_2182 = vector.extract_strided_slice %get3A_2171 {offsets = [0, 4], sizes = [16, 1], strides = [1, 1]} : vector<16x64xf32> to vector<16x1xf32>
    %get3A_2183 = arith.constant 3 : index
    %get3A_2184 = arith.constant 4 : index
    %get3A_2185 = arith.constant 0 : index
    %get3A_2186 = arith.constant 0 : index
    %get3A_2187 = vector.load %arg2[%get3A_2183, %get3A_2184, %get3A_2185, %get3A_2186] : memref<4x64x16x1024xf32, #tpu.memory_space<vmem>>, vector<1x1x16x1024xf32>
    %get3A_2188 = vector.shape_cast %get3A_2187 : vector<1x1x16x1024xf32> to vector<16x1024xf32>
    %sub3A_2189 = vector.broadcast %slice3A_2182 : vector<16x1xf32> to vector<16x1024xf32>
    %sub3A_2190 = arith.subf %sub3A_2189, %get3A_2188 : vector<16x1024xf32>
    %mul3A_2191 = arith.mulf %sub3A_2190, %sub3A_2190 : vector<16x1024xf32>
    %add3A_2192 = arith.addf %mul3A_2181, %mul3A_2191 : vector<16x1024xf32>
    %slice3A_2193 = vector.extract_strided_slice %get3A_2171 {offsets = [0, 2], sizes = [16, 1], strides = [1, 1]} : vector<16x64xf32> to vector<16x1xf32>
    %get3A_2194 = arith.constant 3 : index
    %get3A_2195 = arith.constant 2 : index
    %get3A_2196 = arith.constant 0 : index
    %get3A_2197 = arith.constant 0 : index
    %get3A_2198 = vector.load %arg2[%get3A_2194, %get3A_2195, %get3A_2196, %get3A_2197] : memref<4x64x16x1024xf32, #tpu.memory_space<vmem>>, vector<1x1x16x1024xf32>
    %get3A_2199 = vector.shape_cast %get3A_2198 : vector<1x1x16x1024xf32> to vector<16x1024xf32>
    %sub3A_2200 = vector.broadcast %slice3A_2193 : vector<16x1xf32> to vector<16x1024xf32>
    %sub3A_2201 = arith.subf %sub3A_2200, %get3A_2199 : vector<16x1024xf32>
    %mul3A_2202 = arith.mulf %sub3A_2201, %sub3A_2201 : vector<16x1024xf32>
    %slice3A_2203 = vector.extract_strided_slice %get3A_2171 {offsets = [0, 6], sizes = [16, 1], strides = [1, 1]} : vector<16x64xf32> to vector<16x1xf32>
    %get3A_2204 = arith.constant 3 : index
    %get3A_2205 = arith.constant 6 : index
    %get3A_2206 = arith.constant 0 : index
    %get3A_2207 = arith.constant 0 : index
    %get3A_2208 = vector.load %arg2[%get3A_2204, %get3A_2205, %get3A_2206, %get3A_2207] : memref<4x64x16x1024xf32, #tpu.memory_space<vmem>>, vector<1x1x16x1024xf32>
    %get3A_2209 = vector.shape_cast %get3A_2208 : vector<1x1x16x1024xf32> to vector<16x1024xf32>
    %sub3A_2210 = vector.broadcast %slice3A_2203 : vector<16x1xf32> to vector<16x1024xf32>
    %sub3A_2211 = arith.subf %sub3A_2210, %get3A_2209 : vector<16x1024xf32>
    %mul3A_2212 = arith.mulf %sub3A_2211, %sub3A_2211 : vector<16x1024xf32>
    %add3A_2213 = arith.addf %mul3A_2202, %mul3A_2212 : vector<16x1024xf32>
    %slice3A_2214 = vector.extract_strided_slice %get3A_2171 {offsets = [0, 1], sizes = [16, 1], strides = [1, 1]} : vector<16x64xf32> to vector<16x1xf32>
    %get3A_2215 = arith.constant 3 : index
    %get3A_2216 = arith.constant 1 : index
    %get3A_2217 = arith.constant 0 : index
    %get3A_2218 = arith.constant 0 : index
    %get3A_2219 = vector.load %arg2[%get3A_2215, %get3A_2216, %get3A_2217, %get3A_2218] : memref<4x64x16x1024xf32, #tpu.memory_space<vmem>>, vector<1x1x16x1024xf32>
    %get3A_2220 = vector.shape_cast %get3A_2219 : vector<1x1x16x1024xf32> to vector<16x1024xf32>
    %sub3A_2221 = vector.broadcast %slice3A_2214 : vector<16x1xf32> to vector<16x1024xf32>
    %sub3A_2222 = arith.subf %sub3A_2221, %get3A_2220 : vector<16x1024xf32>
    %mul3A_2223 = arith.mulf %sub3A_2222, %sub3A_2222 : vector<16x1024xf32>
    %slice3A_2224 = vector.extract_strided_slice %get3A_2171 {offsets = [0, 5], sizes = [16, 1], strides = [1, 1]} : vector<16x64xf32> to vector<16x1xf32>
    %get3A_2225 = arith.constant 3 : index
    %get3A_2226 = arith.constant 5 : index
    %get3A_2227 = arith.constant 0 : index
    %get3A_2228 = arith.constant 0 : index
    %get3A_2229 = vector.load %arg2[%get3A_2225, %get3A_2226, %get3A_2227, %get3A_2228] : memref<4x64x16x1024xf32, #tpu.memory_space<vmem>>, vector<1x1x16x1024xf32>
    %get3A_2230 = vector.shape_cast %get3A_2229 : vector<1x1x16x1024xf32> to vector<16x1024xf32>
    %sub3A_2231 = vector.broadcast %slice3A_2224 : vector<16x1xf32> to vector<16x1024xf32>
    %sub3A_2232 = arith.subf %sub3A_2231, %get3A_2230 : vector<16x1024xf32>
    %mul3A_2233 = arith.mulf %sub3A_2232, %sub3A_2232 : vector<16x1024xf32>
    %add3A_2234 = arith.addf %mul3A_2223, %mul3A_2233 : vector<16x1024xf32>
    %slice3A_2235 = vector.extract_strided_slice %get3A_2171 {offsets = [0, 3], sizes = [16, 1], strides = [1, 1]} : vector<16x64xf32> to vector<16x1xf32>
    %get3A_2236 = arith.constant 3 : index
    %get3A_2237 = arith.constant 3 : index
    %get3A_2238 = arith.constant 0 : index
    %get3A_2239 = arith.constant 0 : index
    %get3A_2240 = vector.load %arg2[%get3A_2236, %get3A_2237, %get3A_2238, %get3A_2239] : memref<4x64x16x1024xf32, #tpu.memory_space<vmem>>, vector<1x1x16x1024xf32>
    %get3A_2241 = vector.shape_cast %get3A_2240 : vector<1x1x16x1024xf32> to vector<16x1024xf32>
    %sub3A_2242 = vector.broadcast %slice3A_2235 : vector<16x1xf32> to vector<16x1024xf32>
    %sub3A_2243 = arith.subf %sub3A_2242, %get3A_2241 : vector<16x1024xf32>
    %mul3A_2244 = arith.mulf %sub3A_2243, %sub3A_2243 : vector<16x1024xf32>
    %slice3A_2245 = vector.extract_strided_slice %get3A_2171 {offsets = [0, 7], sizes = [16, 1], strides = [1, 1]} : vector<16x64xf32> to vector<16x1xf32>
    %get3A_2246 = arith.constant 3 : index
    %get3A_2247 = arith.constant 7 : index
    %get3A_2248 = arith.constant 0 : index
    %get3A_2249 = arith.constant 0 : index
    %get3A_2250 = vector.load %arg2[%get3A_2246, %get3A_2247, %get3A_2248, %get3A_2249] : memref<4x64x16x1024xf32, #tpu.memory_space<vmem>>, vector<1x1x16x1024xf32>
    %get3A_2251 = vector.shape_cast %get3A_2250 : vector<1x1x16x1024xf32> to vector<16x1024xf32>
    %sub3A_2252 = vector.broadcast %slice3A_2245 : vector<16x1xf32> to vector<16x1024xf32>
    %sub3A_2253 = arith.subf %sub3A_2252, %get3A_2251 : vector<16x1024xf32>
    %mul3A_2254 = arith.mulf %sub3A_2253, %sub3A_2253 : vector<16x1024xf32>
    %add3A_2255 = arith.addf %mul3A_2244, %mul3A_2254 : vector<16x1024xf32>
    %add3A_2256 = arith.addf %add3A_2192, %add3A_2213 : vector<16x1024xf32>
    %add3A_2257 = arith.addf %add3A_2234, %add3A_2255 : vector<16x1024xf32>
    %add3A_2258 = arith.addf %add3A_2256, %add3A_2257 : vector<16x1024xf32>
    %slice3A_2259 = vector.extract_strided_slice %get3A_2171 {offsets = [0, 8], sizes = [16, 1], strides = [1, 1]} : vector<16x64xf32> to vector<16x1xf32>
    %get3A_2260 = arith.constant 3 : index
    %get3A_2261 = arith.constant 8 : index
    %get3A_2262 = arith.constant 0 : index
    %get3A_2263 = arith.constant 0 : index
    %get3A_2264 = vector.load %arg2[%get3A_2260, %get3A_2261, %get3A_2262, %get3A_2263] : memref<4x64x16x1024xf32, #tpu.memory_space<vmem>>, vector<1x1x16x1024xf32>
    %get3A_2265 = vector.shape_cast %get3A_2264 : vector<1x1x16x1024xf32> to vector<16x1024xf32>
    %sub3A_2266 = vector.broadcast %slice3A_2259 : vector<16x1xf32> to vector<16x1024xf32>
    %sub3A_2267 = arith.subf %sub3A_2266, %get3A_2265 : vector<16x1024xf32>
    %mul3A_2268 = arith.mulf %sub3A_2267, %sub3A_2267 : vector<16x1024xf32>
    %slice3A_2269 = vector.extract_strided_slice %get3A_2171 {offsets = [0, 12], sizes = [16, 1], strides = [1, 1]} : vector<16x64xf32> to vector<16x1xf32>
    %get3A_2270 = arith.constant 3 : index
    %get3A_2271 = arith.constant 12 : index
    %get3A_2272 = arith.constant 0 : index
    %get3A_2273 = arith.constant 0 : index
    %get3A_2274 = vector.load %arg2[%get3A_2270, %get3A_2271, %get3A_2272, %get3A_2273] : memref<4x64x16x1024xf32, #tpu.memory_space<vmem>>, vector<1x1x16x1024xf32>
    %get3A_2275 = vector.shape_cast %get3A_2274 : vector<1x1x16x1024xf32> to vector<16x1024xf32>
    %sub3A_2276 = vector.broadcast %slice3A_2269 : vector<16x1xf32> to vector<16x1024xf32>
    %sub3A_2277 = arith.subf %sub3A_2276, %get3A_2275 : vector<16x1024xf32>
    %mul3A_2278 = arith.mulf %sub3A_2277, %sub3A_2277 : vector<16x1024xf32>
    %add3A_2279 = arith.addf %mul3A_2268, %mul3A_2278 : vector<16x1024xf32>
    %slice3A_2280 = vector.extract_strided_slice %get3A_2171 {offsets = [0, 10], sizes = [16, 1], strides = [1, 1]} : vector<16x64xf32> to vector<16x1xf32>
    %get3A_2281 = arith.constant 3 : index
    %get3A_2282 = arith.constant 10 : index
    %get3A_2283 = arith.constant 0 : index
    %get3A_2284 = arith.constant 0 : index
    %get3A_2285 = vector.load %arg2[%get3A_2281, %get3A_2282, %get3A_2283, %get3A_2284] : memref<4x64x16x1024xf32, #tpu.memory_space<vmem>>, vector<1x1x16x1024xf32>
    %get3A_2286 = vector.shape_cast %get3A_2285 : vector<1x1x16x1024xf32> to vector<16x1024xf32>
    %sub3A_2287 = vector.broadcast %slice3A_2280 : vector<16x1xf32> to vector<16x1024xf32>
    %sub3A_2288 = arith.subf %sub3A_2287, %get3A_2286 : vector<16x1024xf32>
    %mul3A_2289 = arith.mulf %sub3A_2288, %sub3A_2288 : vector<16x1024xf32>
    %slice3A_2290 = vector.extract_strided_slice %get3A_2171 {offsets = [0, 14], sizes = [16, 1], strides = [1, 1]} : vector<16x64xf32> to vector<16x1xf32>
    %get3A_2291 = arith.constant 3 : index
    %get3A_2292 = arith.constant 14 : index
    %get3A_2293 = arith.constant 0 : index
    %get3A_2294 = arith.constant 0 : index
    %get3A_2295 = vector.load %arg2[%get3A_2291, %get3A_2292, %get3A_2293, %get3A_2294] : memref<4x64x16x1024xf32, #tpu.memory_space<vmem>>, vector<1x1x16x1024xf32>
    %get3A_2296 = vector.shape_cast %get3A_2295 : vector<1x1x16x1024xf32> to vector<16x1024xf32>
    %sub3A_2297 = vector.broadcast %slice3A_2290 : vector<16x1xf32> to vector<16x1024xf32>
    %sub3A_2298 = arith.subf %sub3A_2297, %get3A_2296 : vector<16x1024xf32>
    %mul3A_2299 = arith.mulf %sub3A_2298, %sub3A_2298 : vector<16x1024xf32>
    %add3A_2300 = arith.addf %mul3A_2289, %mul3A_2299 : vector<16x1024xf32>
    %slice3A_2301 = vector.extract_strided_slice %get3A_2171 {offsets = [0, 9], sizes = [16, 1], strides = [1, 1]} : vector<16x64xf32> to vector<16x1xf32>
    %get3A_2302 = arith.constant 3 : index
    %get3A_2303 = arith.constant 9 : index
    %get3A_2304 = arith.constant 0 : index
    %get3A_2305 = arith.constant 0 : index
    %get3A_2306 = vector.load %arg2[%get3A_2302, %get3A_2303, %get3A_2304, %get3A_2305] : memref<4x64x16x1024xf32, #tpu.memory_space<vmem>>, vector<1x1x16x1024xf32>
    %get3A_2307 = vector.shape_cast %get3A_2306 : vector<1x1x16x1024xf32> to vector<16x1024xf32>
    %sub3A_2308 = vector.broadcast %slice3A_2301 : vector<16x1xf32> to vector<16x1024xf32>
    %sub3A_2309 = arith.subf %sub3A_2308, %get3A_2307 : vector<16x1024xf32>
    %mul3A_2310 = arith.mulf %sub3A_2309, %sub3A_2309 : vector<16x1024xf32>
    %slice3A_2311 = vector.extract_strided_slice %get3A_2171 {offsets = [0, 13], sizes = [16, 1], strides = [1, 1]} : vector<16x64xf32> to vector<16x1xf32>
    %get3A_2312 = arith.constant 3 : index
    %get3A_2313 = arith.constant 13 : index
    %get3A_2314 = arith.constant 0 : index
    %get3A_2315 = arith.constant 0 : index
    %get3A_2316 = vector.load %arg2[%get3A_2312, %get3A_2313, %get3A_2314, %get3A_2315] : memref<4x64x16x1024xf32, #tpu.memory_space<vmem>>, vector<1x1x16x1024xf32>
    %get3A_2317 = vector.shape_cast %get3A_2316 : vector<1x1x16x1024xf32> to vector<16x1024xf32>
    %sub3A_2318 = vector.broadcast %slice3A_2311 : vector<16x1xf32> to vector<16x1024xf32>
    %sub3A_2319 = arith.subf %sub3A_2318, %get3A_2317 : vector<16x1024xf32>
    %mul3A_2320 = arith.mulf %sub3A_2319, %sub3A_2319 : vector<16x1024xf32>
    %add3A_2321 = arith.addf %mul3A_2310, %mul3A_2320 : vector<16x1024xf32>
    %slice3A_2322 = vector.extract_strided_slice %get3A_2171 {offsets = [0, 11], sizes = [16, 1], strides = [1, 1]} : vector<16x64xf32> to vector<16x1xf32>
    %get3A_2323 = arith.constant 3 : index
    %get3A_2324 = arith.constant 11 : index
    %get3A_2325 = arith.constant 0 : index
    %get3A_2326 = arith.constant 0 : index
    %get3A_2327 = vector.load %arg2[%get3A_2323, %get3A_2324, %get3A_2325, %get3A_2326] : memref<4x64x16x1024xf32, #tpu.memory_space<vmem>>, vector<1x1x16x1024xf32>
    %get3A_2328 = vector.shape_cast %get3A_2327 : vector<1x1x16x1024xf32> to vector<16x1024xf32>
    %sub3A_2329 = vector.broadcast %slice3A_2322 : vector<16x1xf32> to vector<16x1024xf32>
    %sub3A_2330 = arith.subf %sub3A_2329, %get3A_2328 : vector<16x1024xf32>
    %mul3A_2331 = arith.mulf %sub3A_2330, %sub3A_2330 : vector<16x1024xf32>
    %slice3A_2332 = vector.extract_strided_slice %get3A_2171 {offsets = [0, 15], sizes = [16, 1], strides = [1, 1]} : vector<16x64xf32> to vector<16x1xf32>
    %get3A_2333 = arith.constant 3 : index
    %get3A_2334 = arith.constant 15 : index
    %get3A_2335 = arith.constant 0 : index
    %get3A_2336 = arith.constant 0 : index
    %get3A_2337 = vector.load %arg2[%get3A_2333, %get3A_2334, %get3A_2335, %get3A_2336] : memref<4x64x16x1024xf32, #tpu.memory_space<vmem>>, vector<1x1x16x1024xf32>
    %get3A_2338 = vector.shape_cast %get3A_2337 : vector<1x1x16x1024xf32> to vector<16x1024xf32>
    %sub3A_2339 = vector.broadcast %slice3A_2332 : vector<16x1xf32> to vector<16x1024xf32>
    %sub3A_2340 = arith.subf %sub3A_2339, %get3A_2338 : vector<16x1024xf32>
    %mul3A_2341 = arith.mulf %sub3A_2340, %sub3A_2340 : vector<16x1024xf32>
    %add3A_2342 = arith.addf %mul3A_2331, %mul3A_2341 : vector<16x1024xf32>
    %add3A_2343 = arith.addf %add3A_2279, %add3A_2300 : vector<16x1024xf32>
    %add3A_2344 = arith.addf %add3A_2321, %add3A_2342 : vector<16x1024xf32>
    %add3A_2345 = arith.addf %add3A_2343, %add3A_2344 : vector<16x1024xf32>
    %add3A_2346 = arith.addf %add3A_2258, %add3A_2345 : vector<16x1024xf32>
    %slice3A_2347 = vector.extract_strided_slice %get3A_2171 {offsets = [0, 16], sizes = [16, 1], strides = [1, 1]} : vector<16x64xf32> to vector<16x1xf32>
    %get3A_2348 = arith.constant 3 : index
    %get3A_2349 = arith.constant 16 : index
    %get3A_2350 = arith.constant 0 : index
    %get3A_2351 = arith.constant 0 : index
    %get3A_2352 = vector.load %arg2[%get3A_2348, %get3A_2349, %get3A_2350, %get3A_2351] : memref<4x64x16x1024xf32, #tpu.memory_space<vmem>>, vector<1x1x16x1024xf32>
    %get3A_2353 = vector.shape_cast %get3A_2352 : vector<1x1x16x1024xf32> to vector<16x1024xf32>
    %sub3A_2354 = vector.broadcast %slice3A_2347 : vector<16x1xf32> to vector<16x1024xf32>
    %sub3A_2355 = arith.subf %sub3A_2354, %get3A_2353 : vector<16x1024xf32>
    %mul3A_2356 = arith.mulf %sub3A_2355, %sub3A_2355 : vector<16x1024xf32>
    %slice3A_2357 = vector.extract_strided_slice %get3A_2171 {offsets = [0, 20], sizes = [16, 1], strides = [1, 1]} : vector<16x64xf32> to vector<16x1xf32>
    %get3A_2358 = arith.constant 3 : index
    %get3A_2359 = arith.constant 20 : index
    %get3A_2360 = arith.constant 0 : index
    %get3A_2361 = arith.constant 0 : index
    %get3A_2362 = vector.load %arg2[%get3A_2358, %get3A_2359, %get3A_2360, %get3A_2361] : memref<4x64x16x1024xf32, #tpu.memory_space<vmem>>, vector<1x1x16x1024xf32>
    %get3A_2363 = vector.shape_cast %get3A_2362 : vector<1x1x16x1024xf32> to vector<16x1024xf32>
    %sub3A_2364 = vector.broadcast %slice3A_2357 : vector<16x1xf32> to vector<16x1024xf32>
    %sub3A_2365 = arith.subf %sub3A_2364, %get3A_2363 : vector<16x1024xf32>
    %mul3A_2366 = arith.mulf %sub3A_2365, %sub3A_2365 : vector<16x1024xf32>
    %add3A_2367 = arith.addf %mul3A_2356, %mul3A_2366 : vector<16x1024xf32>
    %slice3A_2368 = vector.extract_strided_slice %get3A_2171 {offsets = [0, 18], sizes = [16, 1], strides = [1, 1]} : vector<16x64xf32> to vector<16x1xf32>
    %get3A_2369 = arith.constant 3 : index
    %get3A_2370 = arith.constant 18 : index
    %get3A_2371 = arith.constant 0 : index
    %get3A_2372 = arith.constant 0 : index
    %get3A_2373 = vector.load %arg2[%get3A_2369, %get3A_2370, %get3A_2371, %get3A_2372] : memref<4x64x16x1024xf32, #tpu.memory_space<vmem>>, vector<1x1x16x1024xf32>
    %get3A_2374 = vector.shape_cast %get3A_2373 : vector<1x1x16x1024xf32> to vector<16x1024xf32>
    %sub3A_2375 = vector.broadcast %slice3A_2368 : vector<16x1xf32> to vector<16x1024xf32>
    %sub3A_2376 = arith.subf %sub3A_2375, %get3A_2374 : vector<16x1024xf32>
    %mul3A_2377 = arith.mulf %sub3A_2376, %sub3A_2376 : vector<16x1024xf32>
    %slice3A_2378 = vector.extract_strided_slice %get3A_2171 {offsets = [0, 22], sizes = [16, 1], strides = [1, 1]} : vector<16x64xf32> to vector<16x1xf32>
    %get3A_2379 = arith.constant 3 : index
    %get3A_2380 = arith.constant 22 : index
    %get3A_2381 = arith.constant 0 : index
    %get3A_2382 = arith.constant 0 : index
    %get3A_2383 = vector.load %arg2[%get3A_2379, %get3A_2380, %get3A_2381, %get3A_2382] : memref<4x64x16x1024xf32, #tpu.memory_space<vmem>>, vector<1x1x16x1024xf32>
    %get3A_2384 = vector.shape_cast %get3A_2383 : vector<1x1x16x1024xf32> to vector<16x1024xf32>
    %sub3A_2385 = vector.broadcast %slice3A_2378 : vector<16x1xf32> to vector<16x1024xf32>
    %sub3A_2386 = arith.subf %sub3A_2385, %get3A_2384 : vector<16x1024xf32>
    %mul3A_2387 = arith.mulf %sub3A_2386, %sub3A_2386 : vector<16x1024xf32>
    %add3A_2388 = arith.addf %mul3A_2377, %mul3A_2387 : vector<16x1024xf32>
    %slice3A_2389 = vector.extract_strided_slice %get3A_2171 {offsets = [0, 17], sizes = [16, 1], strides = [1, 1]} : vector<16x64xf32> to vector<16x1xf32>
    %get3A_2390 = arith.constant 3 : index
    %get3A_2391 = arith.constant 17 : index
    %get3A_2392 = arith.constant 0 : index
    %get3A_2393 = arith.constant 0 : index
    %get3A_2394 = vector.load %arg2[%get3A_2390, %get3A_2391, %get3A_2392, %get3A_2393] : memref<4x64x16x1024xf32, #tpu.memory_space<vmem>>, vector<1x1x16x1024xf32>
    %get3A_2395 = vector.shape_cast %get3A_2394 : vector<1x1x16x1024xf32> to vector<16x1024xf32>
    %sub3A_2396 = vector.broadcast %slice3A_2389 : vector<16x1xf32> to vector<16x1024xf32>
    %sub3A_2397 = arith.subf %sub3A_2396, %get3A_2395 : vector<16x1024xf32>
    %mul3A_2398 = arith.mulf %sub3A_2397, %sub3A_2397 : vector<16x1024xf32>
    %slice3A_2399 = vector.extract_strided_slice %get3A_2171 {offsets = [0, 21], sizes = [16, 1], strides = [1, 1]} : vector<16x64xf32> to vector<16x1xf32>
    %get3A_2400 = arith.constant 3 : index
    %get3A_2401 = arith.constant 21 : index
    %get3A_2402 = arith.constant 0 : index
    %get3A_2403 = arith.constant 0 : index
    %get3A_2404 = vector.load %arg2[%get3A_2400, %get3A_2401, %get3A_2402, %get3A_2403] : memref<4x64x16x1024xf32, #tpu.memory_space<vmem>>, vector<1x1x16x1024xf32>
    %get3A_2405 = vector.shape_cast %get3A_2404 : vector<1x1x16x1024xf32> to vector<16x1024xf32>
    %sub3A_2406 = vector.broadcast %slice3A_2399 : vector<16x1xf32> to vector<16x1024xf32>
    %sub3A_2407 = arith.subf %sub3A_2406, %get3A_2405 : vector<16x1024xf32>
    %mul3A_2408 = arith.mulf %sub3A_2407, %sub3A_2407 : vector<16x1024xf32>
    %add3A_2409 = arith.addf %mul3A_2398, %mul3A_2408 : vector<16x1024xf32>
    %slice3A_2410 = vector.extract_strided_slice %get3A_2171 {offsets = [0, 19], sizes = [16, 1], strides = [1, 1]} : vector<16x64xf32> to vector<16x1xf32>
    %get3A_2411 = arith.constant 3 : index
    %get3A_2412 = arith.constant 19 : index
    %get3A_2413 = arith.constant 0 : index
    %get3A_2414 = arith.constant 0 : index
    %get3A_2415 = vector.load %arg2[%get3A_2411, %get3A_2412, %get3A_2413, %get3A_2414] : memref<4x64x16x1024xf32, #tpu.memory_space<vmem>>, vector<1x1x16x1024xf32>
    %get3A_2416 = vector.shape_cast %get3A_2415 : vector<1x1x16x1024xf32> to vector<16x1024xf32>
    %sub3A_2417 = vector.broadcast %slice3A_2410 : vector<16x1xf32> to vector<16x1024xf32>
    %sub3A_2418 = arith.subf %sub3A_2417, %get3A_2416 : vector<16x1024xf32>
    %mul3A_2419 = arith.mulf %sub3A_2418, %sub3A_2418 : vector<16x1024xf32>
    %slice3A_2420 = vector.extract_strided_slice %get3A_2171 {offsets = [0, 23], sizes = [16, 1], strides = [1, 1]} : vector<16x64xf32> to vector<16x1xf32>
    %get3A_2421 = arith.constant 3 : index
    %get3A_2422 = arith.constant 23 : index
    %get3A_2423 = arith.constant 0 : index
    %get3A_2424 = arith.constant 0 : index
    %get3A_2425 = vector.load %arg2[%get3A_2421, %get3A_2422, %get3A_2423, %get3A_2424] : memref<4x64x16x1024xf32, #tpu.memory_space<vmem>>, vector<1x1x16x1024xf32>
    %get3A_2426 = vector.shape_cast %get3A_2425 : vector<1x1x16x1024xf32> to vector<16x1024xf32>
    %sub3A_2427 = vector.broadcast %slice3A_2420 : vector<16x1xf32> to vector<16x1024xf32>
    %sub3A_2428 = arith.subf %sub3A_2427, %get3A_2426 : vector<16x1024xf32>
    %mul3A_2429 = arith.mulf %sub3A_2428, %sub3A_2428 : vector<16x1024xf32>
    %add3A_2430 = arith.addf %mul3A_2419, %mul3A_2429 : vector<16x1024xf32>
    %add3A_2431 = arith.addf %add3A_2367, %add3A_2388 : vector<16x1024xf32>
    %add3A_2432 = arith.addf %add3A_2409, %add3A_2430 : vector<16x1024xf32>
    %add3A_2433 = arith.addf %add3A_2431, %add3A_2432 : vector<16x1024xf32>
    %add3A_2434 = arith.addf %add3A_2346, %add3A_2433 : vector<16x1024xf32>
    %slice3A_2435 = vector.extract_strided_slice %get3A_2171 {offsets = [0, 24], sizes = [16, 1], strides = [1, 1]} : vector<16x64xf32> to vector<16x1xf32>
    %get3A_2436 = arith.constant 3 : index
    %get3A_2437 = arith.constant 24 : index
    %get3A_2438 = arith.constant 0 : index
    %get3A_2439 = arith.constant 0 : index
    %get3A_2440 = vector.load %arg2[%get3A_2436, %get3A_2437, %get3A_2438, %get3A_2439] : memref<4x64x16x1024xf32, #tpu.memory_space<vmem>>, vector<1x1x16x1024xf32>
    %get3A_2441 = vector.shape_cast %get3A_2440 : vector<1x1x16x1024xf32> to vector<16x1024xf32>
    %sub3A_2442 = vector.broadcast %slice3A_2435 : vector<16x1xf32> to vector<16x1024xf32>
    %sub3A_2443 = arith.subf %sub3A_2442, %get3A_2441 : vector<16x1024xf32>
    %mul3A_2444 = arith.mulf %sub3A_2443, %sub3A_2443 : vector<16x1024xf32>
    %slice3A_2445 = vector.extract_strided_slice %get3A_2171 {offsets = [0, 28], sizes = [16, 1], strides = [1, 1]} : vector<16x64xf32> to vector<16x1xf32>
    %get3A_2446 = arith.constant 3 : index
    %get3A_2447 = arith.constant 28 : index
    %get3A_2448 = arith.constant 0 : index
    %get3A_2449 = arith.constant 0 : index
    %get3A_2450 = vector.load %arg2[%get3A_2446, %get3A_2447, %get3A_2448, %get3A_2449] : memref<4x64x16x1024xf32, #tpu.memory_space<vmem>>, vector<1x1x16x1024xf32>
    %get3A_2451 = vector.shape_cast %get3A_2450 : vector<1x1x16x1024xf32> to vector<16x1024xf32>
    %sub3A_2452 = vector.broadcast %slice3A_2445 : vector<16x1xf32> to vector<16x1024xf32>
    %sub3A_2453 = arith.subf %sub3A_2452, %get3A_2451 : vector<16x1024xf32>
    %mul3A_2454 = arith.mulf %sub3A_2453, %sub3A_2453 : vector<16x1024xf32>
    %add3A_2455 = arith.addf %mul3A_2444, %mul3A_2454 : vector<16x1024xf32>
    %slice3A_2456 = vector.extract_strided_slice %get3A_2171 {offsets = [0, 26], sizes = [16, 1], strides = [1, 1]} : vector<16x64xf32> to vector<16x1xf32>
    %get3A_2457 = arith.constant 3 : index
    %get3A_2458 = arith.constant 26 : index
    %get3A_2459 = arith.constant 0 : index
    %get3A_2460 = arith.constant 0 : index
    %get3A_2461 = vector.load %arg2[%get3A_2457, %get3A_2458, %get3A_2459, %get3A_2460] : memref<4x64x16x1024xf32, #tpu.memory_space<vmem>>, vector<1x1x16x1024xf32>
    %get3A_2462 = vector.shape_cast %get3A_2461 : vector<1x1x16x1024xf32> to vector<16x1024xf32>
    %sub3A_2463 = vector.broadcast %slice3A_2456 : vector<16x1xf32> to vector<16x1024xf32>
    %sub3A_2464 = arith.subf %sub3A_2463, %get3A_2462 : vector<16x1024xf32>
    %mul3A_2465 = arith.mulf %sub3A_2464, %sub3A_2464 : vector<16x1024xf32>
    %slice3A_2466 = vector.extract_strided_slice %get3A_2171 {offsets = [0, 30], sizes = [16, 1], strides = [1, 1]} : vector<16x64xf32> to vector<16x1xf32>
    %get3A_2467 = arith.constant 3 : index
    %get3A_2468 = arith.constant 30 : index
    %get3A_2469 = arith.constant 0 : index
    %get3A_2470 = arith.constant 0 : index
    %get3A_2471 = vector.load %arg2[%get3A_2467, %get3A_2468, %get3A_2469, %get3A_2470] : memref<4x64x16x1024xf32, #tpu.memory_space<vmem>>, vector<1x1x16x1024xf32>
    %get3A_2472 = vector.shape_cast %get3A_2471 : vector<1x1x16x1024xf32> to vector<16x1024xf32>
    %sub3A_2473 = vector.broadcast %slice3A_2466 : vector<16x1xf32> to vector<16x1024xf32>
    %sub3A_2474 = arith.subf %sub3A_2473, %get3A_2472 : vector<16x1024xf32>
    %mul3A_2475 = arith.mulf %sub3A_2474, %sub3A_2474 : vector<16x1024xf32>
    %add3A_2476 = arith.addf %mul3A_2465, %mul3A_2475 : vector<16x1024xf32>
    %slice3A_2477 = vector.extract_strided_slice %get3A_2171 {offsets = [0, 25], sizes = [16, 1], strides = [1, 1]} : vector<16x64xf32> to vector<16x1xf32>
    %get3A_2478 = arith.constant 3 : index
    %get3A_2479 = arith.constant 25 : index
    %get3A_2480 = arith.constant 0 : index
    %get3A_2481 = arith.constant 0 : index
    %get3A_2482 = vector.load %arg2[%get3A_2478, %get3A_2479, %get3A_2480, %get3A_2481] : memref<4x64x16x1024xf32, #tpu.memory_space<vmem>>, vector<1x1x16x1024xf32>
    %get3A_2483 = vector.shape_cast %get3A_2482 : vector<1x1x16x1024xf32> to vector<16x1024xf32>
    %sub3A_2484 = vector.broadcast %slice3A_2477 : vector<16x1xf32> to vector<16x1024xf32>
    %sub3A_2485 = arith.subf %sub3A_2484, %get3A_2483 : vector<16x1024xf32>
    %mul3A_2486 = arith.mulf %sub3A_2485, %sub3A_2485 : vector<16x1024xf32>
    %slice3A_2487 = vector.extract_strided_slice %get3A_2171 {offsets = [0, 29], sizes = [16, 1], strides = [1, 1]} : vector<16x64xf32> to vector<16x1xf32>
    %get3A_2488 = arith.constant 3 : index
    %get3A_2489 = arith.constant 29 : index
    %get3A_2490 = arith.constant 0 : index
    %get3A_2491 = arith.constant 0 : index
    %get3A_2492 = vector.load %arg2[%get3A_2488, %get3A_2489, %get3A_2490, %get3A_2491] : memref<4x64x16x1024xf32, #tpu.memory_space<vmem>>, vector<1x1x16x1024xf32>
    %get3A_2493 = vector.shape_cast %get3A_2492 : vector<1x1x16x1024xf32> to vector<16x1024xf32>
    %sub3A_2494 = vector.broadcast %slice3A_2487 : vector<16x1xf32> to vector<16x1024xf32>
    %sub3A_2495 = arith.subf %sub3A_2494, %get3A_2493 : vector<16x1024xf32>
    %mul3A_2496 = arith.mulf %sub3A_2495, %sub3A_2495 : vector<16x1024xf32>
    %add3A_2497 = arith.addf %mul3A_2486, %mul3A_2496 : vector<16x1024xf32>
    %slice3A_2498 = vector.extract_strided_slice %get3A_2171 {offsets = [0, 27], sizes = [16, 1], strides = [1, 1]} : vector<16x64xf32> to vector<16x1xf32>
    %get3A_2499 = arith.constant 3 : index
    %get3A_2500 = arith.constant 27 : index
    %get3A_2501 = arith.constant 0 : index
    %get3A_2502 = arith.constant 0 : index
    %get3A_2503 = vector.load %arg2[%get3A_2499, %get3A_2500, %get3A_2501, %get3A_2502] : memref<4x64x16x1024xf32, #tpu.memory_space<vmem>>, vector<1x1x16x1024xf32>
    %get3A_2504 = vector.shape_cast %get3A_2503 : vector<1x1x16x1024xf32> to vector<16x1024xf32>
    %sub3A_2505 = vector.broadcast %slice3A_2498 : vector<16x1xf32> to vector<16x1024xf32>
    %sub3A_2506 = arith.subf %sub3A_2505, %get3A_2504 : vector<16x1024xf32>
    %mul3A_2507 = arith.mulf %sub3A_2506, %sub3A_2506 : vector<16x1024xf32>
    %slice3A_2508 = vector.extract_strided_slice %get3A_2171 {offsets = [0, 31], sizes = [16, 1], strides = [1, 1]} : vector<16x64xf32> to vector<16x1xf32>
    %get3A_2509 = arith.constant 3 : index
    %get3A_2510 = arith.constant 31 : index
    %get3A_2511 = arith.constant 0 : index
    %get3A_2512 = arith.constant 0 : index
    %get3A_2513 = vector.load %arg2[%get3A_2509, %get3A_2510, %get3A_2511, %get3A_2512] : memref<4x64x16x1024xf32, #tpu.memory_space<vmem>>, vector<1x1x16x1024xf32>
    %get3A_2514 = vector.shape_cast %get3A_2513 : vector<1x1x16x1024xf32> to vector<16x1024xf32>
    %sub3A_2515 = vector.broadcast %slice3A_2508 : vector<16x1xf32> to vector<16x1024xf32>
    %sub3A_2516 = arith.subf %sub3A_2515, %get3A_2514 : vector<16x1024xf32>
    %mul3A_2517 = arith.mulf %sub3A_2516, %sub3A_2516 : vector<16x1024xf32>
    %add3A_2518 = arith.addf %mul3A_2507, %mul3A_2517 : vector<16x1024xf32>
    %add3A_2519 = arith.addf %add3A_2455, %add3A_2476 : vector<16x1024xf32>
    %add3A_2520 = arith.addf %add3A_2497, %add3A_2518 : vector<16x1024xf32>
    %add3A_2521 = arith.addf %add3A_2519, %add3A_2520 : vector<16x1024xf32>
    %add3A_2522 = arith.addf %add3A_2434, %add3A_2521 : vector<16x1024xf32>
    %slice3A_2523 = vector.extract_strided_slice %get3A_2171 {offsets = [0, 32], sizes = [16, 1], strides = [1, 1]} : vector<16x64xf32> to vector<16x1xf32>
    %get3A_2524 = arith.constant 3 : index
    %get3A_2525 = arith.constant 32 : index
    %get3A_2526 = arith.constant 0 : index
    %get3A_2527 = arith.constant 0 : index
    %get3A_2528 = vector.load %arg2[%get3A_2524, %get3A_2525, %get3A_2526, %get3A_2527] : memref<4x64x16x1024xf32, #tpu.memory_space<vmem>>, vector<1x1x16x1024xf32>
    %get3A_2529 = vector.shape_cast %get3A_2528 : vector<1x1x16x1024xf32> to vector<16x1024xf32>
    %sub3A_2530 = vector.broadcast %slice3A_2523 : vector<16x1xf32> to vector<16x1024xf32>
    %sub3A_2531 = arith.subf %sub3A_2530, %get3A_2529 : vector<16x1024xf32>
    %mul3A_2532 = arith.mulf %sub3A_2531, %sub3A_2531 : vector<16x1024xf32>
    %slice3A_2533 = vector.extract_strided_slice %get3A_2171 {offsets = [0, 36], sizes = [16, 1], strides = [1, 1]} : vector<16x64xf32> to vector<16x1xf32>
    %get3A_2534 = arith.constant 3 : index
    %get3A_2535 = arith.constant 36 : index
    %get3A_2536 = arith.constant 0 : index
    %get3A_2537 = arith.constant 0 : index
    %get3A_2538 = vector.load %arg2[%get3A_2534, %get3A_2535, %get3A_2536, %get3A_2537] : memref<4x64x16x1024xf32, #tpu.memory_space<vmem>>, vector<1x1x16x1024xf32>
    %get3A_2539 = vector.shape_cast %get3A_2538 : vector<1x1x16x1024xf32> to vector<16x1024xf32>
    %sub3A_2540 = vector.broadcast %slice3A_2533 : vector<16x1xf32> to vector<16x1024xf32>
    %sub3A_2541 = arith.subf %sub3A_2540, %get3A_2539 : vector<16x1024xf32>
    %mul3A_2542 = arith.mulf %sub3A_2541, %sub3A_2541 : vector<16x1024xf32>
    %add3A_2543 = arith.addf %mul3A_2532, %mul3A_2542 : vector<16x1024xf32>
    %slice3A_2544 = vector.extract_strided_slice %get3A_2171 {offsets = [0, 34], sizes = [16, 1], strides = [1, 1]} : vector<16x64xf32> to vector<16x1xf32>
    %get3A_2545 = arith.constant 3 : index
    %get3A_2546 = arith.constant 34 : index
    %get3A_2547 = arith.constant 0 : index
    %get3A_2548 = arith.constant 0 : index
    %get3A_2549 = vector.load %arg2[%get3A_2545, %get3A_2546, %get3A_2547, %get3A_2548] : memref<4x64x16x1024xf32, #tpu.memory_space<vmem>>, vector<1x1x16x1024xf32>
    %get3A_2550 = vector.shape_cast %get3A_2549 : vector<1x1x16x1024xf32> to vector<16x1024xf32>
    %sub3A_2551 = vector.broadcast %slice3A_2544 : vector<16x1xf32> to vector<16x1024xf32>
    %sub3A_2552 = arith.subf %sub3A_2551, %get3A_2550 : vector<16x1024xf32>
    %mul3A_2553 = arith.mulf %sub3A_2552, %sub3A_2552 : vector<16x1024xf32>
    %slice3A_2554 = vector.extract_strided_slice %get3A_2171 {offsets = [0, 38], sizes = [16, 1], strides = [1, 1]} : vector<16x64xf32> to vector<16x1xf32>
    %get3A_2555 = arith.constant 3 : index
    %get3A_2556 = arith.constant 38 : index
    %get3A_2557 = arith.constant 0 : index
    %get3A_2558 = arith.constant 0 : index
    %get3A_2559 = vector.load %arg2[%get3A_2555, %get3A_2556, %get3A_2557, %get3A_2558] : memref<4x64x16x1024xf32, #tpu.memory_space<vmem>>, vector<1x1x16x1024xf32>
    %get3A_2560 = vector.shape_cast %get3A_2559 : vector<1x1x16x1024xf32> to vector<16x1024xf32>
    %sub3A_2561 = vector.broadcast %slice3A_2554 : vector<16x1xf32> to vector<16x1024xf32>
    %sub3A_2562 = arith.subf %sub3A_2561, %get3A_2560 : vector<16x1024xf32>
    %mul3A_2563 = arith.mulf %sub3A_2562, %sub3A_2562 : vector<16x1024xf32>
    %add3A_2564 = arith.addf %mul3A_2553, %mul3A_2563 : vector<16x1024xf32>
    %slice3A_2565 = vector.extract_strided_slice %get3A_2171 {offsets = [0, 33], sizes = [16, 1], strides = [1, 1]} : vector<16x64xf32> to vector<16x1xf32>
    %get3A_2566 = arith.constant 3 : index
    %get3A_2567 = arith.constant 33 : index
    %get3A_2568 = arith.constant 0 : index
    %get3A_2569 = arith.constant 0 : index
    %get3A_2570 = vector.load %arg2[%get3A_2566, %get3A_2567, %get3A_2568, %get3A_2569] : memref<4x64x16x1024xf32, #tpu.memory_space<vmem>>, vector<1x1x16x1024xf32>
    %get3A_2571 = vector.shape_cast %get3A_2570 : vector<1x1x16x1024xf32> to vector<16x1024xf32>
    %sub3A_2572 = vector.broadcast %slice3A_2565 : vector<16x1xf32> to vector<16x1024xf32>
    %sub3A_2573 = arith.subf %sub3A_2572, %get3A_2571 : vector<16x1024xf32>
    %mul3A_2574 = arith.mulf %sub3A_2573, %sub3A_2573 : vector<16x1024xf32>
    %slice3A_2575 = vector.extract_strided_slice %get3A_2171 {offsets = [0, 37], sizes = [16, 1], strides = [1, 1]} : vector<16x64xf32> to vector<16x1xf32>
    %get3A_2576 = arith.constant 3 : index
    %get3A_2577 = arith.constant 37 : index
    %get3A_2578 = arith.constant 0 : index
    %get3A_2579 = arith.constant 0 : index
    %get3A_2580 = vector.load %arg2[%get3A_2576, %get3A_2577, %get3A_2578, %get3A_2579] : memref<4x64x16x1024xf32, #tpu.memory_space<vmem>>, vector<1x1x16x1024xf32>
    %get3A_2581 = vector.shape_cast %get3A_2580 : vector<1x1x16x1024xf32> to vector<16x1024xf32>
    %sub3A_2582 = vector.broadcast %slice3A_2575 : vector<16x1xf32> to vector<16x1024xf32>
    %sub3A_2583 = arith.subf %sub3A_2582, %get3A_2581 : vector<16x1024xf32>
    %mul3A_2584 = arith.mulf %sub3A_2583, %sub3A_2583 : vector<16x1024xf32>
    %add3A_2585 = arith.addf %mul3A_2574, %mul3A_2584 : vector<16x1024xf32>
    %slice3A_2586 = vector.extract_strided_slice %get3A_2171 {offsets = [0, 35], sizes = [16, 1], strides = [1, 1]} : vector<16x64xf32> to vector<16x1xf32>
    %get3A_2587 = arith.constant 3 : index
    %get3A_2588 = arith.constant 35 : index
    %get3A_2589 = arith.constant 0 : index
    %get3A_2590 = arith.constant 0 : index
    %get3A_2591 = vector.load %arg2[%get3A_2587, %get3A_2588, %get3A_2589, %get3A_2590] : memref<4x64x16x1024xf32, #tpu.memory_space<vmem>>, vector<1x1x16x1024xf32>
    %get3A_2592 = vector.shape_cast %get3A_2591 : vector<1x1x16x1024xf32> to vector<16x1024xf32>
    %sub3A_2593 = vector.broadcast %slice3A_2586 : vector<16x1xf32> to vector<16x1024xf32>
    %sub3A_2594 = arith.subf %sub3A_2593, %get3A_2592 : vector<16x1024xf32>
    %mul3A_2595 = arith.mulf %sub3A_2594, %sub3A_2594 : vector<16x1024xf32>
    %slice3A_2596 = vector.extract_strided_slice %get3A_2171 {offsets = [0, 39], sizes = [16, 1], strides = [1, 1]} : vector<16x64xf32> to vector<16x1xf32>
    %get3A_2597 = arith.constant 3 : index
    %get3A_2598 = arith.constant 39 : index
    %get3A_2599 = arith.constant 0 : index
    %get3A_2600 = arith.constant 0 : index
    %get3A_2601 = vector.load %arg2[%get3A_2597, %get3A_2598, %get3A_2599, %get3A_2600] : memref<4x64x16x1024xf32, #tpu.memory_space<vmem>>, vector<1x1x16x1024xf32>
    %get3A_2602 = vector.shape_cast %get3A_2601 : vector<1x1x16x1024xf32> to vector<16x1024xf32>
    %sub3A_2603 = vector.broadcast %slice3A_2596 : vector<16x1xf32> to vector<16x1024xf32>
    %sub3A_2604 = arith.subf %sub3A_2603, %get3A_2602 : vector<16x1024xf32>
    %mul3A_2605 = arith.mulf %sub3A_2604, %sub3A_2604 : vector<16x1024xf32>
    %add3A_2606 = arith.addf %mul3A_2595, %mul3A_2605 : vector<16x1024xf32>
    %add3A_2607 = arith.addf %add3A_2543, %add3A_2564 : vector<16x1024xf32>
    %add3A_2608 = arith.addf %add3A_2585, %add3A_2606 : vector<16x1024xf32>
    %add3A_2609 = arith.addf %add3A_2607, %add3A_2608 : vector<16x1024xf32>
    %add3A_2610 = arith.addf %add3A_2522, %add3A_2609 : vector<16x1024xf32>
    %slice3A_2611 = vector.extract_strided_slice %get3A_2171 {offsets = [0, 40], sizes = [16, 1], strides = [1, 1]} : vector<16x64xf32> to vector<16x1xf32>
    %get3A_2612 = arith.constant 3 : index
    %get3A_2613 = arith.constant 40 : index
    %get3A_2614 = arith.constant 0 : index
    %get3A_2615 = arith.constant 0 : index
    %get3A_2616 = vector.load %arg2[%get3A_2612, %get3A_2613, %get3A_2614, %get3A_2615] : memref<4x64x16x1024xf32, #tpu.memory_space<vmem>>, vector<1x1x16x1024xf32>
    %get3A_2617 = vector.shape_cast %get3A_2616 : vector<1x1x16x1024xf32> to vector<16x1024xf32>
    %sub3A_2618 = vector.broadcast %slice3A_2611 : vector<16x1xf32> to vector<16x1024xf32>
    %sub3A_2619 = arith.subf %sub3A_2618, %get3A_2617 : vector<16x1024xf32>
    %mul3A_2620 = arith.mulf %sub3A_2619, %sub3A_2619 : vector<16x1024xf32>
    %slice3A_2621 = vector.extract_strided_slice %get3A_2171 {offsets = [0, 44], sizes = [16, 1], strides = [1, 1]} : vector<16x64xf32> to vector<16x1xf32>
    %get3A_2622 = arith.constant 3 : index
    %get3A_2623 = arith.constant 44 : index
    %get3A_2624 = arith.constant 0 : index
    %get3A_2625 = arith.constant 0 : index
    %get3A_2626 = vector.load %arg2[%get3A_2622, %get3A_2623, %get3A_2624, %get3A_2625] : memref<4x64x16x1024xf32, #tpu.memory_space<vmem>>, vector<1x1x16x1024xf32>
    %get3A_2627 = vector.shape_cast %get3A_2626 : vector<1x1x16x1024xf32> to vector<16x1024xf32>
    %sub3A_2628 = vector.broadcast %slice3A_2621 : vector<16x1xf32> to vector<16x1024xf32>
    %sub3A_2629 = arith.subf %sub3A_2628, %get3A_2627 : vector<16x1024xf32>
    %mul3A_2630 = arith.mulf %sub3A_2629, %sub3A_2629 : vector<16x1024xf32>
    %add3A_2631 = arith.addf %mul3A_2620, %mul3A_2630 : vector<16x1024xf32>
    %slice3A_2632 = vector.extract_strided_slice %get3A_2171 {offsets = [0, 42], sizes = [16, 1], strides = [1, 1]} : vector<16x64xf32> to vector<16x1xf32>
    %get3A_2633 = arith.constant 3 : index
    %get3A_2634 = arith.constant 42 : index
    %get3A_2635 = arith.constant 0 : index
    %get3A_2636 = arith.constant 0 : index
    %get3A_2637 = vector.load %arg2[%get3A_2633, %get3A_2634, %get3A_2635, %get3A_2636] : memref<4x64x16x1024xf32, #tpu.memory_space<vmem>>, vector<1x1x16x1024xf32>
    %get3A_2638 = vector.shape_cast %get3A_2637 : vector<1x1x16x1024xf32> to vector<16x1024xf32>
    %sub3A_2639 = vector.broadcast %slice3A_2632 : vector<16x1xf32> to vector<16x1024xf32>
    %sub3A_2640 = arith.subf %sub3A_2639, %get3A_2638 : vector<16x1024xf32>
    %mul3A_2641 = arith.mulf %sub3A_2640, %sub3A_2640 : vector<16x1024xf32>
    %slice3A_2642 = vector.extract_strided_slice %get3A_2171 {offsets = [0, 46], sizes = [16, 1], strides = [1, 1]} : vector<16x64xf32> to vector<16x1xf32>
    %get3A_2643 = arith.constant 3 : index
    %get3A_2644 = arith.constant 46 : index
    %get3A_2645 = arith.constant 0 : index
    %get3A_2646 = arith.constant 0 : index
    %get3A_2647 = vector.load %arg2[%get3A_2643, %get3A_2644, %get3A_2645, %get3A_2646] : memref<4x64x16x1024xf32, #tpu.memory_space<vmem>>, vector<1x1x16x1024xf32>
    %get3A_2648 = vector.shape_cast %get3A_2647 : vector<1x1x16x1024xf32> to vector<16x1024xf32>
    %sub3A_2649 = vector.broadcast %slice3A_2642 : vector<16x1xf32> to vector<16x1024xf32>
    %sub3A_2650 = arith.subf %sub3A_2649, %get3A_2648 : vector<16x1024xf32>
    %mul3A_2651 = arith.mulf %sub3A_2650, %sub3A_2650 : vector<16x1024xf32>
    %add3A_2652 = arith.addf %mul3A_2641, %mul3A_2651 : vector<16x1024xf32>
    %slice3A_2653 = vector.extract_strided_slice %get3A_2171 {offsets = [0, 41], sizes = [16, 1], strides = [1, 1]} : vector<16x64xf32> to vector<16x1xf32>
    %get3A_2654 = arith.constant 3 : index
    %get3A_2655 = arith.constant 41 : index
    %get3A_2656 = arith.constant 0 : index
    %get3A_2657 = arith.constant 0 : index
    %get3A_2658 = vector.load %arg2[%get3A_2654, %get3A_2655, %get3A_2656, %get3A_2657] : memref<4x64x16x1024xf32, #tpu.memory_space<vmem>>, vector<1x1x16x1024xf32>
    %get3A_2659 = vector.shape_cast %get3A_2658 : vector<1x1x16x1024xf32> to vector<16x1024xf32>
    %sub3A_2660 = vector.broadcast %slice3A_2653 : vector<16x1xf32> to vector<16x1024xf32>
    %sub3A_2661 = arith.subf %sub3A_2660, %get3A_2659 : vector<16x1024xf32>
    %mul3A_2662 = arith.mulf %sub3A_2661, %sub3A_2661 : vector<16x1024xf32>
    %slice3A_2663 = vector.extract_strided_slice %get3A_2171 {offsets = [0, 45], sizes = [16, 1], strides = [1, 1]} : vector<16x64xf32> to vector<16x1xf32>
    %get3A_2664 = arith.constant 3 : index
    %get3A_2665 = arith.constant 45 : index
    %get3A_2666 = arith.constant 0 : index
    %get3A_2667 = arith.constant 0 : index
    %get3A_2668 = vector.load %arg2[%get3A_2664, %get3A_2665, %get3A_2666, %get3A_2667] : memref<4x64x16x1024xf32, #tpu.memory_space<vmem>>, vector<1x1x16x1024xf32>
    %get3A_2669 = vector.shape_cast %get3A_2668 : vector<1x1x16x1024xf32> to vector<16x1024xf32>
    %sub3A_2670 = vector.broadcast %slice3A_2663 : vector<16x1xf32> to vector<16x1024xf32>
    %sub3A_2671 = arith.subf %sub3A_2670, %get3A_2669 : vector<16x1024xf32>
    %mul3A_2672 = arith.mulf %sub3A_2671, %sub3A_2671 : vector<16x1024xf32>
    %add3A_2673 = arith.addf %mul3A_2662, %mul3A_2672 : vector<16x1024xf32>
    %slice3A_2674 = vector.extract_strided_slice %get3A_2171 {offsets = [0, 43], sizes = [16, 1], strides = [1, 1]} : vector<16x64xf32> to vector<16x1xf32>
    %get3A_2675 = arith.constant 3 : index
    %get3A_2676 = arith.constant 43 : index
    %get3A_2677 = arith.constant 0 : index
    %get3A_2678 = arith.constant 0 : index
    %get3A_2679 = vector.load %arg2[%get3A_2675, %get3A_2676, %get3A_2677, %get3A_2678] : memref<4x64x16x1024xf32, #tpu.memory_space<vmem>>, vector<1x1x16x1024xf32>
    %get3A_2680 = vector.shape_cast %get3A_2679 : vector<1x1x16x1024xf32> to vector<16x1024xf32>
    %sub3A_2681 = vector.broadcast %slice3A_2674 : vector<16x1xf32> to vector<16x1024xf32>
    %sub3A_2682 = arith.subf %sub3A_2681, %get3A_2680 : vector<16x1024xf32>
    %mul3A_2683 = arith.mulf %sub3A_2682, %sub3A_2682 : vector<16x1024xf32>
    %slice3A_2684 = vector.extract_strided_slice %get3A_2171 {offsets = [0, 47], sizes = [16, 1], strides = [1, 1]} : vector<16x64xf32> to vector<16x1xf32>
    %get3A_2685 = arith.constant 3 : index
    %get3A_2686 = arith.constant 47 : index
    %get3A_2687 = arith.constant 0 : index
    %get3A_2688 = arith.constant 0 : index
    %get3A_2689 = vector.load %arg2[%get3A_2685, %get3A_2686, %get3A_2687, %get3A_2688] : memref<4x64x16x1024xf32, #tpu.memory_space<vmem>>, vector<1x1x16x1024xf32>
    %get3A_2690 = vector.shape_cast %get3A_2689 : vector<1x1x16x1024xf32> to vector<16x1024xf32>
    %sub3A_2691 = vector.broadcast %slice3A_2684 : vector<16x1xf32> to vector<16x1024xf32>
    %sub3A_2692 = arith.subf %sub3A_2691, %get3A_2690 : vector<16x1024xf32>
    %mul3A_2693 = arith.mulf %sub3A_2692, %sub3A_2692 : vector<16x1024xf32>
    %add3A_2694 = arith.addf %mul3A_2683, %mul3A_2693 : vector<16x1024xf32>
    %add3A_2695 = arith.addf %add3A_2631, %add3A_2652 : vector<16x1024xf32>
    %add3A_2696 = arith.addf %add3A_2673, %add3A_2694 : vector<16x1024xf32>
    %add3A_2697 = arith.addf %add3A_2695, %add3A_2696 : vector<16x1024xf32>
    %add3A_2698 = arith.addf %add3A_2610, %add3A_2697 : vector<16x1024xf32>
    %slice3A_2699 = vector.extract_strided_slice %get3A_2171 {offsets = [0, 48], sizes = [16, 1], strides = [1, 1]} : vector<16x64xf32> to vector<16x1xf32>
    %get3A_2700 = arith.constant 3 : index
    %get3A_2701 = arith.constant 48 : index
    %get3A_2702 = arith.constant 0 : index
    %get3A_2703 = arith.constant 0 : index
    %get3A_2704 = vector.load %arg2[%get3A_2700, %get3A_2701, %get3A_2702, %get3A_2703] : memref<4x64x16x1024xf32, #tpu.memory_space<vmem>>, vector<1x1x16x1024xf32>
    %get3A_2705 = vector.shape_cast %get3A_2704 : vector<1x1x16x1024xf32> to vector<16x1024xf32>
    %sub3A_2706 = vector.broadcast %slice3A_2699 : vector<16x1xf32> to vector<16x1024xf32>
    %sub3A_2707 = arith.subf %sub3A_2706, %get3A_2705 : vector<16x1024xf32>
    %mul3A_2708 = arith.mulf %sub3A_2707, %sub3A_2707 : vector<16x1024xf32>
    %slice3A_2709 = vector.extract_strided_slice %get3A_2171 {offsets = [0, 52], sizes = [16, 1], strides = [1, 1]} : vector<16x64xf32> to vector<16x1xf32>
    %get3A_2710 = arith.constant 3 : index
    %get3A_2711 = arith.constant 52 : index
    %get3A_2712 = arith.constant 0 : index
    %get3A_2713 = arith.constant 0 : index
    %get3A_2714 = vector.load %arg2[%get3A_2710, %get3A_2711, %get3A_2712, %get3A_2713] : memref<4x64x16x1024xf32, #tpu.memory_space<vmem>>, vector<1x1x16x1024xf32>
    %get3A_2715 = vector.shape_cast %get3A_2714 : vector<1x1x16x1024xf32> to vector<16x1024xf32>
    %sub3A_2716 = vector.broadcast %slice3A_2709 : vector<16x1xf32> to vector<16x1024xf32>
    %sub3A_2717 = arith.subf %sub3A_2716, %get3A_2715 : vector<16x1024xf32>
    %mul3A_2718 = arith.mulf %sub3A_2717, %sub3A_2717 : vector<16x1024xf32>
    %add3A_2719 = arith.addf %mul3A_2708, %mul3A_2718 : vector<16x1024xf32>
    %slice3A_2720 = vector.extract_strided_slice %get3A_2171 {offsets = [0, 50], sizes = [16, 1], strides = [1, 1]} : vector<16x64xf32> to vector<16x1xf32>
    %get3A_2721 = arith.constant 3 : index
    %get3A_2722 = arith.constant 50 : index
    %get3A_2723 = arith.constant 0 : index
    %get3A_2724 = arith.constant 0 : index
    %get3A_2725 = vector.load %arg2[%get3A_2721, %get3A_2722, %get3A_2723, %get3A_2724] : memref<4x64x16x1024xf32, #tpu.memory_space<vmem>>, vector<1x1x16x1024xf32>
    %get3A_2726 = vector.shape_cast %get3A_2725 : vector<1x1x16x1024xf32> to vector<16x1024xf32>
    %sub3A_2727 = vector.broadcast %slice3A_2720 : vector<16x1xf32> to vector<16x1024xf32>
    %sub3A_2728 = arith.subf %sub3A_2727, %get3A_2726 : vector<16x1024xf32>
    %mul3A_2729 = arith.mulf %sub3A_2728, %sub3A_2728 : vector<16x1024xf32>
    %slice3A_2730 = vector.extract_strided_slice %get3A_2171 {offsets = [0, 54], sizes = [16, 1], strides = [1, 1]} : vector<16x64xf32> to vector<16x1xf32>
    %get3A_2731 = arith.constant 3 : index
    %get3A_2732 = arith.constant 54 : index
    %get3A_2733 = arith.constant 0 : index
    %get3A_2734 = arith.constant 0 : index
    %get3A_2735 = vector.load %arg2[%get3A_2731, %get3A_2732, %get3A_2733, %get3A_2734] : memref<4x64x16x1024xf32, #tpu.memory_space<vmem>>, vector<1x1x16x1024xf32>
    %get3A_2736 = vector.shape_cast %get3A_2735 : vector<1x1x16x1024xf32> to vector<16x1024xf32>
    %sub3A_2737 = vector.broadcast %slice3A_2730 : vector<16x1xf32> to vector<16x1024xf32>
    %sub3A_2738 = arith.subf %sub3A_2737, %get3A_2736 : vector<16x1024xf32>
    %mul3A_2739 = arith.mulf %sub3A_2738, %sub3A_2738 : vector<16x1024xf32>
    %add3A_2740 = arith.addf %mul3A_2729, %mul3A_2739 : vector<16x1024xf32>
    %slice3A_2741 = vector.extract_strided_slice %get3A_2171 {offsets = [0, 49], sizes = [16, 1], strides = [1, 1]} : vector<16x64xf32> to vector<16x1xf32>
    %get3A_2742 = arith.constant 3 : index
    %get3A_2743 = arith.constant 49 : index
    %get3A_2744 = arith.constant 0 : index
    %get3A_2745 = arith.constant 0 : index
    %get3A_2746 = vector.load %arg2[%get3A_2742, %get3A_2743, %get3A_2744, %get3A_2745] : memref<4x64x16x1024xf32, #tpu.memory_space<vmem>>, vector<1x1x16x1024xf32>
    %get3A_2747 = vector.shape_cast %get3A_2746 : vector<1x1x16x1024xf32> to vector<16x1024xf32>
    %sub3A_2748 = vector.broadcast %slice3A_2741 : vector<16x1xf32> to vector<16x1024xf32>
    %sub3A_2749 = arith.subf %sub3A_2748, %get3A_2747 : vector<16x1024xf32>
    %mul3A_2750 = arith.mulf %sub3A_2749, %sub3A_2749 : vector<16x1024xf32>
    %slice3A_2751 = vector.extract_strided_slice %get3A_2171 {offsets = [0, 53], sizes = [16, 1], strides = [1, 1]} : vector<16x64xf32> to vector<16x1xf32>
    %get3A_2752 = arith.constant 3 : index
    %get3A_2753 = arith.constant 53 : index
    %get3A_2754 = arith.constant 0 : index
    %get3A_2755 = arith.constant 0 : index
    %get3A_2756 = vector.load %arg2[%get3A_2752, %get3A_2753, %get3A_2754, %get3A_2755] : memref<4x64x16x1024xf32, #tpu.memory_space<vmem>>, vector<1x1x16x1024xf32>
    %get3A_2757 = vector.shape_cast %get3A_2756 : vector<1x1x16x1024xf32> to vector<16x1024xf32>
    %sub3A_2758 = vector.broadcast %slice3A_2751 : vector<16x1xf32> to vector<16x1024xf32>
    %sub3A_2759 = arith.subf %sub3A_2758, %get3A_2757 : vector<16x1024xf32>
    %mul3A_2760 = arith.mulf %sub3A_2759, %sub3A_2759 : vector<16x1024xf32>
    %add3A_2761 = arith.addf %mul3A_2750, %mul3A_2760 : vector<16x1024xf32>
    %slice3A_2762 = vector.extract_strided_slice %get3A_2171 {offsets = [0, 51], sizes = [16, 1], strides = [1, 1]} : vector<16x64xf32> to vector<16x1xf32>
    %get3A_2763 = arith.constant 3 : index
    %get3A_2764 = arith.constant 51 : index
    %get3A_2765 = arith.constant 0 : index
    %get3A_2766 = arith.constant 0 : index
    %get3A_2767 = vector.load %arg2[%get3A_2763, %get3A_2764, %get3A_2765, %get3A_2766] : memref<4x64x16x1024xf32, #tpu.memory_space<vmem>>, vector<1x1x16x1024xf32>
    %get3A_2768 = vector.shape_cast %get3A_2767 : vector<1x1x16x1024xf32> to vector<16x1024xf32>
    %sub3A_2769 = vector.broadcast %slice3A_2762 : vector<16x1xf32> to vector<16x1024xf32>
    %sub3A_2770 = arith.subf %sub3A_2769, %get3A_2768 : vector<16x1024xf32>
    %mul3A_2771 = arith.mulf %sub3A_2770, %sub3A_2770 : vector<16x1024xf32>
    %slice3A_2772 = vector.extract_strided_slice %get3A_2171 {offsets = [0, 55], sizes = [16, 1], strides = [1, 1]} : vector<16x64xf32> to vector<16x1xf32>
    %get3A_2773 = arith.constant 3 : index
    %get3A_2774 = arith.constant 55 : index
    %get3A_2775 = arith.constant 0 : index
    %get3A_2776 = arith.constant 0 : index
    %get3A_2777 = vector.load %arg2[%get3A_2773, %get3A_2774, %get3A_2775, %get3A_2776] : memref<4x64x16x1024xf32, #tpu.memory_space<vmem>>, vector<1x1x16x1024xf32>
    %get3A_2778 = vector.shape_cast %get3A_2777 : vector<1x1x16x1024xf32> to vector<16x1024xf32>
    %sub3A_2779 = vector.broadcast %slice3A_2772 : vector<16x1xf32> to vector<16x1024xf32>
    %sub3A_2780 = arith.subf %sub3A_2779, %get3A_2778 : vector<16x1024xf32>
    %mul3A_2781 = arith.mulf %sub3A_2780, %sub3A_2780 : vector<16x1024xf32>
    %add3A_2782 = arith.addf %mul3A_2771, %mul3A_2781 : vector<16x1024xf32>
    %add3A_2783 = arith.addf %add3A_2719, %add3A_2740 : vector<16x1024xf32>
    %add3A_2784 = arith.addf %add3A_2761, %add3A_2782 : vector<16x1024xf32>
    %add3A_2785 = arith.addf %add3A_2783, %add3A_2784 : vector<16x1024xf32>
    %add3A_2786 = arith.addf %add3A_2698, %add3A_2785 : vector<16x1024xf32>
    %slice3A_2787 = vector.extract_strided_slice %get3A_2171 {offsets = [0, 56], sizes = [16, 1], strides = [1, 1]} : vector<16x64xf32> to vector<16x1xf32>
    %get3A_2788 = arith.constant 3 : index
    %get3A_2789 = arith.constant 56 : index
    %get3A_2790 = arith.constant 0 : index
    %get3A_2791 = arith.constant 0 : index
    %get3A_2792 = vector.load %arg2[%get3A_2788, %get3A_2789, %get3A_2790, %get3A_2791] : memref<4x64x16x1024xf32, #tpu.memory_space<vmem>>, vector<1x1x16x1024xf32>
    %get3A_2793 = vector.shape_cast %get3A_2792 : vector<1x1x16x1024xf32> to vector<16x1024xf32>
    %sub3A_2794 = vector.broadcast %slice3A_2787 : vector<16x1xf32> to vector<16x1024xf32>
    %sub3A_2795 = arith.subf %sub3A_2794, %get3A_2793 : vector<16x1024xf32>
    %mul3A_2796 = arith.mulf %sub3A_2795, %sub3A_2795 : vector<16x1024xf32>
    %slice3A_2797 = vector.extract_strided_slice %get3A_2171 {offsets = [0, 60], sizes = [16, 1], strides = [1, 1]} : vector<16x64xf32> to vector<16x1xf32>
    %get3A_2798 = arith.constant 3 : index
    %get3A_2799 = arith.constant 60 : index
    %get3A_2800 = arith.constant 0 : index
    %get3A_2801 = arith.constant 0 : index
    %get3A_2802 = vector.load %arg2[%get3A_2798, %get3A_2799, %get3A_2800, %get3A_2801] : memref<4x64x16x1024xf32, #tpu.memory_space<vmem>>, vector<1x1x16x1024xf32>
    %get3A_2803 = vector.shape_cast %get3A_2802 : vector<1x1x16x1024xf32> to vector<16x1024xf32>
    %sub3A_2804 = vector.broadcast %slice3A_2797 : vector<16x1xf32> to vector<16x1024xf32>
    %sub3A_2805 = arith.subf %sub3A_2804, %get3A_2803 : vector<16x1024xf32>
    %mul3A_2806 = arith.mulf %sub3A_2805, %sub3A_2805 : vector<16x1024xf32>
    %add3A_2807 = arith.addf %mul3A_2796, %mul3A_2806 : vector<16x1024xf32>
    %slice3A_2808 = vector.extract_strided_slice %get3A_2171 {offsets = [0, 58], sizes = [16, 1], strides = [1, 1]} : vector<16x64xf32> to vector<16x1xf32>
    %get3A_2809 = arith.constant 3 : index
    %get3A_2810 = arith.constant 58 : index
    %get3A_2811 = arith.constant 0 : index
    %get3A_2812 = arith.constant 0 : index
    %get3A_2813 = vector.load %arg2[%get3A_2809, %get3A_2810, %get3A_2811, %get3A_2812] : memref<4x64x16x1024xf32, #tpu.memory_space<vmem>>, vector<1x1x16x1024xf32>
    %get3A_2814 = vector.shape_cast %get3A_2813 : vector<1x1x16x1024xf32> to vector<16x1024xf32>
    %sub3A_2815 = vector.broadcast %slice3A_2808 : vector<16x1xf32> to vector<16x1024xf32>
    %sub3A_2816 = arith.subf %sub3A_2815, %get3A_2814 : vector<16x1024xf32>
    %mul3A_2817 = arith.mulf %sub3A_2816, %sub3A_2816 : vector<16x1024xf32>
    %slice3A_2818 = vector.extract_strided_slice %get3A_2171 {offsets = [0, 62], sizes = [16, 1], strides = [1, 1]} : vector<16x64xf32> to vector<16x1xf32>
    %get3A_2819 = arith.constant 3 : index
    %get3A_2820 = arith.constant 62 : index
    %get3A_2821 = arith.constant 0 : index
    %get3A_2822 = arith.constant 0 : index
    %get3A_2823 = vector.load %arg2[%get3A_2819, %get3A_2820, %get3A_2821, %get3A_2822] : memref<4x64x16x1024xf32, #tpu.memory_space<vmem>>, vector<1x1x16x1024xf32>
    %get3A_2824 = vector.shape_cast %get3A_2823 : vector<1x1x16x1024xf32> to vector<16x1024xf32>
    %sub3A_2825 = vector.broadcast %slice3A_2818 : vector<16x1xf32> to vector<16x1024xf32>
    %sub3A_2826 = arith.subf %sub3A_2825, %get3A_2824 : vector<16x1024xf32>
    %mul3A_2827 = arith.mulf %sub3A_2826, %sub3A_2826 : vector<16x1024xf32>
    %add3A_2828 = arith.addf %mul3A_2817, %mul3A_2827 : vector<16x1024xf32>
    %slice3A_2829 = vector.extract_strided_slice %get3A_2171 {offsets = [0, 57], sizes = [16, 1], strides = [1, 1]} : vector<16x64xf32> to vector<16x1xf32>
    %get3A_2830 = arith.constant 3 : index
    %get3A_2831 = arith.constant 57 : index
    %get3A_2832 = arith.constant 0 : index
    %get3A_2833 = arith.constant 0 : index
    %get3A_2834 = vector.load %arg2[%get3A_2830, %get3A_2831, %get3A_2832, %get3A_2833] : memref<4x64x16x1024xf32, #tpu.memory_space<vmem>>, vector<1x1x16x1024xf32>
    %get3A_2835 = vector.shape_cast %get3A_2834 : vector<1x1x16x1024xf32> to vector<16x1024xf32>
    %sub3A_2836 = vector.broadcast %slice3A_2829 : vector<16x1xf32> to vector<16x1024xf32>
    %sub3A_2837 = arith.subf %sub3A_2836, %get3A_2835 : vector<16x1024xf32>
    %mul3A_2838 = arith.mulf %sub3A_2837, %sub3A_2837 : vector<16x1024xf32>
    %slice3A_2839 = vector.extract_strided_slice %get3A_2171 {offsets = [0, 61], sizes = [16, 1], strides = [1, 1]} : vector<16x64xf32> to vector<16x1xf32>
    %get3A_2840 = arith.constant 3 : index
    %get3A_2841 = arith.constant 61 : index
    %get3A_2842 = arith.constant 0 : index
    %get3A_2843 = arith.constant 0 : index
    %get3A_2844 = vector.load %arg2[%get3A_2840, %get3A_2841, %get3A_2842, %get3A_2843] : memref<4x64x16x1024xf32, #tpu.memory_space<vmem>>, vector<1x1x16x1024xf32>
    %get3A_2845 = vector.shape_cast %get3A_2844 : vector<1x1x16x1024xf32> to vector<16x1024xf32>
    %sub3A_2846 = vector.broadcast %slice3A_2839 : vector<16x1xf32> to vector<16x1024xf32>
    %sub3A_2847 = arith.subf %sub3A_2846, %get3A_2845 : vector<16x1024xf32>
    %mul3A_2848 = arith.mulf %sub3A_2847, %sub3A_2847 : vector<16x1024xf32>
    %add3A_2849 = arith.addf %mul3A_2838, %mul3A_2848 : vector<16x1024xf32>
    %slice3A_2850 = vector.extract_strided_slice %get3A_2171 {offsets = [0, 59], sizes = [16, 1], strides = [1, 1]} : vector<16x64xf32> to vector<16x1xf32>
    %get3A_2851 = arith.constant 3 : index
    %get3A_2852 = arith.constant 59 : index
    %get3A_2853 = arith.constant 0 : index
    %get3A_2854 = arith.constant 0 : index
    %get3A_2855 = vector.load %arg2[%get3A_2851, %get3A_2852, %get3A_2853, %get3A_2854] : memref<4x64x16x1024xf32, #tpu.memory_space<vmem>>, vector<1x1x16x1024xf32>
    %get3A_2856 = vector.shape_cast %get3A_2855 : vector<1x1x16x1024xf32> to vector<16x1024xf32>
    %sub3A_2857 = vector.broadcast %slice3A_2850 : vector<16x1xf32> to vector<16x1024xf32>
    %sub3A_2858 = arith.subf %sub3A_2857, %get3A_2856 : vector<16x1024xf32>
    %mul3A_2859 = arith.mulf %sub3A_2858, %sub3A_2858 : vector<16x1024xf32>
    %slice3A_2860 = vector.extract_strided_slice %get3A_2171 {offsets = [0, 63], sizes = [16, 1], strides = [1, 1]} : vector<16x64xf32> to vector<16x1xf32>
    %get3A_2861 = arith.constant 3 : index
    %get3A_2862 = arith.constant 63 : index
    %get3A_2863 = arith.constant 0 : index
    %get3A_2864 = arith.constant 0 : index
    %get3A_2865 = vector.load %arg2[%get3A_2861, %get3A_2862, %get3A_2863, %get3A_2864] : memref<4x64x16x1024xf32, #tpu.memory_space<vmem>>, vector<1x1x16x1024xf32>
    %get3A_2866 = vector.shape_cast %get3A_2865 : vector<1x1x16x1024xf32> to vector<16x1024xf32>
    %sub3A_2867 = vector.broadcast %slice3A_2860 : vector<16x1xf32> to vector<16x1024xf32>
    %sub3A_2868 = arith.subf %sub3A_2867, %get3A_2866 : vector<16x1024xf32>
    %mul3A_2869 = arith.mulf %sub3A_2868, %sub3A_2868 : vector<16x1024xf32>
    %add3A_2870 = arith.addf %mul3A_2859, %mul3A_2869 : vector<16x1024xf32>
    %add3A_2871 = arith.addf %add3A_2807, %add3A_2828 : vector<16x1024xf32>
    %add3A_2872 = arith.addf %add3A_2849, %add3A_2870 : vector<16x1024xf32>
    %add3A_2873 = arith.addf %add3A_2871, %add3A_2872 : vector<16x1024xf32>
    %add3A_2874 = arith.addf %add3A_2786, %add3A_2873 : vector<16x1024xf32>
    %sqrt3A_2875 = math.sqrt %add3A_2874 : vector<16x1024xf32>
    %reduce_min3A_2876 = arith.constant dense<0x7F800000> : vector<16xf32>
    %reduce_min3A_2877 = vector.multi_reduction <minimumf>, %sqrt3A_2875, %reduce_min3A_2876 [1] : vector<16x1024xf32> to vector<16xf32>
    %broadcast_in_dim3A_2878 = vector.shape_cast %reduce_min3A_2877 : vector<16xf32> to vector<16x1xf32>
    %iota3A_2879 = tpu.iota {dimensions = array<i32: 1>} : vector<16x1024xi32>
    %eq3A_2880 = vector.broadcast %broadcast_in_dim3A_2878 : vector<16x1xf32> to vector<16x1024xf32>
    %eq3A_2881 = arith.cmpf oeq, %sqrt3A_2875, %eq3A_2880 : vector<16x1024xf32>
    %jit3A_2882 = arith.constant 1024 : i32
    %broadcast_in_dim3A_2883 = vector.broadcast %jit3A_2882 : i32 to vector<16x1024xi32>
    %select_n3A_2884 = arith.select %eq3A_2881, %iota3A_2879, %broadcast_in_dim3A_2883 : vector<16x1024xi1>, vector<16x1024xi32>
    %reduce_min3A_2885 = arith.constant dense<2147483647> : vector<16xi32>
    %reduce_min3A_2886 = vector.multi_reduction <minsi>, %select_n3A_2884, %reduce_min3A_2885 [1] : vector<16x1024xi32> to vector<16xi32>
    %broadcast_in_dim3A_2887 = vector.shape_cast %reduce_min3A_2886 : vector<16xi32> to vector<16x1xi32>
    %broadcast_in_dim3A_2888 = vector.shape_cast %reduce_min3A_2886 : vector<16xi32> to vector<16x1xi32>
    %add3A_2889 = arith.constant 3072 : i32
    %add3A_2890 = vector.broadcast %add3A_2889 : i32 to vector<16x1xi32>
    %add3A_2891 = arith.addi %broadcast_in_dim3A_2888, %add3A_2890 : vector<16x1xi32>
    %concatenate3A = tpu.concatenate %broadcast_in_dim3A_709, %broadcast_in_dim3A_1435, %broadcast_in_dim3A_2161, %broadcast_in_dim3A_2887 in 1 : vector<16x1xi32>, vector<16x1xi32>, vector<16x1xi32>, vector<16x1xi32> -> vector<16x4xi32>
    %swap3A = arith.constant 0 : index
    %swap3A_2892 = arith.constant 0 : index
    %swap3A_2893 = vector.load %arg3[%swap3A, %swap3A_2892] : memref<16x4xi32, #tpu.memory_space<vmem>>, vector<16x4xi32>
    tpu.vector_store %arg3[%swap3A, %swap3A_2892], %concatenate3A {strides = array<i32>} : memref<16x4xi32, #tpu.memory_space<vmem>>, vector<16x4xi32>,
    %concatenate3A_2894 = tpu.concatenate %add3A_713, %add3A_1439, %add3A_2165, %add3A_2891 in 1 : vector<16x1xi32>, vector<16x1xi32>, vector<16x1xi32>, vector<16x1xi32> -> vector<16x4xi32>
    %swap3A_2895 = arith.constant 0 : index
    %swap3A_2896 = arith.constant 0 : index
    %swap3A_2897 = vector.load %arg4[%swap3A_2895, %swap3A_2896] : memref<16x4xi32, #tpu.memory_space<vmem>>, vector<16x4xi32>
    tpu.vector_store %arg4[%swap3A_2895, %swap3A_2896], %concatenate3A_2894 {strides = array<i32>} : memref<16x4xi32, #tpu.memory_space<vmem>>, vector<16x4xi32>,
    return
  }
  func.func @transform_0(%arg0: i32) -> (i32, i32, i32, i32) {
    %c0_i32 = arith.constant 0 : i32
    %c0_i32_0 = arith.constant 0 : i32
    %c0_i32_1 = arith.constant 0 : i32
    %c0_i32_2 = arith.constant 0 : i32
    return %arg0, %c0_i32, %c0_i32_0, %c0_i32_1 : i32, i32, i32, i32
  }
  func.func @transform_1(%arg0: i32) -> (i32, i32, i32, i32) {
    %c0_i32 = arith.constant 0 : i32
    %c0_i32_0 = arith.constant 0 : i32
    %c0_i32_1 = arith.constant 0 : i32
    %c0_i32_2 = arith.constant 0 : i32
    %c0_i32_3 = arith.constant 0 : i32
    return %c0_i32, %c0_i32_0, %c0_i32_1, %c0_i32_2 : i32, i32, i32, i32
  }
  func.func @transform_2(%arg0: i32) -> (i32, i32) {
    %c0_i32 = arith.constant 0 : i32
    %c0_i32_0 = arith.constant 0 : i32
    return %arg0, %c0_i32 : i32, i32
  }
  func.func @transform_3(%arg0: i32) -> (i32, i32) {
    %c0_i32 = arith.constant 0 : i32
    %c0_i32_0 = arith.constant 0 : i32
    return %arg0, %c0_i32 : i32, i32
  }
}

module attributes {stable_mosaic.version = 14 : i64} {
  func.func @_assemble_kernel(%arg0: i32, %arg1: memref<8192x1xi32, #tpu.memory_space<vmem>>, %arg2: memref<8192x64xf32, #tpu.memory_space<vmem>>, %arg3: memref<8192x64xf32, #tpu.memory_space<vmem>>, %arg4: memref<8192x64xf32, #tpu.memory_space<vmem>>, %arg5: memref<8192x1xf32, #tpu.memory_space<vmem>>, %arg6: memref<1x1xf32, #tpu.memory_space<vmem>>) attributes {dimension_semantics = [#tpu.dimension_semantics<arbitrary>], iteration_bounds = array<i64: 1>, scalar_prefetch = 0 : i64, scratch_operands = 0 : i64, tpu.core_type = #tpu.core_type<tc>, window_params = [{pipeline_mode = #tpu.pipeline_mode<synchronous>, transform_indices = @transform_0, window_bounds = array<i64: 8192, 1>}, {pipeline_mode = #tpu.pipeline_mode<synchronous>, transform_indices = @transform_1, window_bounds = array<i64: 8192, 64>}, {pipeline_mode = #tpu.pipeline_mode<synchronous>, transform_indices = @transform_2, window_bounds = array<i64: 8192, 64>}, {pipeline_mode = #tpu.pipeline_mode<synchronous>, transform_indices = @transform_3, window_bounds = array<i64: 8192, 64>}, {pipeline_mode = #tpu.pipeline_mode<synchronous>, transform_indices = @transform_4, window_bounds = array<i64: 8192, 1>}, {pipeline_mode = #tpu.pipeline_mode<synchronous>, transform_indices = @transform_5, window_bounds = array<i64: 1, 1>}]} {
    %iota3A = tpu.iota {dimensions = array<i32: 1>} : vector<8192x1024xi32>
    %get3A = arith.constant 0 : index
    %get3A_0 = arith.constant 0 : index
    %get3A_1 = vector.load %arg1[%get3A, %get3A_0] : memref<8192x1xi32, #tpu.memory_space<vmem>>, vector<8192x1xi32>
    %eq3A = vector.broadcast %get3A_1 : vector<8192x1xi32> to vector<8192x1024xi32>
    %eq3A_2 = arith.cmpi eq, %iota3A, %eq3A : vector<8192x1024xi32>
    %convert_element_type3A = arith.extui %eq3A_2 : vector<8192x1024xi1> to vector<8192x1024xi32>
    %convert_element_type3A_3 = arith.sitofp %convert_element_type3A : vector<8192x1024xi32> to vector<8192x1024xf32>
    %reduce_sum3A = arith.constant dense<0.000000e+00> : vector<1024xf32>
    %reduce_sum3A_4 = vector.multi_reduction <add>, %convert_element_type3A_3, %reduce_sum3A [0] : vector<8192x1024xf32> to vector<1024xf32>
    %broadcast_in_dim3A = vector.shape_cast %reduce_sum3A_4 : vector<1024xf32> to vector<1x1024xf32>
    %get3A_5 = arith.constant 0 : index
    %get3A_6 = arith.constant 0 : index
    %get3A_7 = vector.load %arg2[%get3A_5, %get3A_6] : memref<8192x64xf32, #tpu.memory_space<vmem>>, vector<8192x64xf32>
    %get3A_8 = arith.constant 0 : index
    %get3A_9 = arith.constant 0 : index
    %get3A_10 = vector.load %arg3[%get3A_8, %get3A_9] : memref<8192x64xf32, #tpu.memory_space<vmem>>, vector<8192x64xf32>
    %sub3A = arith.subf %get3A_7, %get3A_10 : vector<8192x64xf32>
    %add3A = arith.addf %sub3A, %get3A_10 : vector<8192x64xf32>
    %swap3A = arith.constant 0 : index
    %swap3A_11 = arith.constant 0 : index
    %swap3A_12 = vector.load %arg4[%swap3A, %swap3A_11] : memref<8192x64xf32, #tpu.memory_space<vmem>>, vector<8192x64xf32>
    tpu.vector_store %arg4[%swap3A, %swap3A_11], %add3A {strides = array<i32>} : memref<8192x64xf32, #tpu.memory_space<vmem>>, vector<8192x64xf32>,
    %sub3A_13 = arith.subf %get3A_10, %get3A_7 : vector<8192x64xf32>
    %mul3A = arith.mulf %sub3A_13, %sub3A_13 : vector<8192x64xf32>
    %reduce_sum3A_14 = arith.constant dense<0.000000e+00> : vector<8192xf32>
    %reduce_sum3A_15 = vector.multi_reduction <add>, %mul3A, %reduce_sum3A_14 [1] : vector<8192x64xf32> to vector<8192xf32>
    %broadcast_in_dim3A_16 = vector.shape_cast %reduce_sum3A_15 : vector<8192xf32> to vector<8192x1xf32>
    %swap3A_17 = arith.constant 0 : index
    %swap3A_18 = arith.constant 0 : index
    %swap3A_19 = vector.load %arg5[%swap3A_17, %swap3A_18] : memref<8192x1xf32, #tpu.memory_space<vmem>>, vector<8192x1xf32>
    tpu.vector_store %arg5[%swap3A_17, %swap3A_18], %broadcast_in_dim3A_16 {strides = array<i32>} : memref<8192x1xf32, #tpu.memory_space<vmem>>, vector<8192x1xf32>,
    %mul3A_20 = arith.constant 4.8828125E-4 : f32
    %mul3A_21 = vector.broadcast %mul3A_20 : f32 to vector<1x1024xf32>
    %mul3A_22 = arith.mulf %broadcast_in_dim3A, %mul3A_21 : vector<1x1024xf32>
    %gt3A = arith.constant 0.000000e+00 : f32
    %gt3A_23 = vector.broadcast %gt3A : f32 to vector<1x1024xf32>
    %gt3A_24 = arith.cmpf ogt, %broadcast_in_dim3A, %gt3A_23 : vector<1x1024xf32>
    %jit3A = arith.constant 1.000000e+00 : f32
    %broadcast_in_dim3A_25 = vector.broadcast %jit3A : f32 to vector<1x1024xf32>
    %select_n3A = arith.select %gt3A_24, %mul3A_22, %broadcast_in_dim3A_25 : vector<1x1024xi1>, vector<1x1024xf32>
    %log3A = math.log %select_n3A : vector<1x1024xf32>
    %mul3A_26 = arith.mulf %mul3A_22, %log3A : vector<1x1024xf32>
    %jit3A_27 = arith.constant 0.000000e+00 : f32
    %broadcast_in_dim3A_28 = vector.broadcast %jit3A_27 : f32 to vector<1x1024xf32>
    %select_n3A_29 = arith.select %gt3A_24, %mul3A_26, %broadcast_in_dim3A_28 : vector<1x1024xi1>, vector<1x1024xf32>
    %reduce_sum3A_30 = vector.shape_cast %select_n3A_29 : vector<1x1024xf32> to vector<1x1x1024xf32>
    %reduce_sum3A_31 = arith.constant dense<0.000000e+00> : vector<1xf32>
    %reduce_sum3A_32 = vector.multi_reduction <add>, %reduce_sum3A_30, %reduce_sum3A_31 [1, 2] : vector<1x1x1024xf32> to vector<1xf32>
    %reduce_sum3A_33 = vector.shape_cast %reduce_sum3A_32 : vector<1xf32> to vector<1x1x1xf32>
    %reduce_sum3A_34 = vector.extract %reduce_sum3A_33[0, 0, 0] : f32 from vector<1x1x1xf32>
    %neg3A = arith.constant 0.000000e+00 : f32
    %neg3A_35 = arith.subf %neg3A, %reduce_sum3A_34 : f32
    %reshape3A = vector.broadcast %neg3A_35 : f32 to vector<1x1xf32>
    %swap3A_36 = arith.constant 0 : index
    %swap3A_37 = arith.constant 0 : index
    %swap3A_38 = vector.load %arg6[%swap3A_36, %swap3A_37] : memref<1x1xf32, #tpu.memory_space<vmem>>, vector<1x1xf32>
    tpu.vector_store %arg6[%swap3A_36, %swap3A_37], %reshape3A {strides = array<i32>} : memref<1x1xf32, #tpu.memory_space<vmem>>, vector<1x1xf32>,
    return
  }
  func.func @transform_0(%arg0: i32) -> (i32, i32) {
    %c0_i32 = arith.constant 0 : i32
    %c0_i32_0 = arith.constant 0 : i32
    %c0_i32_1 = arith.constant 0 : i32
    return %c0_i32, %c0_i32_0 : i32, i32
  }
  func.func @transform_1(%arg0: i32) -> (i32, i32) {
    %c0_i32 = arith.constant 0 : i32
    %c0_i32_0 = arith.constant 0 : i32
    %c0_i32_1 = arith.constant 0 : i32
    return %c0_i32, %c0_i32_0 : i32, i32
  }
  func.func @transform_2(%arg0: i32) -> (i32, i32) {
    %c0_i32 = arith.constant 0 : i32
    %c0_i32_0 = arith.constant 0 : i32
    %c0_i32_1 = arith.constant 0 : i32
    return %c0_i32, %c0_i32_0 : i32, i32
  }
  func.func @transform_3(%arg0: i32) -> (i32, i32) {
    %c0_i32 = arith.constant 0 : i32
    %c0_i32_0 = arith.constant 0 : i32
    %c0_i32_1 = arith.constant 0 : i32
    return %c0_i32, %c0_i32_0 : i32, i32
  }
  func.func @transform_4(%arg0: i32) -> (i32, i32) {
    %c0_i32 = arith.constant 0 : i32
    %c0_i32_0 = arith.constant 0 : i32
    %c0_i32_1 = arith.constant 0 : i32
    return %c0_i32, %c0_i32_0 : i32, i32
  }
  func.func @transform_5(%arg0: i32) -> (i32, i32) {
    %c0_i32 = arith.constant 0 : i32
    %c0_i32_0 = arith.constant 0 : i32
    %c0_i32_1 = arith.constant 0 : i32
    return %c0_i32, %c0_i32_0 : i32, i32
  }
}

</mosaic_0001>

<sc_bundles>
// kernel: kernel.5.cloned.1.call-start
scs
__scs_entry_jumppad:
0x0: {  	(pc) =	sbr.rel $0x88, $3  }
0x1: {  	(tag) =	ssettag $0x0;
	lr =	simm.s32 $0x1  }
0x2: {  	[smem:$0x3F9F] =	sst lr;
	_ =	strace $0xD0000000  }
0x3: {  	_ = 	snop  }
0x4: {  	_ = 	snop  }
0x5: {  	_ = 	snop  }
0x6: {  	_ = 	snop  }
0x7: {  	_ = 	snop  }
__scs_overlays_trampoline_lowered:
0x8: {  	[smem:$0x3FAE] =	sst s0  }
0x9: {  	[smem:$0x3FAF] =	sst s1  }
0xa: {  	[smem:$0x3FB0] =	sst s2  }
0xb: {  	[smem:$0x3FB1] =	sst s3  }
0xc: {  	[smem:$0x3FB2] =	sst s4  }
0xd: {  	[smem:$0x3FB3] =	sst s5  }
0xe: {  	[smem:$0x3FB4] =	sst s6  }
0xf: {  	[smem:$0x3FB5] =	sst s7  }
0x10: {  	[smem:$0x3FB6] =	sst s8  }
0x11: {  	[smem:$0x3FB7] =	sst s9;
	s0 =	simm.s32 @!p0 $0x0  }
0x12: {  	s1 =	sld [smem:$0x3F9D];
	s0 =	simm.s32 @p0 $0x1  }
0x13: {  	[smem:$0x3FB8] =	sst s0;
	s0 =	simm.s32 @!p1 $0x0  }
0x14: {  	s2 =	sld [smem:$0x3F9C];
	s0 =	simm.s32 @p1 $0x1  }
0x15: {  	[smem:$0x3FB9] =	sst s0;
	s0 =	simm.s32 @!p2 $0x0  }
0x16: {  	s3 =	sld [smem:$0x3FDB];
	s0 =	simm.s32 @p2 $0x1  }
0x17: {  	s4 =	simm.s32 $0x1BF5;
	[smem:$0x3FBB] =	sst s0  }
0x18: {  	s0 =	sld [smem:$0x3F9E];
	_ =	swait.ge [sflag:s4], $0x0  }
0x19: {  	s7 =	sld [smem:$0x3F9F]  }
0x1a: {  	s8 =	sadd.s32 $0xFFFFE003, lr  }
0x1b: {  	s9 =	sadd.s32 $0xFFFFFEF7, lr;
	s5 =	simm.s32 $0xFFFFFFFF;
	p2 =	slt.u32 s8, $0xFFFFF086  }
0x1c: {  	p1 =	slt.u32 s9, $0xF7A;
	s5 =	simm.s32 @!p2 $0x0  }
0x1d: {  	s5 =	simm.s32 @p1 $0x1;
	p0 =	seq.s32 s7, s2  }
0x1e: {  	s7 =	smul.u32 @!p0 $0xF7A, s2;
	p2 =	seq.s32 @!p0 s5, $0x0  }
0x1f: {  	s9 =	smul.u32 $0xF7A, s1;
	s8 =	simm.s32 @!p0 $0x1BF5;
	p2 =	por !p2, p0  }
0x20: {  	[sflag:s8] =	ssyncset.s32 @!p0 $0xFFFFF086;
	s6 =	sadd.s32 @!p0 s3, s7;
	s7 =	simm.s32 @!p0 $0x108  }
0x21: {  	s3 =	sadd.s32 s3, s9;
	s6 =	sadd.s32 @!p0 $0x88, s6;
	s7 =	simm.s32 @p2 $0x1082  }
0x22: {  	[simem:s7], [sflag:s8] =	dma.local @!p0 [hbm:s6], $0xF7A  }
0x23: {  	s9 =	sor.u32 $0xD0000000, s2;
	s6 =	simm.s32 $0x108;
	_ =	swait.ge @!p0 [sflag:s8], $0x0  }
0x24: {  	s3 =	sadd.s32 $0x88, s3;
	s6 =	simm.s32 @!p1 $0x1082;
	[sflag:s4] =	ssyncset.s32 $0xFFFFF086  }
0x25: {  	[simem:s6], [sflag:s4] =	dma.local [hbm:s3], $0xF7A  }
0x26: {  	[smem:$0x3F9F] =	sst s1;
	(tag) =	ssettag s2;
	_ =	strace s9  }
0x27: {  	s1 =	sld [smem:$0x3FAF]  }
0x28: {  	s2 =	sld [smem:$0x3FB0]  }
0x29: {  	s4 =	sld [smem:$0x3FB2]  }
0x2a: {  	p0 =	seq.s32 s5, $0x0;
	s5 =	sld [smem:$0x3FB3]  }
0x2b: {  	s6 =	sld [smem:$0x3FB4]  }
0x2c: {  	s7 =	sld [smem:$0x3FB5]  }
0x2d: {  	s3 =	simm.s32 $0x108;
	s8 =	sld [smem:$0x3FB6]  }
0x2e: {  	s3 =	simm.s32 @!p0 $0x1082;
	s9 =	sld [smem:$0x3FB7]  }
0x2f: {  	lr =	sadd.s32 s0, s3;
	s0 =	sld [smem:$0x3FAE]  }
0x30: {  	s3 =	sld [smem:$0x3FB1]  }
0x31: {  	[smem:$0x3FBA] =	sst s10  }
0x32: {  	s10 =	sld [smem:$0x3FB8];
	_ =	sdelay $0x3  }
0x33: {  	p0 =	seq.s32 s10, $0x1;
	s10 =	sld [smem:$0x3FBA];
	_ =	sdelay $0x3  }
0x34: {  	[smem:$0x3FBA] =	sst s10  }
0x35: {  	s10 =	sld [smem:$0x3FB9];
	_ =	sdelay $0x3  }
0x36: {  	p1 =	seq.s32 s10, $0x1;
	s10 =	sld [smem:$0x3FBA];
	_ =	sdelay $0x3  }
0x37: {  	[smem:$0x3FBA] =	sst s10  }
0x38: {  	s10 =	sld [smem:$0x3FBB]  }
0x39: {  	_ = 	snop;
	(pc) =	sbr.ind lr, $3  }
0x3a: {  	_ = 	snop  }
0x3b: {  	_ = 	snop  }
0x3c: {  	p2 =	seq.s32 s10, $0x1;
	s10 =	sld [smem:$0x3FBA]  }
0x3d: {  	_ =	shalt  }
0x3e: {  	_ =	shalt  }
0x3f: {  	_ =	shalt  }
0x40: {  	_ =	shalt  }
0x41: {  	_ =	shalt  }
0x42: {  	_ =	shalt  }
0x43: {  	_ =	shalt  }
0x44: {  	_ =	shalt  }
0x45: {  	_ =	shalt  }
0x46: {  	_ =	shalt  }
0x47: {  	_ =	shalt  }
0x48: {  	_ =	shalt  }
0x49: {  	_ =	shalt  }
0x4a: {  	_ =	shalt  }
0x4b: {  	_ =	shalt  }
0x4c: {  	_ =	shalt  }
0x4d: {  	_ =	shalt  }
0x4e: {  	_ =	shalt  }
0x4f: {  	_ =	shalt  }
0x50: {  	_ =	shalt  }
0x51: {  	_ =	shalt  }
0x52: {  	_ =	shalt  }
0x53: {  	_ =	shalt  }
0x54: {  	_ =	shalt  }
0x55: {  	_ =	shalt  }
0x56: {  	_ =	shalt  }
0x57: {  	_ =	shalt  }
0x58: {  	_ =	shalt  }
0x59: {  	_ =	shalt  }
0x5a: {  	_ =	shalt  }
0x5b: {  	_ =	shalt  }
0x5c: {  	_ =	shalt  }
0x5d: {  	_ =	shalt  }
0x5e: {  	_ =	shalt  }
0x5f: {  	_ =	shalt  }
0x60: {  	_ =	shalt  }
0x61: {  	_ =	shalt  }
0x62: {  	_ =	shalt  }
0x63: {  	_ =	shalt  }
0x64: {  	_ =	shalt  }
0x65: {  	_ =	shalt  }
0x66: {  	_ =	shalt  }
0x67: {  	_ =	shalt  }
0x68: {  	_ =	shalt  }
0x69: {  	_ =	shalt  }
0x6a: {  	_ =	shalt  }
0x6b: {  	_ =	shalt  }
0x6c: {  	_ =	shalt  }
0x6d: {  	_ =	shalt  }
0x6e: {  	_ =	shalt  }
0x6f: {  	_ =	shalt  }
0x70: {  	_ =	shalt  }
0x71: {  	_ =	shalt  }
0x72: {  	_ =	shalt  }
0x73: {  	_ =	shalt  }
0x74: {  	_ =	shalt  }
0x75: {  	_ =	shalt  }
0x76: {  	_ =	shalt  }
0x77: {  	_ =	shalt  }
0x78: {  	_ =	shalt  }
0x79: {  	_ =	shalt  }
0x7a: {  	_ =	shalt  }
0x7b: {  	_ =	shalt  }
0x7c: {  	_ =	shalt  }
0x7d: {  	_ =	shalt  }
0x7e: {  	_ =	shalt  }
0x7f: {  	_ =	shalt  }
0x80: {  	_ =	shalt  }
0x81: {  	_ =	shalt  }
0x82: {  	_ =	shalt  }
0x83: {  	_ =	shalt  }
0x84: {  	_ =	shalt  }
0x85: {  	_ =	shalt  }
0x86: {  	_ =	shalt  }
0x87: {  	_ =	shalt  }
.Lfunc_end0:
.L_simem_size_0:
called_computation_lowered:
.L_overlay_start_0:
0x88: {  	s2 =	sld [smem:$0x3FD9]  }
0x89: {  	s3 =	sld [smem:$0x3FFE];
	_ =	sdelay $0x1  }
0x8a: {  	s1 =	srdreg.scid  }
0x8b: {  	s0 =	sand.u32 $0x1, s1  }
0x8c: {  	s14 =	sshll.u32 s0, $0xA;
	s2 =	sadd.s32 s3, s2  }
0x8d: {  	s2 =	sadd.s32 s2, s14  }
0x8e: {  	[smem:$0x3FC6] =	sst s2  }
0x8f: {  	_ = 	snop  }
0x90: {  	s2 =	sld [smem:$0x3FD0];
	_ =	sdelay $0x2  }
0x91: {  	s15 =	simm.s32 $0xA;
	s4 =	simm.s32 $0x10  }
0x92: {  	[smem:s4], [sflag:s15] =	dma.local [hbm:s2], $0x1  }
0x93: {  	_ =	swait.eq [sflag:s15], $0x1  }
0x94: {  	[sflag:s15] =	ssyncset.done $0x0  }
0x95: {  	s16 =	sld [smem:$0x10];
	[sflag:s15] =	ssyncadd.s32 $0xFFFFFFFF  }
0x96: {  	s17 =	sld [smem:$0x12];
	(tm) =	ssettm $0x1  }
0x97: {  	s18 =	sld [smem:$0x3FFB];
	_ =	sdelay $0x3  }
0x98: {  	_ =	strace s18  }
0x99: {  	s4 =	sld [smem:$0x3FFC];
	_ =	sdelay $0x3  }
0x9a: {  	_ =	strace s4  }
0x9b: {  	s4 =	sld [smem:$0x3FFD];
	_ =	sdelay $0x3  }
0x9c: {  	_ =	strace s4  }
0x9d: {  	_ =	strace $0x8FFFFFFF  }
0x9e: {  	s19 =	sld [smem:$0x3FDB];
	_ =	sdelay $0x1  }
0x9f: {  	s5 =	simm.s32 $_scs_section_size  }
0xa0: {  	s6 =	simm.s32 $_size__tile_overlayer_lowered;
	s7 =	simm.s32 $_tile_overlayer_lowered  }
0xa1: {  	s22 =	simm.s32 $0x1BFF;
	s21 =	sshll.u32 s7, $0x1;
	s4 =	sadd.s32 s5, s19  }
0xa2: {  	s8 =	simm.s32 $0x0;
	s20 =	sshll.u32 s6, $0x1;
	s6 =	sadd.s32 s21, s4  }
0xa3: {  	[timem:s8], [sflag:s22] =	dma.local [hbm:s6], s20  }
0xa4: {  	_ =	swait.ge [sflag:s22], s20  }
0xa5: {  	s5 =	ssub.s32 $0x0, s20;
	[sflag:s22] =	ssyncset.done $0x0  }
0xa6: {  	[sflag:s22] =	ssyncadd.s32 s5;
	_ =	sdelay $0x1  }
0xa7: {  	s23 =	simm.s32 $0x1B8B  }
0xa8: {  	_ =	swait.ge [sflag:s23], $0x1  }
0xa9: {  	[sflag:s23] =	ssyncset.done $0x0  }
0xaa: {  	s25 =	simm.s32 $0x1B8E;
	s24 =	sld [smem:$0x3FFE];
	[sflag:s23] =	ssyncadd.s32 $0xFFFFFFFF  }
0xab: {  	s26 =	simm.s32 $execute0_lowered;
	[smem:$0x3FD2] =	sst s25  }
0xac: {  	s6 =	sshll.u32 s26, $0x1;
	_ =	strace $0x80000046;
	[dreg:$0x1] =	wrdreg $0xFFFFFFFF  }
0xad: {  	s28 =	simm.s32 $_size_execute0_lowered;
	s4 =	sadd.s32 s4, s6;
	[dreg:$0x0] =	wrdreg $0x0  }
0xae: {  	s6 =	sshll.u32 s28, $0x1;
	[dreg:$0x2] =	wrdreg s4  }
0xaf: {  	[dreg:$0x3] =	wrdreg s6  }
0xb0: {  	[dreg:$0x4] =	wrdreg $0xC0  }
0xb1: {  	_ =	task [dreg:s8], $0x5FFFF  }
0xb2: {  	[dreg:$0x1] =	wrdreg $0xFFFFFFFF  }
0xb3: {  	[dreg:$0x0] =	wrdreg $0x60  }
0xb4: {  	[dreg:$0x2] =	wrdreg s16  }
0xb5: {  	[dreg:$0x3] =	wrdreg s17  }
0xb6: {  	[dreg:$0x4] =	wrdreg s24  }
0xb7: {  	[dreg:$0x5] =	wrdreg $0x9  }
0xb8: {  	_ =	task.clear_ibuf [dreg:s8], $0x6FFFF;
	_ =	strace $0x90000046  }
0xb9: {  	s29 =	simm.s32 $0x9;
	_ =	strace $0x80000048  }
0xba: {  	_ =	swait.ge [sflag:s29], $0x1  }
0xbb: {  	[sflag:s29] =	ssyncadd.s32 $0xFFFFFFFF  }
0xbc: {  	_ =	strace $0x90000048  }
0xbd: {  	_ =	sfence  }
0xbe: {  	s30 =	sld [smem:$0x0];
	_ =	sdelay $0x2  }
0xbf: {  	s31 =	sshll.u32 s1, $0xD;
	s1 =	sshrl.u32 s1, $0x2  }
0xc0: {  	s3 =	sand.u32 $0x4000, s31;
	s1 =	sadd.s32 s1, s30  }
0xc1: {  	s0 =	sor.u32 s3, s0;
	s1 =	sshll.u32 s1, $0x11  }
0xc2: {  	s0 =	sor.u32 s1, s0  }
0xc3: {  	s0 =	sadd.s32 $0x8F2B, s0  }
0xc4: {  	[sflag:s0] =	ssyncadd.remote.s32 $0x1  }
0xc5: {  	_ =	sfence.sel $0xFFFF  }
0xc6: {  	[dreg:$0x0] =	wrdreg $0xFFFFFFFF;
	(pc) =	sbr.abs _section_cstart, $3  }
0xc7: {  	[dreg:$0x1] =	wrdreg $0xFFFFFFFF  }
0xc8: {  	_ =	task.clear_ibuf [dreg:s8], $0x2FFFF;
	_ =	strace $0x9FFFFFFF  }
0xc9: {  	(tm) =	ssettm $0x7FFFFFFF  }
tec
execute0_lowered:
.L_overlay_start_1:
0x0: {  	(tag) =	ssettag $0x1  }
0x1: {  	s1 =	rddreg [dreg:$0x0];
	s2 =	srdreg.scid  }
0x2: {  	s4 =	rddreg [dreg:$0x1];
	s0 =	stileid.u32  }
0x3: {  	s8 =	rddreg [dreg:$0x2];
	s3 =	simm.s32 $0x0;
	s6 =	sand.u32 $0x1, s2  }
0x4: {  	s5 =	sshll.u32 s0, $0x9;
	s2 =	rddreg [dreg:$0x3];
	s7 =	sshll.u32 s6, $0x8  }
0x5: {  	[smem:$0x7FF] =	sst s3;
	s9 =	sor.u32 s7, s5  }
0x6: {  	_ =	strace $0x80000047;
	s10 =	ssub.s32 $0x2, s6;
	s5 =	sshrl.u32 s9, $0x3  }
0x7: {  	s6 =	simm.s32 $0x100;
	s5 =	sadd.s32 s4, s5;
	s4 =	simm.s32 $0x2  }
0x8: {  	[tilespmem:s3], [sflag:$0x2] =	stream.linear.gather [hbm4b:s5+s3], $0x100, $0x38;
	[tilespmem:$0x8100] =	vst v63  }
0x9: {  	s7 =	simm.s32 $0x1;
	s11 =	sshrl.u32 s10, $0x1;
	_ =	swait.ge [sflag:s4], $0x100  }
0xa: {  	s9 =	sshll.u32 s9, $0x4;
	s31 =	ssub.s32 s10, s11;
	[sflag:s4] =	ssyncset.done $0x0  }
0xb: {  	s8 =	sadd.s32 s9, s8;
	s9 =	smax.u32 s31, $0x1;
	[sflag:s4] =	ssyncadd.s32 $0xFFFFFF00  }
0xc: {  	[tilespmem:s6], [sflag:$0x1] =	stream.indirect.gather [hbm4b:s1+s6], $0x80, s3, s6, $0xb8;
	[tilespmem:$0x8100] =	vst v63  }
0xd: {  	p0 =	sne.s32 s9, $0x1;
	_ =	swait.ge [sflag:s7], $0x8000  }
.Ltmp0:
0xe: {  	[sflag:s7] =	ssyncset.done $0x0;
	(pc) =	sbr.rel @!p0 .LBB2_2-.Ltmp0, $4  }
0xf: {  	s8 =	sadd.s32 $0xA00, s8;
	[sflag:s7] =	ssyncadd.s32 $0xFFFF8000  }
0x10: {  	[hbm4b:s8+s3] =	stream.linear.scatter [tilespmem:s6], [sflag:$0x2], $0x8000, $0x38;
	[tilespmem:$0x8100] =	vst v63  }
0x11: {  	_ =	swait.ge [sflag:s4], $0x8000  }
0x12: {  	s9 =	sadd.s32 $0xFFFFFFFF, s9;
	[sflag:s4] =	ssyncset.done $0x0  }
.LBB2_1:
0x13: {  	p0 =	sne.s32 s9, $0x1;
	s9 =	sadd.s32 $0xFFFFFFFF, s9;
	[sflag:s4] =	ssyncadd.s32 $0xFFFF8000  }
0x14: {  	[tilespmem:s3], [sflag:$0x2] =	stream.linear.gather [hbm4b:s5+s3], $0x100, $0x38;
	[tilespmem:$0x8100] =	vst v63  }
0x15: {  	_ =	swait.ge [sflag:s4], $0x100  }
0x16: {  	[sflag:s4] =	ssyncset.done $0x0  }
0x17: {  	[sflag:s4] =	ssyncadd.s32 $0xFFFFFF00  }
0x18: {  	[tilespmem:s6], [sflag:$0x1] =	stream.indirect.gather [hbm4b:s1+s6], $0x80, s3, s6, $0xb8;
	[tilespmem:$0x8100] =	vst v63  }
0x19: {  	_ =	swait.ge [sflag:s7], $0x8000  }
.Ltmp1:
0x1a: {  	[sflag:s7] =	ssyncset.done $0x0;
	(pc) =	sbr.rel @p0 .LBB2_1-.Ltmp1, $4  }
0x1b: {  	[sflag:s7] =	ssyncadd.s32 $0xFFFF8000  }
0x1c: {  	[hbm4b:s8+s3] =	stream.linear.scatter [tilespmem:s6], [sflag:$0x2], $0x8000, $0x38;
	[tilespmem:$0x8100] =	vst v63  }
0x1d: {  	_ =	swait.ge [sflag:s4], $0x8000  }
0x1e: {  	[sflag:s4] =	ssyncset.done $0x0  }
.LBB2_2:
0x1f: {  	[sflag:s4] =	ssyncadd.s32 $0xFFFF8000  }
0x20: {  	_ =	sfence.sel $0x180000  }
0x21: {  	[bflag:$0x0] =	sbarrier.arrive $0xFFFF  }
0x22: {  	p0 =	sne.s32 s0, $0x0;
	_ =	strace $0x90000047  }
0x23: {  	s0 =	sadd.s32 @!p0 $0x100000, s2;
	[bflag:$0x2] =	sbarrier.arrive $0xFFFF  }
0x24: {  	[sflag:s0] =	ssyncadd.tile.s32 @!p0 $0x1;
	_ =	shalt  }
.Lfunc_end2:
_tile_overlayer_lowered:
.L_overlay_start_2:
0x25: {  	(tag) =	ssettag $0x2  }
0x26: {  	s0 =	rddreg [dreg:$0x0];
	s2 =	stileid.u32  }
0x27: {  	s1 =	rddreg [dreg:$0x1];
	p0 =	sne.s32 s2, $0x0  }
0x28: {  	s3 =	rddreg [dreg:$0x2];
	[bflag:$0x3] =	sbarrier.arrive $0xFFFF;
	s2 =	simm.s32 @!p0 $0x1C02  }
0x29: {  	[timem:s3], [sflag:s2] =	dma.local @!p0 [hbm:s0], s1  }
0x2a: {  	s0 =	simm.s32 @!p0 $0x2  }
0x2b: {  	_ =	swait.ge @!p0 [sflag:s0], s1  }
0x2c: {  	s1 =	ssub.s32 @!p0 $0x0, s1;
	[sflag:s0] =	ssyncset.done @!p0 $0x0  }
0x2d: {  	[sflag:s0] =	ssyncadd.s32 @!p0 s1  }
0x2e: {  	[bflag:$0x3] =	sbarrier.arrive $0xFFFF  }
0x2f: {  	_ =	shalt  }

</sc_bundles>
